<compile_context>
chip_gen: v7x
topology: tpu7x:2x2x1
jax: 0.10.2.dev20260603
libtpu: 0.0.44.dev20260713+nightly
codegen_flags: <defaults>
</compile_context>

<pallas_src>
import jax
import jax.numpy as jnp
from jax import lax
from jax.experimental import pallas as pl
from jax.experimental.pallas import tpu as pltpu
from jax.experimental.pallas import tpu_sc as plsc

N = 10000
E = 320000
NPAD = 10240
TRASH = N
ROWS_PER_TILE = NPAD // 16
HR = NPAD // 128


def _make_agg(nb, sub, chunk):
    mesh = plsc.VectorSubcoreMesh(core_axis_name="c", subcore_axis_name="s",
                                  num_cores=2, num_subcores=16)

    def body(table, edges, zeros, out, ed_v, rows_v, acc, sem_g, sem_s):
        c = lax.axis_index("c")
        s = lax.axis_index("s")
        r0 = s * ROWS_PER_TILE
        pltpu.sync_copy(zeros.at[pl.ds(r0, ROWS_PER_TILE)],
                        acc.at[pl.ds(r0, ROWS_PER_TILE)])
        plsc.subcore_barrier()

        def _drain_puts():
            for j in range(sub):
                pltpu.make_async_copy(table.at[pl.ds(0, chunk)],
                                      rows_v.at[j], sem_s).wait()

        def step(k, carry):
            b = s * nb + k
            par = lax.rem(k, 2)
            pltpu.sync_copy(edges.at[c, b], ed_v.at[par])

            @pl.when(k > 0)
            def _():
                _drain_puts()

            gets = [pltpu.async_copy(table.at[ed_v.at[par, 0, j]],
                                     rows_v.at[j], sem_g)
                    for j in range(sub)]
            for j in range(sub):
                gets[j].wait()
                pltpu.async_copy(rows_v.at[j], acc.at[ed_v.at[par, 1, j]],
                                 sem_s, add=True)
            return carry

        lax.fori_loop(0, nb, step, 0)
        _drain_puts()
        plsc.subcore_barrier()
        pltpu.sync_copy(acc.at[pl.ds(r0, ROWS_PER_TILE)],
                        out.at[c, pl.ds(r0, ROWS_PER_TILE)])

    return pl.kernel(
        body,
        out_type=jax.ShapeDtypeStruct((2, NPAD, 128), jnp.float32),
        mesh=mesh,
        scratch_types=[
            pltpu.VMEM((2, 2, sub, chunk), jnp.int32),
            pltpu.VMEM((sub, chunk, 128), jnp.float32),
            pltpu.VMEM_SHARED((NPAD, 128), jnp.float32),
            pltpu.SemaphoreType.DMA,
            pltpu.SemaphoreType.DMA,
        ],
        compiler_params=pltpu.CompilerParams(needs_layout_passes=False))


_DEG_ROWS = 80


def _make_deg():
    mesh = plsc.VectorSubcoreMesh(core_axis_name="c", subcore_axis_name="s",
                                  num_cores=2, num_subcores=16)
    nb = _DEG_ROWS // 8

    def body(dsth, zeros, deg_out, dv, hist):
        c = lax.axis_index("c")
        s = lax.axis_index("s")
        pltpu.sync_copy(zeros.at[pl.ds(0, HR)], hist)

        def step(k, carry):
            pltpu.sync_copy(dsth.at[c, pl.ds(s * _DEG_ROWS + k * 8, 8)], dv)
            ones16 = jnp.ones((16,), jnp.float32)
            for j in range(8):
                for i in range(8):
                    v = dv[j, pl.ds(i * 16, 16)]
                    plsc.addupdate_scatter(
                        hist,
                        [lax.shift_right_logical(v, 7),
                         lax.bitwise_and(v, 127)],
                        ones16)
            return carry

        lax.fori_loop(0, nb, step, 0)
        pltpu.sync_copy(hist, deg_out.at[c, s])

    return pl.kernel(
        body,
        out_type=jax.ShapeDtypeStruct((2, 16, HR, 128), jnp.float32),
        mesh=mesh,
        scratch_types=[
            pltpu.VMEM((8, 128), jnp.int32),
            pltpu.VMEM((HR, 128), jnp.float32),
        ],
        compiler_params=pltpu.CompilerParams(needs_layout_passes=False))


R = 1024
GRID = NPAD // R


def _widen(r88):
    parts = [jnp.broadcast_to(r88[r:r + 1, :], (128, 128)).T
             for r in range(8)]
    return jnp.concatenate(parts, axis=0)


def _tc1_body(p_ref, degp_ref, z_ref, w1lt_ref, w1rt_ref, b1_ref,
              h1s_ref, rdeg_ref):
    deg = jnp.sum(degp_ref[...], axis=(0, 1))
    rdeg = 1.0 / jnp.maximum(deg, 1.0)
    agg = (p_ref[0] + p_ref[1]) * _widen(rdeg)
    h1 = jnp.dot(agg, w1lt_ref[...], preferred_element_type=jnp.float32)
    h1 += jnp.dot(z_ref[...], w1rt_ref[...], preferred_element_type=jnp.float32)
    h1 = jnp.maximum(h1 + b1_ref[...], 0.0)
    h1s_ref[0] = h1[:, :128]
    h1s_ref[1] = h1[:, 128:]
    rdeg_ref[...] = rdeg


def _tc2_body(p_ref, rdeg_ref, h1s_ref, w2lat_ref, w2lbt_ref, w2rat_ref,
              w2rbt_ref, b2_ref, w3lt_ref, h2_ref, y3_ref):
    rdeg = _widen(rdeg_ref[...])
    h2 = jnp.dot(p_ref[0] * rdeg, w2lat_ref[...], preferred_element_type=jnp.float32)
    h2 += jnp.dot(p_ref[1] * rdeg, w2lbt_ref[...], preferred_element_type=jnp.float32)
    h2 += jnp.dot(h1s_ref[0], w2rat_ref[...], preferred_element_type=jnp.float32)
    h2 += jnp.dot(h1s_ref[1], w2rbt_ref[...], preferred_element_type=jnp.float32)
    h2 = jnp.maximum(h2 + b2_ref[...], 0.0)
    h2_ref[...] = h2
    y3_ref[...] = jnp.dot(h2, w3lt_ref[...], preferred_element_type=jnp.float32)


def _tc3_body(p_ref, rdeg_ref, h2_ref, w3rt_ref, b3_ref, out_ref):
    agg = (p_ref[0] + p_ref[1]) * _widen(rdeg_ref[...])
    o = agg + jnp.dot(h2_ref[...], w3rt_ref[...], preferred_element_type=jnp.float32)
    out_ref[...] = jnp.maximum(o + b3_ref[...], 0.0)


def _full(shape):
    return pl.BlockSpec(shape, lambda i: (0,) * len(shape))


def _rows(shape):
    nd = len(shape)
    return pl.BlockSpec(shape, lambda i, _nd=nd: (0,) * (_nd - 2) + (i, 0))


_tc1 = pl.pallas_call(
    _tc1_body,
    grid=(GRID,),
    in_specs=[
        _rows((2, R, 128)),
        pl.BlockSpec((2, 16, R // 128, 128), lambda i: (0, 0, i, 0)),
        _rows((R, 128)),
        _full((128, 256)),
        _full((128, 256)),
        _full((1, 256)),
    ],
    out_specs=[
        _rows((2, R, 128)),
        pl.BlockSpec((R // 128, 128), lambda i: (i, 0)),
    ],
    out_shape=[
        jax.ShapeDtypeStruct((2, NPAD, 128), jnp.float32),
        jax.ShapeDtypeStruct((NPAD // 128, 128), jnp.float32),
    ],
)

_tc2 = pl.pallas_call(
    _tc2_body,
    grid=(GRID,),
    in_specs=[
        _rows((2, R, 128)),
        pl.BlockSpec((R // 128, 128), lambda i: (i, 0)),
        _rows((2, R, 128)),
        _full((128, 256)),
        _full((128, 256)),
        _full((128, 256)),
        _full((128, 256)),
        _full((1, 256)),
        _full((256, 128)),
    ],
    out_specs=[
        _rows((R, 256)),
        _rows((R, 128)),
    ],
    out_shape=[
        jax.ShapeDtypeStruct((NPAD, 256), jnp.float32),
        jax.ShapeDtypeStruct((NPAD, 128), jnp.float32),
    ],
)

_tc3 = pl.pallas_call(
    _tc3_body,
    grid=(GRID,),
    in_specs=[
        _rows((2, R, 128)),
        pl.BlockSpec((R // 128, 128), lambda i: (i, 0)),
        _rows((R, 256)),
        _full((256, 128)),
        _full((1, 128)),
    ],
    out_specs=_rows((R, 128)),
    out_shape=jax.ShapeDtypeStruct((NPAD, 128), jnp.float32),
)

_NB_SPLIT = 28
_NB_COL = 56
_agg_split = _make_agg(_NB_SPLIT, 3, 120)
_agg_col = _make_agg(_NB_COL, 3, 120)
_deg_kernel = _make_deg()


def _pad_edges(a, total, fill):
    return jnp.concatenate([a, jnp.full((total - a.shape[0],), fill, jnp.int32)])


def kernel(z, edge_index, W1l, W1r, b1, W2l, W2r, b2, W3l, W3r, b3):
    src = edge_index[0]
    dst = edge_index[1]

    e_half = E // 2

    def _blocks(s_arr, d_arr, nb, sub, chunk):
        tot = 16 * nb * sub * chunk
        s_p = _pad_edges(s_arr, tot, 0)
        d_p = _pad_edges(d_arr, tot, TRASH)
        return jnp.stack([s_p.reshape(-1, sub, chunk),
                          d_p.reshape(-1, sub, chunk)], axis=1)

    ed_split = jnp.stack([_blocks(src[:e_half], dst[:e_half], _NB_SPLIT, 3, 120),
                          _blocks(src[e_half:], dst[e_half:], _NB_SPLIT, 3, 120)])
    ed_col = jnp.stack([_blocks(src, dst, _NB_COL, 3, 120),
                        _blocks(src + NPAD, dst, _NB_COL, 3, 120)])
    dh_tot = 16 * _DEG_ROWS * 128
    dh = jnp.stack([_pad_edges(dst[:e_half], dh_tot, TRASH).reshape(-1, 128),
                    _pad_edges(dst[e_half:], dh_tot, TRASH).reshape(-1, 128)])

    z_pad = jnp.concatenate([z, jnp.zeros((NPAD - N, 128), jnp.float32)])
    zeros128 = jnp.zeros((NPAD, 128), jnp.float32)

    w1lt = W1l.T
    w1rt = W1r.T
    w2lat = W2l[:, :128].T
    w2lbt = W2l[:, 128:].T
    w2rat = W2r[:, :128].T
    w2rbt = W2r[:, 128:].T
    w3lt = W3l.T
    w3rt = W3r.T

    degp = _deg_kernel(dh, zeros128)
    p1 = _agg_split(z_pad, ed_split, zeros128)
    h1s, rdeg = _tc1(p1, degp, z_pad, w1lt, w1rt, b1.reshape(1, 256))

    table2 = h1s.reshape(2 * NPAD, 128)
    p2 = _agg_col(table2, ed_col, zeros128)
    h2, y3 = _tc2(p2, rdeg, h1s, w2lat, w2lbt, w2rat, w2rbt,
                  b2.reshape(1, 256), w3lt)

    p3 = _agg_split(y3, ed_split, zeros128)
    out = _tc3(p3, rdeg, h2, w3rt, b3.reshape(1, 128))
    return out[:N]

# --- scband reference (transcript-rebuilt; emitter-appended) ---
"""Pipeline reference for scband-graph-decoder-56659208568902 (READ-ONLY COPY).

The authoritative reference and input builder live on the scoring server;
editing this copy changes nothing except your own understanding.
"""

import jax, jax.numpy as jnp
import numpy as np

N = 10000
E = 320000
D_IN = 128   # out_channels of autoencoder = input dim of decoder z
D_HID = 256  # hidden_channels * 2
D_OUT = 128  # in_channels (reconstruction dim)


def _init_lin(key, out_dim, in_dim):
    kw, kb = jax.random.split(key)
    scale = 1.0 / np.sqrt(in_dim)
    W = jax.random.uniform(kw, (out_dim, in_dim), dtype=jnp.float32, minval=-scale, maxval=scale)
    b = jax.random.uniform(kb, (out_dim,), dtype=jnp.float32, minval=-scale, maxval=scale)
    return W, b


def setup_inputs(seed: int = 0) -> dict:
    key = jax.random.key(seed)
    ks = jax.random.split(key, 8)
    z = jax.random.normal(ks[0], (N, D_IN), dtype=jnp.float32)
    edge_index = jax.random.randint(ks[1], (2, E), 0, N, dtype=jnp.int32)
    W1l, b1 = _init_lin(ks[2], D_HID, D_IN)
    W1r, _ = _init_lin(ks[3], D_HID, D_IN)
    W2l, b2 = _init_lin(ks[4], D_HID, D_HID)
    W2r, _ = _init_lin(ks[5], D_HID, D_HID)
    W3l, b3 = _init_lin(ks[6], D_OUT, D_HID)
    W3r, _ = _init_lin(ks[7], D_OUT, D_HID)
    return {"z": z, "edge_index": edge_index,
            "W1l": W1l, "W1r": W1r, "b1": b1,
            "W2l": W2l, "W2r": W2r, "b2": b2,
            "W3l": W3l, "W3r": W3r, "b3": b3}


def _sage_conv(x, edge_index, Wl, Wr, b):
    # PyG SAGEConv (mean aggr): out = lin_l(mean_{j->i} x_j) + lin_r(x_i) + bias
    src = edge_index[0]
    dst = edge_index[1]
    msgs = jnp.take(x, src, axis=0)
    agg = jax.ops.segment_sum(msgs, dst, num_segments=N)
    deg = jax.ops.segment_sum(jnp.ones((E,), dtype=x.dtype), dst, num_segments=N)
    agg = agg / jnp.maximum(deg, 1.0)[:, None]
    return agg @ Wl.T + x @ Wr.T + b


def reference(z, edge_index, W1l, W1r, b1, W2l, W2r, b2, W3l, W3r, b3):
    h = jax.nn.relu(_sage_conv(z, edge_index, W1l, W1r, b1))
    h = jax.nn.relu(_sage_conv(h, edge_index, W2l, W2r, b2))
    h = jax.nn.relu(_sage_conv(h, edge_index, W3l, W3r, b3))
    return h

if __name__ == "__main__":
    import jax
    _d = setup_inputs()
    print(jax.jit(kernel)(*tuple(_d.values())))

</pallas_src>

<mosaic_0001>
#map = affine_map<(d0, d1) -> (0, 0, 0)>
#map1 = affine_map<(d0, d1) -> (0, 0)>
#map2 = affine_map<(d0, d1) -> (0, 0, 0, 0)>
module attributes {stable_mosaic.version = 14 : i64} {
  func.func @body(%arg0: i32, %arg1: i32, %arg2: memref<2x1280x128xi32, #tpu.memory_space<hbm>>, %arg3: memref<10240x128xf32, #tpu.memory_space<hbm>>, %arg4: memref<2x16x80x128xf32, #tpu.memory_space<hbm>>, %arg5: memref<8x128xi32, #tpu.memory_space<vmem>>, %arg6: memref<80x128xf32, #tpu.memory_space<vmem>>) attributes {dimension_semantics = [#tpu.dimension_semantics<core_parallel>, #tpu.dimension_semantics<subcore_parallel>], iteration_bounds = array<i64: 2, 16>, scalar_prefetch = 0 : i64, scratch_operands = 2 : i64, tpu.core_type = #tpu.core_type<sc_vector_subcore>, window_params = [{transform_indices = #map}, {transform_indices = #map1}, {transform_indices = #map2}]} {
    "tpu.region"() ({
      %run_scoped3A = tpu.sem_alloc : memref<!tpu.dma_semaphore, #tpu.memory_space<semaphore_mem>>
      %dma_start3A = arith.constant 0 : i32
      %dma_start3A_5 = arith.constant 0 : i32
      %dma_start3A_6 = tpu.memref_slice %arg3[%dma_start3A, %dma_start3A_5] : memref<10240x128xf32, #tpu.memory_space<hbm>> -> memref<80x128xf32, #tpu.memory_space<hbm>>
      %dma_start3A_7 = arith.constant 0 : i32
      %dma_start3A_8 = arith.constant 0 : i32
      %dma_start3A_9 = tpu.memref_slice %arg3[%dma_start3A_7, %dma_start3A_8] : memref<10240x128xf32, #tpu.memory_space<hbm>> -> memref<80x128xf32, #tpu.memory_space<hbm>>
      tpu.enqueue_dma source(%dma_start3A_9 : memref<80x128xf32, #tpu.memory_space<hbm>>) target(%arg6 : memref<80x128xf32, #tpu.memory_space<vmem>>) target_semaphore(%run_scoped3A : memref<!tpu.dma_semaphore, #tpu.memory_space<semaphore_mem>>)
      %dma_wait3A = arith.constant 0 : i32
      %dma_wait3A_10 = arith.constant 0 : i32
      %dma_wait3A_11 = tpu.memref_slice %arg3[%dma_wait3A, %dma_wait3A_10] : memref<10240x128xf32, #tpu.memory_space<hbm>> -> memref<80x128xf32, #tpu.memory_space<hbm>>
      %dma_wait3A_12 = arith.constant 0 : i32
      %dma_wait3A_13 = arith.constant 0 : i32
      %dma_wait3A_14 = tpu.memref_slice %arg3[%dma_wait3A_12, %dma_wait3A_13] : memref<10240x128xf32, #tpu.memory_space<hbm>> -> memref<80x128xf32, #tpu.memory_space<hbm>>
      tpu.wait_dma2 semaphore(%run_scoped3A : memref<!tpu.dma_semaphore, #tpu.memory_space<semaphore_mem>>) src(%dma_wait3A_14 : memref<80x128xf32, #tpu.memory_space<hbm>>) dst(%arg6 : memref<80x128xf32, #tpu.memory_space<vmem>>)
      tpu.yield
    }) : () -> ()
    %scan3A = arith.constant 0 : i32
    %scan3A_0 = arith.constant 0 : i32
    %scan3A_1 = arith.constant 10 : i32
    %scan3A_2 = arith.addi %scan3A_0, %scan3A_1 : i32
    %scan3A_3 = arith.constant 1 : i32
    scf.for %scan3A_5 = %scan3A_0 to %scan3A_2 step %scan3A_3  : i32 {
      %mul3A = arith.constant 80 : i32
      %mul3A_6 = arith.muli %arg1, %mul3A : i32
      %mul3A_7 = arith.constant 8 : i32
      %mul3A_8 = arith.muli %scan3A_5, %mul3A_7 : i32
      %add3A = arith.addi %mul3A_6, %mul3A_8 : i32
      "tpu.region"() ({
        %run_scoped3A = tpu.sem_alloc : memref<!tpu.dma_semaphore, #tpu.memory_space<semaphore_mem>>
        %dma_start3A = arith.constant 0 : i32
        %dma_start3A_647 = tpu.memref_slice %arg2[%arg0, %add3A, %dma_start3A] : memref<2x1280x128xi32, #tpu.memory_space<hbm>> -> memref<1x8x128xi32, #tpu.memory_space<hbm>>
        %dma_start3A_648 = tpu.memref_squeeze %dma_start3A_647 : memref<1x8x128xi32, #tpu.memory_space<hbm>> -> memref<8x128xi32, #tpu.memory_space<hbm>>
        %dma_start3A_649 = arith.constant 0 : i32
        %dma_start3A_650 = tpu.memref_slice %arg2[%arg0, %add3A, %dma_start3A_649] : memref<2x1280x128xi32, #tpu.memory_space<hbm>> -> memref<1x8x128xi32, #tpu.memory_space<hbm>>
        %dma_start3A_651 = tpu.memref_squeeze %dma_start3A_650 : memref<1x8x128xi32, #tpu.memory_space<hbm>> -> memref<8x128xi32, #tpu.memory_space<hbm>>
        tpu.enqueue_dma source(%dma_start3A_651 : memref<8x128xi32, #tpu.memory_space<hbm>>) target(%arg5 : memref<8x128xi32, #tpu.memory_space<vmem>>) target_semaphore(%run_scoped3A : memref<!tpu.dma_semaphore, #tpu.memory_space<semaphore_mem>>)
        %dma_wait3A = arith.constant 0 : i32
        %dma_wait3A_652 = tpu.memref_slice %arg2[%arg0, %add3A, %dma_wait3A] : memref<2x1280x128xi32, #tpu.memory_space<hbm>> -> memref<1x8x128xi32, #tpu.memory_space<hbm>>
        %dma_wait3A_653 = tpu.memref_squeeze %dma_wait3A_652 : memref<1x8x128xi32, #tpu.memory_space<hbm>> -> memref<8x128xi32, #tpu.memory_space<hbm>>
        %dma_wait3A_654 = arith.constant 0 : i32
        %dma_wait3A_655 = tpu.memref_slice %arg2[%arg0, %add3A, %dma_wait3A_654] : memref<2x1280x128xi32, #tpu.memory_space<hbm>> -> memref<1x8x128xi32, #tpu.memory_space<hbm>>
        %dma_wait3A_656 = tpu.memref_squeeze %dma_wait3A_655 : memref<1x8x128xi32, #tpu.memory_space<hbm>> -> memref<8x128xi32, #tpu.memory_space<hbm>>
        tpu.wait_dma2 semaphore(%run_scoped3A : memref<!tpu.dma_semaphore, #tpu.memory_space<semaphore_mem>>) src(%dma_wait3A_656 : memref<8x128xi32, #tpu.memory_space<hbm>>) dst(%arg5 : memref<8x128xi32, #tpu.memory_space<vmem>>)
        tpu.yield
      }) : () -> ()
      %broadcast_in_dim3A = arith.constant 1.000000e+00 : f32
      %broadcast_in_dim3A_9 = vector.broadcast %broadcast_in_dim3A : f32 to vector<16xf32>
      %get3A = arith.constant 0 : i32
      %get3A_10 = arith.index_cast %get3A : i32 to index
      %get3A_11 = arith.constant 0 : index
      %get3A_12 = tpu.vector_load %arg5[%get3A_10, %get3A_11] {strides = array<i32>} : memref<8x128xi32, #tpu.memory_space<vmem>>, vector<16xi32>,
      %shift_right_logical3A = arith.constant 7 : i32
      %shift_right_logical3A_13 = vector.broadcast %shift_right_logical3A : i32 to vector<16xi32>
      %shift_right_logical3A_14 = arith.shrui %get3A_12, %shift_right_logical3A_13 : vector<16xi32>
      %and3A = arith.constant 127 : i32
      %and3A_15 = vector.broadcast %and3A : i32 to vector<16xi32>
      %and3A_16 = arith.andi %get3A_12, %and3A_15 : vector<16xi32>
      tpu.vector_store_idx %arg6[%shift_right_logical3A_14, %and3A_16], %broadcast_in_dim3A_9 {add = true} : memref<80x128xf32, #tpu.memory_space<vmem>>[vector<16xi32>, vector<16xi32>], vector<16xf32>,
      %get3A_17 = arith.constant 0 : i32
      %get3A_18 = arith.index_cast %get3A_17 : i32 to index
      %get3A_19 = arith.constant 16 : index
      %get3A_20 = tpu.vector_load %arg5[%get3A_18, %get3A_19] {strides = array<i32>} : memref<8x128xi32, #tpu.memory_space<vmem>>, vector<16xi32>,
      %shift_right_logical3A_21 = arith.constant 7 : i32
      %shift_right_logical3A_22 = vector.broadcast %shift_right_logical3A_21 : i32 to vector<16xi32>
      %shift_right_logical3A_23 = arith.shrui %get3A_20, %shift_right_logical3A_22 : vector<16xi32>
      %and3A_24 = arith.constant 127 : i32
      %and3A_25 = vector.broadcast %and3A_24 : i32 to vector<16xi32>
      %and3A_26 = arith.andi %get3A_20, %and3A_25 : vector<16xi32>
      tpu.vector_store_idx %arg6[%shift_right_logical3A_23, %and3A_26], %broadcast_in_dim3A_9 {add = true} : memref<80x128xf32, #tpu.memory_space<vmem>>[vector<16xi32>, vector<16xi32>], vector<16xf32>,
      %get3A_27 = arith.constant 0 : i32
      %get3A_28 = arith.index_cast %get3A_27 : i32 to index
      %get3A_29 = arith.constant 32 : index
      %get3A_30 = tpu.vector_load %arg5[%get3A_28, %get3A_29] {strides = array<i32>} : memref<8x128xi32, #tpu.memory_space<vmem>>, vector<16xi32>,
      %shift_right_logical3A_31 = arith.constant 7 : i32
      %shift_right_logical3A_32 = vector.broadcast %shift_right_logical3A_31 : i32 to vector<16xi32>
      %shift_right_logical3A_33 = arith.shrui %get3A_30, %shift_right_logical3A_32 : vector<16xi32>
      %and3A_34 = arith.constant 127 : i32
      %and3A_35 = vector.broadcast %and3A_34 : i32 to vector<16xi32>
      %and3A_36 = arith.andi %get3A_30, %and3A_35 : vector<16xi32>
      tpu.vector_store_idx %arg6[%shift_right_logical3A_33, %and3A_36], %broadcast_in_dim3A_9 {add = true} : memref<80x128xf32, #tpu.memory_space<vmem>>[vector<16xi32>, vector<16xi32>], vector<16xf32>,
      %get3A_37 = arith.constant 0 : i32
      %get3A_38 = arith.index_cast %get3A_37 : i32 to index
      %get3A_39 = arith.constant 48 : index
      %get3A_40 = tpu.vector_load %arg5[%get3A_38, %get3A_39] {strides = array<i32>} : memref<8x128xi32, #tpu.memory_space<vmem>>, vector<16xi32>,
      %shift_right_logical3A_41 = arith.constant 7 : i32
      %shift_right_logical3A_42 = vector.broadcast %shift_right_logical3A_41 : i32 to vector<16xi32>
      %shift_right_logical3A_43 = arith.shrui %get3A_40, %shift_right_logical3A_42 : vector<16xi32>
      %and3A_44 = arith.constant 127 : i32
      %and3A_45 = vector.broadcast %and3A_44 : i32 to vector<16xi32>
      %and3A_46 = arith.andi %get3A_40, %and3A_45 : vector<16xi32>
      tpu.vector_store_idx %arg6[%shift_right_logical3A_43, %and3A_46], %broadcast_in_dim3A_9 {add = true} : memref<80x128xf32, #tpu.memory_space<vmem>>[vector<16xi32>, vector<16xi32>], vector<16xf32>,
      %get3A_47 = arith.constant 0 : i32
      %get3A_48 = arith.index_cast %get3A_47 : i32 to index
      %get3A_49 = arith.constant 64 : index
      %get3A_50 = tpu.vector_load %arg5[%get3A_48, %get3A_49] {strides = array<i32>} : memref<8x128xi32, #tpu.memory_space<vmem>>, vector<16xi32>,
      %shift_right_logical3A_51 = arith.constant 7 : i32
      %shift_right_logical3A_52 = vector.broadcast %shift_right_logical3A_51 : i32 to vector<16xi32>
      %shift_right_logical3A_53 = arith.shrui %get3A_50, %shift_right_logical3A_52 : vector<16xi32>
      %and3A_54 = arith.constant 127 : i32
      %and3A_55 = vector.broadcast %and3A_54 : i32 to vector<16xi32>
      %and3A_56 = arith.andi %get3A_50, %and3A_55 : vector<16xi32>
      tpu.vector_store_idx %arg6[%shift_right_logical3A_53, %and3A_56], %broadcast_in_dim3A_9 {add = true} : memref<80x128xf32, #tpu.memory_space<vmem>>[vector<16xi32>, vector<16xi32>], vector<16xf32>,
      %get3A_57 = arith.constant 0 : i32
      %get3A_58 = arith.index_cast %get3A_57 : i32 to index
      %get3A_59 = arith.constant 80 : index
      %get3A_60 = tpu.vector_load %arg5[%get3A_58, %get3A_59] {strides = array<i32>} : memref<8x128xi32, #tpu.memory_space<vmem>>, vector<16xi32>,
      %shift_right_logical3A_61 = arith.constant 7 : i32
      %shift_right_logical3A_62 = vector.broadcast %shift_right_logical3A_61 : i32 to vector<16xi32>
      %shift_right_logical3A_63 = arith.shrui %get3A_60, %shift_right_logical3A_62 : vector<16xi32>
      %and3A_64 = arith.constant 127 : i32
      %and3A_65 = vector.broadcast %and3A_64 : i32 to vector<16xi32>
      %and3A_66 = arith.andi %get3A_60, %and3A_65 : vector<16xi32>
      tpu.vector_store_idx %arg6[%shift_right_logical3A_63, %and3A_66], %broadcast_in_dim3A_9 {add = true} : memref<80x128xf32, #tpu.memory_space<vmem>>[vector<16xi32>, vector<16xi32>], vector<16xf32>,
      %get3A_67 = arith.constant 0 : i32
      %get3A_68 = arith.index_cast %get3A_67 : i32 to index
      %get3A_69 = arith.constant 96 : index
      %get3A_70 = tpu.vector_load %arg5[%get3A_68, %get3A_69] {strides = array<i32>} : memref<8x128xi32, #tpu.memory_space<vmem>>, vector<16xi32>,
      %shift_right_logical3A_71 = arith.constant 7 : i32
      %shift_right_logical3A_72 = vector.broadcast %shift_right_logical3A_71 : i32 to vector<16xi32>
      %shift_right_logical3A_73 = arith.shrui %get3A_70, %shift_right_logical3A_72 : vector<16xi32>
      %and3A_74 = arith.constant 127 : i32
      %and3A_75 = vector.broadcast %and3A_74 : i32 to vector<16xi32>
      %and3A_76 = arith.andi %get3A_70, %and3A_75 : vector<16xi32>
      tpu.vector_store_idx %arg6[%shift_right_logical3A_73, %and3A_76], %broadcast_in_dim3A_9 {add = true} : memref<80x128xf32, #tpu.memory_space<vmem>>[vector<16xi32>, vector<16xi32>], vector<16xf32>,
      %get3A_77 = arith.constant 0 : i32
      %get3A_78 = arith.index_cast %get3A_77 : i32 to index
      %get3A_79 = arith.constant 112 : index
      %get3A_80 = tpu.vector_load %arg5[%get3A_78, %get3A_79] {strides = array<i32>} : memref<8x128xi32, #tpu.memory_space<vmem>>, vector<16xi32>,
      %shift_right_logical3A_81 = arith.constant 7 : i32
      %shift_right_logical3A_82 = vector.broadcast %shift_right_logical3A_81 : i32 to vector<16xi32>
      %shift_right_logical3A_83 = arith.shrui %get3A_80, %shift_right_logical3A_82 : vector<16xi32>
      %and3A_84 = arith.constant 127 : i32
      %and3A_85 = vector.broadcast %and3A_84 : i32 to vector<16xi32>
      %and3A_86 = arith.andi %get3A_80, %and3A_85 : vector<16xi32>
      tpu.vector_store_idx %arg6[%shift_right_logical3A_83, %and3A_86], %broadcast_in_dim3A_9 {add = true} : memref<80x128xf32, #tpu.memory_space<vmem>>[vector<16xi32>, vector<16xi32>], vector<16xf32>,
      %get3A_87 = arith.constant 1 : i32
      %get3A_88 = arith.index_cast %get3A_87 : i32 to index
      %get3A_89 = arith.constant 0 : index
      %get3A_90 = tpu.vector_load %arg5[%get3A_88, %get3A_89] {strides = array<i32>} : memref<8x128xi32, #tpu.memory_space<vmem>>, vector<16xi32>,
      %shift_right_logical3A_91 = arith.constant 7 : i32
      %shift_right_logical3A_92 = vector.broadcast %shift_right_logical3A_91 : i32 to vector<16xi32>
      %shift_right_logical3A_93 = arith.shrui %get3A_90, %shift_right_logical3A_92 : vector<16xi32>
      %and3A_94 = arith.constant 127 : i32
      %and3A_95 = vector.broadcast %and3A_94 : i32 to vector<16xi32>
      %and3A_96 = arith.andi %get3A_90, %and3A_95 : vector<16xi32>
      tpu.vector_store_idx %arg6[%shift_right_logical3A_93, %and3A_96], %broadcast_in_dim3A_9 {add = true} : memref<80x128xf32, #tpu.memory_space<vmem>>[vector<16xi32>, vector<16xi32>], vector<16xf32>,
      %get3A_97 = arith.constant 1 : i32
      %get3A_98 = arith.index_cast %get3A_97 : i32 to index
      %get3A_99 = arith.constant 16 : index
      %get3A_100 = tpu.vector_load %arg5[%get3A_98, %get3A_99] {strides = array<i32>} : memref<8x128xi32, #tpu.memory_space<vmem>>, vector<16xi32>,
      %shift_right_logical3A_101 = arith.constant 7 : i32
      %shift_right_logical3A_102 = vector.broadcast %shift_right_logical3A_101 : i32 to vector<16xi32>
      %shift_right_logical3A_103 = arith.shrui %get3A_100, %shift_right_logical3A_102 : vector<16xi32>
      %and3A_104 = arith.constant 127 : i32
      %and3A_105 = vector.broadcast %and3A_104 : i32 to vector<16xi32>
      %and3A_106 = arith.andi %get3A_100, %and3A_105 : vector<16xi32>
      tpu.vector_store_idx %arg6[%shift_right_logical3A_103, %and3A_106], %broadcast_in_dim3A_9 {add = true} : memref<80x128xf32, #tpu.memory_space<vmem>>[vector<16xi32>, vector<16xi32>], vector<16xf32>,
      %get3A_107 = arith.constant 1 : i32
      %get3A_108 = arith.index_cast %get3A_107 : i32 to index
      %get3A_109 = arith.constant 32 : index
      %get3A_110 = tpu.vector_load %arg5[%get3A_108, %get3A_109] {strides = array<i32>} : memref<8x128xi32, #tpu.memory_space<vmem>>, vector<16xi32>,
      %shift_right_logical3A_111 = arith.constant 7 : i32
      %shift_right_logical3A_112 = vector.broadcast %shift_right_logical3A_111 : i32 to vector<16xi32>
      %shift_right_logical3A_113 = arith.shrui %get3A_110, %shift_right_logical3A_112 : vector<16xi32>
      %and3A_114 = arith.constant 127 : i32
      %and3A_115 = vector.broadcast %and3A_114 : i32 to vector<16xi32>
      %and3A_116 = arith.andi %get3A_110, %and3A_115 : vector<16xi32>
      tpu.vector_store_idx %arg6[%shift_right_logical3A_113, %and3A_116], %broadcast_in_dim3A_9 {add = true} : memref<80x128xf32, #tpu.memory_space<vmem>>[vector<16xi32>, vector<16xi32>], vector<16xf32>,
      %get3A_117 = arith.constant 1 : i32
      %get3A_118 = arith.index_cast %get3A_117 : i32 to index
      %get3A_119 = arith.constant 48 : index
      %get3A_120 = tpu.vector_load %arg5[%get3A_118, %get3A_119] {strides = array<i32>} : memref<8x128xi32, #tpu.memory_space<vmem>>, vector<16xi32>,
      %shift_right_logical3A_121 = arith.constant 7 : i32
      %shift_right_logical3A_122 = vector.broadcast %shift_right_logical3A_121 : i32 to vector<16xi32>
      %shift_right_logical3A_123 = arith.shrui %get3A_120, %shift_right_logical3A_122 : vector<16xi32>
      %and3A_124 = arith.constant 127 : i32
      %and3A_125 = vector.broadcast %and3A_124 : i32 to vector<16xi32>
      %and3A_126 = arith.andi %get3A_120, %and3A_125 : vector<16xi32>
      tpu.vector_store_idx %arg6[%shift_right_logical3A_123, %and3A_126], %broadcast_in_dim3A_9 {add = true} : memref<80x128xf32, #tpu.memory_space<vmem>>[vector<16xi32>, vector<16xi32>], vector<16xf32>,
      %get3A_127 = arith.constant 1 : i32
      %get3A_128 = arith.index_cast %get3A_127 : i32 to index
      %get3A_129 = arith.constant 64 : index
      %get3A_130 = tpu.vector_load %arg5[%get3A_128, %get3A_129] {strides = array<i32>} : memref<8x128xi32, #tpu.memory_space<vmem>>, vector<16xi32>,
      %shift_right_logical3A_131 = arith.constant 7 : i32
      %shift_right_logical3A_132 = vector.broadcast %shift_right_logical3A_131 : i32 to vector<16xi32>
      %shift_right_logical3A_133 = arith.shrui %get3A_130, %shift_right_logical3A_132 : vector<16xi32>
      %and3A_134 = arith.constant 127 : i32
      %and3A_135 = vector.broadcast %and3A_134 : i32 to vector<16xi32>
      %and3A_136 = arith.andi %get3A_130, %and3A_135 : vector<16xi32>
      tpu.vector_store_idx %arg6[%shift_right_logical3A_133, %and3A_136], %broadcast_in_dim3A_9 {add = true} : memref<80x128xf32, #tpu.memory_space<vmem>>[vector<16xi32>, vector<16xi32>], vector<16xf32>,
      %get3A_137 = arith.constant 1 : i32
      %get3A_138 = arith.index_cast %get3A_137 : i32 to index
      %get3A_139 = arith.constant 80 : index
      %get3A_140 = tpu.vector_load %arg5[%get3A_138, %get3A_139] {strides = array<i32>} : memref<8x128xi32, #tpu.memory_space<vmem>>, vector<16xi32>,
      %shift_right_logical3A_141 = arith.constant 7 : i32
      %shift_right_logical3A_142 = vector.broadcast %shift_right_logical3A_141 : i32 to vector<16xi32>
      %shift_right_logical3A_143 = arith.shrui %get3A_140, %shift_right_logical3A_142 : vector<16xi32>
      %and3A_144 = arith.constant 127 : i32
      %and3A_145 = vector.broadcast %and3A_144 : i32 to vector<16xi32>
      %and3A_146 = arith.andi %get3A_140, %and3A_145 : vector<16xi32>
      tpu.vector_store_idx %arg6[%shift_right_logical3A_143, %and3A_146], %broadcast_in_dim3A_9 {add = true} : memref<80x128xf32, #tpu.memory_space<vmem>>[vector<16xi32>, vector<16xi32>], vector<16xf32>,
      %get3A_147 = arith.constant 1 : i32
      %get3A_148 = arith.index_cast %get3A_147 : i32 to index
      %get3A_149 = arith.constant 96 : index
      %get3A_150 = tpu.vector_load %arg5[%get3A_148, %get3A_149] {strides = array<i32>} : memref<8x128xi32, #tpu.memory_space<vmem>>, vector<16xi32>,
      %shift_right_logical3A_151 = arith.constant 7 : i32
      %shift_right_logical3A_152 = vector.broadcast %shift_right_logical3A_151 : i32 to vector<16xi32>
      %shift_right_logical3A_153 = arith.shrui %get3A_150, %shift_right_logical3A_152 : vector<16xi32>
      %and3A_154 = arith.constant 127 : i32
      %and3A_155 = vector.broadcast %and3A_154 : i32 to vector<16xi32>
      %and3A_156 = arith.andi %get3A_150, %and3A_155 : vector<16xi32>
      tpu.vector_store_idx %arg6[%shift_right_logical3A_153, %and3A_156], %broadcast_in_dim3A_9 {add = true} : memref<80x128xf32, #tpu.memory_space<vmem>>[vector<16xi32>, vector<16xi32>], vector<16xf32>,
      %get3A_157 = arith.constant 1 : i32
      %get3A_158 = arith.index_cast %get3A_157 : i32 to index
      %get3A_159 = arith.constant 112 : index
      %get3A_160 = tpu.vector_load %arg5[%get3A_158, %get3A_159] {strides = array<i32>} : memref<8x128xi32, #tpu.memory_space<vmem>>, vector<16xi32>,
      %shift_right_logical3A_161 = arith.constant 7 : i32
      %shift_right_logical3A_162 = vector.broadcast %shift_right_logical3A_161 : i32 to vector<16xi32>
      %shift_right_logical3A_163 = arith.shrui %get3A_160, %shift_right_logical3A_162 : vector<16xi32>
      %and3A_164 = arith.constant 127 : i32
      %and3A_165 = vector.broadcast %and3A_164 : i32 to vector<16xi32>
      %and3A_166 = arith.andi %get3A_160, %and3A_165 : vector<16xi32>
      tpu.vector_store_idx %arg6[%shift_right_logical3A_163, %and3A_166], %broadcast_in_dim3A_9 {add = true} : memref<80x128xf32, #tpu.memory_space<vmem>>[vector<16xi32>, vector<16xi32>], vector<16xf32>,
      %get3A_167 = arith.constant 2 : i32
      %get3A_168 = arith.index_cast %get3A_167 : i32 to index
      %get3A_169 = arith.constant 0 : index
      %get3A_170 = tpu.vector_load %arg5[%get3A_168, %get3A_169] {strides = array<i32>} : memref<8x128xi32, #tpu.memory_space<vmem>>, vector<16xi32>,
      %shift_right_logical3A_171 = arith.constant 7 : i32
      %shift_right_logical3A_172 = vector.broadcast %shift_right_logical3A_171 : i32 to vector<16xi32>
      %shift_right_logical3A_173 = arith.shrui %get3A_170, %shift_right_logical3A_172 : vector<16xi32>
      %and3A_174 = arith.constant 127 : i32
      %and3A_175 = vector.broadcast %and3A_174 : i32 to vector<16xi32>
      %and3A_176 = arith.andi %get3A_170, %and3A_175 : vector<16xi32>
      tpu.vector_store_idx %arg6[%shift_right_logical3A_173, %and3A_176], %broadcast_in_dim3A_9 {add = true} : memref<80x128xf32, #tpu.memory_space<vmem>>[vector<16xi32>, vector<16xi32>], vector<16xf32>,
      %get3A_177 = arith.constant 2 : i32
      %get3A_178 = arith.index_cast %get3A_177 : i32 to index
      %get3A_179 = arith.constant 16 : index
      %get3A_180 = tpu.vector_load %arg5[%get3A_178, %get3A_179] {strides = array<i32>} : memref<8x128xi32, #tpu.memory_space<vmem>>, vector<16xi32>,
      %shift_right_logical3A_181 = arith.constant 7 : i32
      %shift_right_logical3A_182 = vector.broadcast %shift_right_logical3A_181 : i32 to vector<16xi32>
      %shift_right_logical3A_183 = arith.shrui %get3A_180, %shift_right_logical3A_182 : vector<16xi32>
      %and3A_184 = arith.constant 127 : i32
      %and3A_185 = vector.broadcast %and3A_184 : i32 to vector<16xi32>
      %and3A_186 = arith.andi %get3A_180, %and3A_185 : vector<16xi32>
      tpu.vector_store_idx %arg6[%shift_right_logical3A_183, %and3A_186], %broadcast_in_dim3A_9 {add = true} : memref<80x128xf32, #tpu.memory_space<vmem>>[vector<16xi32>, vector<16xi32>], vector<16xf32>,
      %get3A_187 = arith.constant 2 : i32
      %get3A_188 = arith.index_cast %get3A_187 : i32 to index
      %get3A_189 = arith.constant 32 : index
      %get3A_190 = tpu.vector_load %arg5[%get3A_188, %get3A_189] {strides = array<i32>} : memref<8x128xi32, #tpu.memory_space<vmem>>, vector<16xi32>,
      %shift_right_logical3A_191 = arith.constant 7 : i32
      %shift_right_logical3A_192 = vector.broadcast %shift_right_logical3A_191 : i32 to vector<16xi32>
      %shift_right_logical3A_193 = arith.shrui %get3A_190, %shift_right_logical3A_192 : vector<16xi32>
      %and3A_194 = arith.constant 127 : i32
      %and3A_195 = vector.broadcast %and3A_194 : i32 to vector<16xi32>
      %and3A_196 = arith.andi %get3A_190, %and3A_195 : vector<16xi32>
      tpu.vector_store_idx %arg6[%shift_right_logical3A_193, %and3A_196], %broadcast_in_dim3A_9 {add = true} : memref<80x128xf32, #tpu.memory_space<vmem>>[vector<16xi32>, vector<16xi32>], vector<16xf32>,
      %get3A_197 = arith.constant 2 : i32
      %get3A_198 = arith.index_cast %get3A_197 : i32 to index
      %get3A_199 = arith.constant 48 : index
      %get3A_200 = tpu.vector_load %arg5[%get3A_198, %get3A_199] {strides = array<i32>} : memref<8x128xi32, #tpu.memory_space<vmem>>, vector<16xi32>,
      %shift_right_logical3A_201 = arith.constant 7 : i32
      %shift_right_logical3A_202 = vector.broadcast %shift_right_logical3A_201 : i32 to vector<16xi32>
      %shift_right_logical3A_203 = arith.shrui %get3A_200, %shift_right_logical3A_202 : vector<16xi32>
      %and3A_204 = arith.constant 127 : i32
      %and3A_205 = vector.broadcast %and3A_204 : i32 to vector<16xi32>
      %and3A_206 = arith.andi %get3A_200, %and3A_205 : vector<16xi32>
      tpu.vector_store_idx %arg6[%shift_right_logical3A_203, %and3A_206], %broadcast_in_dim3A_9 {add = true} : memref<80x128xf32, #tpu.memory_space<vmem>>[vector<16xi32>, vector<16xi32>], vector<16xf32>,
      %get3A_207 = arith.constant 2 : i32
      %get3A_208 = arith.index_cast %get3A_207 : i32 to index
      %get3A_209 = arith.constant 64 : index
      %get3A_210 = tpu.vector_load %arg5[%get3A_208, %get3A_209] {strides = array<i32>} : memref<8x128xi32, #tpu.memory_space<vmem>>, vector<16xi32>,
      %shift_right_logical3A_211 = arith.constant 7 : i32
      %shift_right_logical3A_212 = vector.broadcast %shift_right_logical3A_211 : i32 to vector<16xi32>
      %shift_right_logical3A_213 = arith.shrui %get3A_210, %shift_right_logical3A_212 : vector<16xi32>
      %and3A_214 = arith.constant 127 : i32
      %and3A_215 = vector.broadcast %and3A_214 : i32 to vector<16xi32>
      %and3A_216 = arith.andi %get3A_210, %and3A_215 : vector<16xi32>
      tpu.vector_store_idx %arg6[%shift_right_logical3A_213, %and3A_216], %broadcast_in_dim3A_9 {add = true} : memref<80x128xf32, #tpu.memory_space<vmem>>[vector<16xi32>, vector<16xi32>], vector<16xf32>,
      %get3A_217 = arith.constant 2 : i32
      %get3A_218 = arith.index_cast %get3A_217 : i32 to index
      %get3A_219 = arith.constant 80 : index
      %get3A_220 = tpu.vector_load %arg5[%get3A_218, %get3A_219] {strides = array<i32>} : memref<8x128xi32, #tpu.memory_space<vmem>>, vector<16xi32>,
      %shift_right_logical3A_221 = arith.constant 7 : i32
      %shift_right_logical3A_222 = vector.broadcast %shift_right_logical3A_221 : i32 to vector<16xi32>
      %shift_right_logical3A_223 = arith.shrui %get3A_220, %shift_right_logical3A_222 : vector<16xi32>
      %and3A_224 = arith.constant 127 : i32
      %and3A_225 = vector.broadcast %and3A_224 : i32 to vector<16xi32>
      %and3A_226 = arith.andi %get3A_220, %and3A_225 : vector<16xi32>
      tpu.vector_store_idx %arg6[%shift_right_logical3A_223, %and3A_226], %broadcast_in_dim3A_9 {add = true} : memref<80x128xf32, #tpu.memory_space<vmem>>[vector<16xi32>, vector<16xi32>], vector<16xf32>,
      %get3A_227 = arith.constant 2 : i32
      %get3A_228 = arith.index_cast %get3A_227 : i32 to index
      %get3A_229 = arith.constant 96 : index
      %get3A_230 = tpu.vector_load %arg5[%get3A_228, %get3A_229] {strides = array<i32>} : memref<8x128xi32, #tpu.memory_space<vmem>>, vector<16xi32>,
      %shift_right_logical3A_231 = arith.constant 7 : i32
      %shift_right_logical3A_232 = vector.broadcast %shift_right_logical3A_231 : i32 to vector<16xi32>
      %shift_right_logical3A_233 = arith.shrui %get3A_230, %shift_right_logical3A_232 : vector<16xi32>
      %and3A_234 = arith.constant 127 : i32
      %and3A_235 = vector.broadcast %and3A_234 : i32 to vector<16xi32>
      %and3A_236 = arith.andi %get3A_230, %and3A_235 : vector<16xi32>
      tpu.vector_store_idx %arg6[%shift_right_logical3A_233, %and3A_236], %broadcast_in_dim3A_9 {add = true} : memref<80x128xf32, #tpu.memory_space<vmem>>[vector<16xi32>, vector<16xi32>], vector<16xf32>,
      %get3A_237 = arith.constant 2 : i32
      %get3A_238 = arith.index_cast %get3A_237 : i32 to index
      %get3A_239 = arith.constant 112 : index
      %get3A_240 = tpu.vector_load %arg5[%get3A_238, %get3A_239] {strides = array<i32>} : memref<8x128xi32, #tpu.memory_space<vmem>>, vector<16xi32>,
      %shift_right_logical3A_241 = arith.constant 7 : i32
      %shift_right_logical3A_242 = vector.broadcast %shift_right_logical3A_241 : i32 to vector<16xi32>
      %shift_right_logical3A_243 = arith.shrui %get3A_240, %shift_right_logical3A_242 : vector<16xi32>
      %and3A_244 = arith.constant 127 : i32
      %and3A_245 = vector.broadcast %and3A_244 : i32 to vector<16xi32>
      %and3A_246 = arith.andi %get3A_240, %and3A_245 : vector<16xi32>
      tpu.vector_store_idx %arg6[%shift_right_logical3A_243, %and3A_246], %broadcast_in_dim3A_9 {add = true} : memref<80x128xf32, #tpu.memory_space<vmem>>[vector<16xi32>, vector<16xi32>], vector<16xf32>,
      %get3A_247 = arith.constant 3 : i32
      %get3A_248 = arith.index_cast %get3A_247 : i32 to index
      %get3A_249 = arith.constant 0 : index
      %get3A_250 = tpu.vector_load %arg5[%get3A_248, %get3A_249] {strides = array<i32>} : memref<8x128xi32, #tpu.memory_space<vmem>>, vector<16xi32>,
      %shift_right_logical3A_251 = arith.constant 7 : i32
      %shift_right_logical3A_252 = vector.broadcast %shift_right_logical3A_251 : i32 to vector<16xi32>
      %shift_right_logical3A_253 = arith.shrui %get3A_250, %shift_right_logical3A_252 : vector<16xi32>
      %and3A_254 = arith.constant 127 : i32
      %and3A_255 = vector.broadcast %and3A_254 : i32 to vector<16xi32>
      %and3A_256 = arith.andi %get3A_250, %and3A_255 : vector<16xi32>
      tpu.vector_store_idx %arg6[%shift_right_logical3A_253, %and3A_256], %broadcast_in_dim3A_9 {add = true} : memref<80x128xf32, #tpu.memory_space<vmem>>[vector<16xi32>, vector<16xi32>], vector<16xf32>,
      %get3A_257 = arith.constant 3 : i32
      %get3A_258 = arith.index_cast %get3A_257 : i32 to index
      %get3A_259 = arith.constant 16 : index
      %get3A_260 = tpu.vector_load %arg5[%get3A_258, %get3A_259] {strides = array<i32>} : memref<8x128xi32, #tpu.memory_space<vmem>>, vector<16xi32>,
      %shift_right_logical3A_261 = arith.constant 7 : i32
      %shift_right_logical3A_262 = vector.broadcast %shift_right_logical3A_261 : i32 to vector<16xi32>
      %shift_right_logical3A_263 = arith.shrui %get3A_260, %shift_right_logical3A_262 : vector<16xi32>
      %and3A_264 = arith.constant 127 : i32
      %and3A_265 = vector.broadcast %and3A_264 : i32 to vector<16xi32>
      %and3A_266 = arith.andi %get3A_260, %and3A_265 : vector<16xi32>
      tpu.vector_store_idx %arg6[%shift_right_logical3A_263, %and3A_266], %broadcast_in_dim3A_9 {add = true} : memref<80x128xf32, #tpu.memory_space<vmem>>[vector<16xi32>, vector<16xi32>], vector<16xf32>,
      %get3A_267 = arith.constant 3 : i32
      %get3A_268 = arith.index_cast %get3A_267 : i32 to index
      %get3A_269 = arith.constant 32 : index
      %get3A_270 = tpu.vector_load %arg5[%get3A_268, %get3A_269] {strides = array<i32>} : memref<8x128xi32, #tpu.memory_space<vmem>>, vector<16xi32>,
      %shift_right_logical3A_271 = arith.constant 7 : i32
      %shift_right_logical3A_272 = vector.broadcast %shift_right_logical3A_271 : i32 to vector<16xi32>
      %shift_right_logical3A_273 = arith.shrui %get3A_270, %shift_right_logical3A_272 : vector<16xi32>
      %and3A_274 = arith.constant 127 : i32
      %and3A_275 = vector.broadcast %and3A_274 : i32 to vector<16xi32>
      %and3A_276 = arith.andi %get3A_270, %and3A_275 : vector<16xi32>
      tpu.vector_store_idx %arg6[%shift_right_logical3A_273, %and3A_276], %broadcast_in_dim3A_9 {add = true} : memref<80x128xf32, #tpu.memory_space<vmem>>[vector<16xi32>, vector<16xi32>], vector<16xf32>,
      %get3A_277 = arith.constant 3 : i32
      %get3A_278 = arith.index_cast %get3A_277 : i32 to index
      %get3A_279 = arith.constant 48 : index
      %get3A_280 = tpu.vector_load %arg5[%get3A_278, %get3A_279] {strides = array<i32>} : memref<8x128xi32, #tpu.memory_space<vmem>>, vector<16xi32>,
      %shift_right_logical3A_281 = arith.constant 7 : i32
      %shift_right_logical3A_282 = vector.broadcast %shift_right_logical3A_281 : i32 to vector<16xi32>
      %shift_right_logical3A_283 = arith.shrui %get3A_280, %shift_right_logical3A_282 : vector<16xi32>
      %and3A_284 = arith.constant 127 : i32
      %and3A_285 = vector.broadcast %and3A_284 : i32 to vector<16xi32>
      %and3A_286 = arith.andi %get3A_280, %and3A_285 : vector<16xi32>
      tpu.vector_store_idx %arg6[%shift_right_logical3A_283, %and3A_286], %broadcast_in_dim3A_9 {add = true} : memref<80x128xf32, #tpu.memory_space<vmem>>[vector<16xi32>, vector<16xi32>], vector<16xf32>,
      %get3A_287 = arith.constant 3 : i32
      %get3A_288 = arith.index_cast %get3A_287 : i32 to index
      %get3A_289 = arith.constant 64 : index
      %get3A_290 = tpu.vector_load %arg5[%get3A_288, %get3A_289] {strides = array<i32>} : memref<8x128xi32, #tpu.memory_space<vmem>>, vector<16xi32>,
      %shift_right_logical3A_291 = arith.constant 7 : i32
      %shift_right_logical3A_292 = vector.broadcast %shift_right_logical3A_291 : i32 to vector<16xi32>
      %shift_right_logical3A_293 = arith.shrui %get3A_290, %shift_right_logical3A_292 : vector<16xi32>
      %and3A_294 = arith.constant 127 : i32
      %and3A_295 = vector.broadcast %and3A_294 : i32 to vector<16xi32>
      %and3A_296 = arith.andi %get3A_290, %and3A_295 : vector<16xi32>
      tpu.vector_store_idx %arg6[%shift_right_logical3A_293, %and3A_296], %broadcast_in_dim3A_9 {add = true} : memref<80x128xf32, #tpu.memory_space<vmem>>[vector<16xi32>, vector<16xi32>], vector<16xf32>,
      %get3A_297 = arith.constant 3 : i32
      %get3A_298 = arith.index_cast %get3A_297 : i32 to index
      %get3A_299 = arith.constant 80 : index
      %get3A_300 = tpu.vector_load %arg5[%get3A_298, %get3A_299] {strides = array<i32>} : memref<8x128xi32, #tpu.memory_space<vmem>>, vector<16xi32>,
      %shift_right_logical3A_301 = arith.constant 7 : i32
      %shift_right_logical3A_302 = vector.broadcast %shift_right_logical3A_301 : i32 to vector<16xi32>
      %shift_right_logical3A_303 = arith.shrui %get3A_300, %shift_right_logical3A_302 : vector<16xi32>
      %and3A_304 = arith.constant 127 : i32
      %and3A_305 = vector.broadcast %and3A_304 : i32 to vector<16xi32>
      %and3A_306 = arith.andi %get3A_300, %and3A_305 : vector<16xi32>
      tpu.vector_store_idx %arg6[%shift_right_logical3A_303, %and3A_306], %broadcast_in_dim3A_9 {add = true} : memref<80x128xf32, #tpu.memory_space<vmem>>[vector<16xi32>, vector<16xi32>], vector<16xf32>,
      %get3A_307 = arith.constant 3 : i32
      %get3A_308 = arith.index_cast %get3A_307 : i32 to index
      %get3A_309 = arith.constant 96 : index
      %get3A_310 = tpu.vector_load %arg5[%get3A_308, %get3A_309] {strides = array<i32>} : memref<8x128xi32, #tpu.memory_space<vmem>>, vector<16xi32>,
      %shift_right_logical3A_311 = arith.constant 7 : i32
      %shift_right_logical3A_312 = vector.broadcast %shift_right_logical3A_311 : i32 to vector<16xi32>
      %shift_right_logical3A_313 = arith.shrui %get3A_310, %shift_right_logical3A_312 : vector<16xi32>
      %and3A_314 = arith.constant 127 : i32
      %and3A_315 = vector.broadcast %and3A_314 : i32 to vector<16xi32>
      %and3A_316 = arith.andi %get3A_310, %and3A_315 : vector<16xi32>
      tpu.vector_store_idx %arg6[%shift_right_logical3A_313, %and3A_316], %broadcast_in_dim3A_9 {add = true} : memref<80x128xf32, #tpu.memory_space<vmem>>[vector<16xi32>, vector<16xi32>], vector<16xf32>,
      %get3A_317 = arith.constant 3 : i32
      %get3A_318 = arith.index_cast %get3A_317 : i32 to index
      %get3A_319 = arith.constant 112 : index
      %get3A_320 = tpu.vector_load %arg5[%get3A_318, %get3A_319] {strides = array<i32>} : memref<8x128xi32, #tpu.memory_space<vmem>>, vector<16xi32>,
      %shift_right_logical3A_321 = arith.constant 7 : i32
      %shift_right_logical3A_322 = vector.broadcast %shift_right_logical3A_321 : i32 to vector<16xi32>
      %shift_right_logical3A_323 = arith.shrui %get3A_320, %shift_right_logical3A_322 : vector<16xi32>
      %and3A_324 = arith.constant 127 : i32
      %and3A_325 = vector.broadcast %and3A_324 : i32 to vector<16xi32>
      %and3A_326 = arith.andi %get3A_320, %and3A_325 : vector<16xi32>
      tpu.vector_store_idx %arg6[%shift_right_logical3A_323, %and3A_326], %broadcast_in_dim3A_9 {add = true} : memref<80x128xf32, #tpu.memory_space<vmem>>[vector<16xi32>, vector<16xi32>], vector<16xf32>,
      %get3A_327 = arith.constant 4 : i32
      %get3A_328 = arith.index_cast %get3A_327 : i32 to index
      %get3A_329 = arith.constant 0 : index
      %get3A_330 = tpu.vector_load %arg5[%get3A_328, %get3A_329] {strides = array<i32>} : memref<8x128xi32, #tpu.memory_space<vmem>>, vector<16xi32>,
      %shift_right_logical3A_331 = arith.constant 7 : i32
      %shift_right_logical3A_332 = vector.broadcast %shift_right_logical3A_331 : i32 to vector<16xi32>
      %shift_right_logical3A_333 = arith.shrui %get3A_330, %shift_right_logical3A_332 : vector<16xi32>
      %and3A_334 = arith.constant 127 : i32
      %and3A_335 = vector.broadcast %and3A_334 : i32 to vector<16xi32>
      %and3A_336 = arith.andi %get3A_330, %and3A_335 : vector<16xi32>
      tpu.vector_store_idx %arg6[%shift_right_logical3A_333, %and3A_336], %broadcast_in_dim3A_9 {add = true} : memref<80x128xf32, #tpu.memory_space<vmem>>[vector<16xi32>, vector<16xi32>], vector<16xf32>,
      %get3A_337 = arith.constant 4 : i32
      %get3A_338 = arith.index_cast %get3A_337 : i32 to index
      %get3A_339 = arith.constant 16 : index
      %get3A_340 = tpu.vector_load %arg5[%get3A_338, %get3A_339] {strides = array<i32>} : memref<8x128xi32, #tpu.memory_space<vmem>>, vector<16xi32>,
      %shift_right_logical3A_341 = arith.constant 7 : i32
      %shift_right_logical3A_342 = vector.broadcast %shift_right_logical3A_341 : i32 to vector<16xi32>
      %shift_right_logical3A_343 = arith.shrui %get3A_340, %shift_right_logical3A_342 : vector<16xi32>
      %and3A_344 = arith.constant 127 : i32
      %and3A_345 = vector.broadcast %and3A_344 : i32 to vector<16xi32>
      %and3A_346 = arith.andi %get3A_340, %and3A_345 : vector<16xi32>
      tpu.vector_store_idx %arg6[%shift_right_logical3A_343, %and3A_346], %broadcast_in_dim3A_9 {add = true} : memref<80x128xf32, #tpu.memory_space<vmem>>[vector<16xi32>, vector<16xi32>], vector<16xf32>,
      %get3A_347 = arith.constant 4 : i32
      %get3A_348 = arith.index_cast %get3A_347 : i32 to index
      %get3A_349 = arith.constant 32 : index
      %get3A_350 = tpu.vector_load %arg5[%get3A_348, %get3A_349] {strides = array<i32>} : memref<8x128xi32, #tpu.memory_space<vmem>>, vector<16xi32>,
      %shift_right_logical3A_351 = arith.constant 7 : i32
      %shift_right_logical3A_352 = vector.broadcast %shift_right_logical3A_351 : i32 to vector<16xi32>
      %shift_right_logical3A_353 = arith.shrui %get3A_350, %shift_right_logical3A_352 : vector<16xi32>
      %and3A_354 = arith.constant 127 : i32
      %and3A_355 = vector.broadcast %and3A_354 : i32 to vector<16xi32>
      %and3A_356 = arith.andi %get3A_350, %and3A_355 : vector<16xi32>
      tpu.vector_store_idx %arg6[%shift_right_logical3A_353, %and3A_356], %broadcast_in_dim3A_9 {add = true} : memref<80x128xf32, #tpu.memory_space<vmem>>[vector<16xi32>, vector<16xi32>], vector<16xf32>,
      %get3A_357 = arith.constant 4 : i32
      %get3A_358 = arith.index_cast %get3A_357 : i32 to index
      %get3A_359 = arith.constant 48 : index
      %get3A_360 = tpu.vector_load %arg5[%get3A_358, %get3A_359] {strides = array<i32>} : memref<8x128xi32, #tpu.memory_space<vmem>>, vector<16xi32>,
      %shift_right_logical3A_361 = arith.constant 7 : i32
      %shift_right_logical3A_362 = vector.broadcast %shift_right_logical3A_361 : i32 to vector<16xi32>
      %shift_right_logical3A_363 = arith.shrui %get3A_360, %shift_right_logical3A_362 : vector<16xi32>
      %and3A_364 = arith.constant 127 : i32
      %and3A_365 = vector.broadcast %and3A_364 : i32 to vector<16xi32>
      %and3A_366 = arith.andi %get3A_360, %and3A_365 : vector<16xi32>
      tpu.vector_store_idx %arg6[%shift_right_logical3A_363, %and3A_366], %broadcast_in_dim3A_9 {add = true} : memref<80x128xf32, #tpu.memory_space<vmem>>[vector<16xi32>, vector<16xi32>], vector<16xf32>,
      %get3A_367 = arith.constant 4 : i32
      %get3A_368 = arith.index_cast %get3A_367 : i32 to index
      %get3A_369 = arith.constant 64 : index
      %get3A_370 = tpu.vector_load %arg5[%get3A_368, %get3A_369] {strides = array<i32>} : memref<8x128xi32, #tpu.memory_space<vmem>>, vector<16xi32>,
      %shift_right_logical3A_371 = arith.constant 7 : i32
      %shift_right_logical3A_372 = vector.broadcast %shift_right_logical3A_371 : i32 to vector<16xi32>
      %shift_right_logical3A_373 = arith.shrui %get3A_370, %shift_right_logical3A_372 : vector<16xi32>
      %and3A_374 = arith.constant 127 : i32
      %and3A_375 = vector.broadcast %and3A_374 : i32 to vector<16xi32>
      %and3A_376 = arith.andi %get3A_370, %and3A_375 : vector<16xi32>
      tpu.vector_store_idx %arg6[%shift_right_logical3A_373, %and3A_376], %broadcast_in_dim3A_9 {add = true} : memref<80x128xf32, #tpu.memory_space<vmem>>[vector<16xi32>, vector<16xi32>], vector<16xf32>,
      %get3A_377 = arith.constant 4 : i32
      %get3A_378 = arith.index_cast %get3A_377 : i32 to index
      %get3A_379 = arith.constant 80 : index
      %get3A_380 = tpu.vector_load %arg5[%get3A_378, %get3A_379] {strides = array<i32>} : memref<8x128xi32, #tpu.memory_space<vmem>>, vector<16xi32>,
      %shift_right_logical3A_381 = arith.constant 7 : i32
      %shift_right_logical3A_382 = vector.broadcast %shift_right_logical3A_381 : i32 to vector<16xi32>
      %shift_right_logical3A_383 = arith.shrui %get3A_380, %shift_right_logical3A_382 : vector<16xi32>
      %and3A_384 = arith.constant 127 : i32
      %and3A_385 = vector.broadcast %and3A_384 : i32 to vector<16xi32>
      %and3A_386 = arith.andi %get3A_380, %and3A_385 : vector<16xi32>
      tpu.vector_store_idx %arg6[%shift_right_logical3A_383, %and3A_386], %broadcast_in_dim3A_9 {add = true} : memref<80x128xf32, #tpu.memory_space<vmem>>[vector<16xi32>, vector<16xi32>], vector<16xf32>,
      %get3A_387 = arith.constant 4 : i32
      %get3A_388 = arith.index_cast %get3A_387 : i32 to index
      %get3A_389 = arith.constant 96 : index
      %get3A_390 = tpu.vector_load %arg5[%get3A_388, %get3A_389] {strides = array<i32>} : memref<8x128xi32, #tpu.memory_space<vmem>>, vector<16xi32>,
      %shift_right_logical3A_391 = arith.constant 7 : i32
      %shift_right_logical3A_392 = vector.broadcast %shift_right_logical3A_391 : i32 to vector<16xi32>
      %shift_right_logical3A_393 = arith.shrui %get3A_390, %shift_right_logical3A_392 : vector<16xi32>
      %and3A_394 = arith.constant 127 : i32
      %and3A_395 = vector.broadcast %and3A_394 : i32 to vector<16xi32>
      %and3A_396 = arith.andi %get3A_390, %and3A_395 : vector<16xi32>
      tpu.vector_store_idx %arg6[%shift_right_logical3A_393, %and3A_396], %broadcast_in_dim3A_9 {add = true} : memref<80x128xf32, #tpu.memory_space<vmem>>[vector<16xi32>, vector<16xi32>], vector<16xf32>,
      %get3A_397 = arith.constant 4 : i32
      %get3A_398 = arith.index_cast %get3A_397 : i32 to index
      %get3A_399 = arith.constant 112 : index
      %get3A_400 = tpu.vector_load %arg5[%get3A_398, %get3A_399] {strides = array<i32>} : memref<8x128xi32, #tpu.memory_space<vmem>>, vector<16xi32>,
      %shift_right_logical3A_401 = arith.constant 7 : i32
      %shift_right_logical3A_402 = vector.broadcast %shift_right_logical3A_401 : i32 to vector<16xi32>
      %shift_right_logical3A_403 = arith.shrui %get3A_400, %shift_right_logical3A_402 : vector<16xi32>
      %and3A_404 = arith.constant 127 : i32
      %and3A_405 = vector.broadcast %and3A_404 : i32 to vector<16xi32>
      %and3A_406 = arith.andi %get3A_400, %and3A_405 : vector<16xi32>
      tpu.vector_store_idx %arg6[%shift_right_logical3A_403, %and3A_406], %broadcast_in_dim3A_9 {add = true} : memref<80x128xf32, #tpu.memory_space<vmem>>[vector<16xi32>, vector<16xi32>], vector<16xf32>,
      %get3A_407 = arith.constant 5 : i32
      %get3A_408 = arith.index_cast %get3A_407 : i32 to index
      %get3A_409 = arith.constant 0 : index
      %get3A_410 = tpu.vector_load %arg5[%get3A_408, %get3A_409] {strides = array<i32>} : memref<8x128xi32, #tpu.memory_space<vmem>>, vector<16xi32>,
      %shift_right_logical3A_411 = arith.constant 7 : i32
      %shift_right_logical3A_412 = vector.broadcast %shift_right_logical3A_411 : i32 to vector<16xi32>
      %shift_right_logical3A_413 = arith.shrui %get3A_410, %shift_right_logical3A_412 : vector<16xi32>
      %and3A_414 = arith.constant 127 : i32
      %and3A_415 = vector.broadcast %and3A_414 : i32 to vector<16xi32>
      %and3A_416 = arith.andi %get3A_410, %and3A_415 : vector<16xi32>
      tpu.vector_store_idx %arg6[%shift_right_logical3A_413, %and3A_416], %broadcast_in_dim3A_9 {add = true} : memref<80x128xf32, #tpu.memory_space<vmem>>[vector<16xi32>, vector<16xi32>], vector<16xf32>,
      %get3A_417 = arith.constant 5 : i32
      %get3A_418 = arith.index_cast %get3A_417 : i32 to index
      %get3A_419 = arith.constant 16 : index
      %get3A_420 = tpu.vector_load %arg5[%get3A_418, %get3A_419] {strides = array<i32>} : memref<8x128xi32, #tpu.memory_space<vmem>>, vector<16xi32>,
      %shift_right_logical3A_421 = arith.constant 7 : i32
      %shift_right_logical3A_422 = vector.broadcast %shift_right_logical3A_421 : i32 to vector<16xi32>
      %shift_right_logical3A_423 = arith.shrui %get3A_420, %shift_right_logical3A_422 : vector<16xi32>
      %and3A_424 = arith.constant 127 : i32
      %and3A_425 = vector.broadcast %and3A_424 : i32 to vector<16xi32>
      %and3A_426 = arith.andi %get3A_420, %and3A_425 : vector<16xi32>
      tpu.vector_store_idx %arg6[%shift_right_logical3A_423, %and3A_426], %broadcast_in_dim3A_9 {add = true} : memref<80x128xf32, #tpu.memory_space<vmem>>[vector<16xi32>, vector<16xi32>], vector<16xf32>,
      %get3A_427 = arith.constant 5 : i32
      %get3A_428 = arith.index_cast %get3A_427 : i32 to index
      %get3A_429 = arith.constant 32 : index
      %get3A_430 = tpu.vector_load %arg5[%get3A_428, %get3A_429] {strides = array<i32>} : memref<8x128xi32, #tpu.memory_space<vmem>>, vector<16xi32>,
      %shift_right_logical3A_431 = arith.constant 7 : i32
      %shift_right_logical3A_432 = vector.broadcast %shift_right_logical3A_431 : i32 to vector<16xi32>
      %shift_right_logical3A_433 = arith.shrui %get3A_430, %shift_right_logical3A_432 : vector<16xi32>
      %and3A_434 = arith.constant 127 : i32
      %and3A_435 = vector.broadcast %and3A_434 : i32 to vector<16xi32>
      %and3A_436 = arith.andi %get3A_430, %and3A_435 : vector<16xi32>
      tpu.vector_store_idx %arg6[%shift_right_logical3A_433, %and3A_436], %broadcast_in_dim3A_9 {add = true} : memref<80x128xf32, #tpu.memory_space<vmem>>[vector<16xi32>, vector<16xi32>], vector<16xf32>,
      %get3A_437 = arith.constant 5 : i32
      %get3A_438 = arith.index_cast %get3A_437 : i32 to index
      %get3A_439 = arith.constant 48 : index
      %get3A_440 = tpu.vector_load %arg5[%get3A_438, %get3A_439] {strides = array<i32>} : memref<8x128xi32, #tpu.memory_space<vmem>>, vector<16xi32>,
      %shift_right_logical3A_441 = arith.constant 7 : i32
      %shift_right_logical3A_442 = vector.broadcast %shift_right_logical3A_441 : i32 to vector<16xi32>
      %shift_right_logical3A_443 = arith.shrui %get3A_440, %shift_right_logical3A_442 : vector<16xi32>
      %and3A_444 = arith.constant 127 : i32
      %and3A_445 = vector.broadcast %and3A_444 : i32 to vector<16xi32>
      %and3A_446 = arith.andi %get3A_440, %and3A_445 : vector<16xi32>
      tpu.vector_store_idx %arg6[%shift_right_logical3A_443, %and3A_446], %broadcast_in_dim3A_9 {add = true} : memref<80x128xf32, #tpu.memory_space<vmem>>[vector<16xi32>, vector<16xi32>], vector<16xf32>,
      %get3A_447 = arith.constant 5 : i32
      %get3A_448 = arith.index_cast %get3A_447 : i32 to index
      %get3A_449 = arith.constant 64 : index
      %get3A_450 = tpu.vector_load %arg5[%get3A_448, %get3A_449] {strides = array<i32>} : memref<8x128xi32, #tpu.memory_space<vmem>>, vector<16xi32>,
      %shift_right_logical3A_451 = arith.constant 7 : i32
      %shift_right_logical3A_452 = vector.broadcast %shift_right_logical3A_451 : i32 to vector<16xi32>
      %shift_right_logical3A_453 = arith.shrui %get3A_450, %shift_right_logical3A_452 : vector<16xi32>
      %and3A_454 = arith.constant 127 : i32
      %and3A_455 = vector.broadcast %and3A_454 : i32 to vector<16xi32>
      %and3A_456 = arith.andi %get3A_450, %and3A_455 : vector<16xi32>
      tpu.vector_store_idx %arg6[%shift_right_logical3A_453, %and3A_456], %broadcast_in_dim3A_9 {add = true} : memref<80x128xf32, #tpu.memory_space<vmem>>[vector<16xi32>, vector<16xi32>], vector<16xf32>,
      %get3A_457 = arith.constant 5 : i32
      %get3A_458 = arith.index_cast %get3A_457 : i32 to index
      %get3A_459 = arith.constant 80 : index
      %get3A_460 = tpu.vector_load %arg5[%get3A_458, %get3A_459] {strides = array<i32>} : memref<8x128xi32, #tpu.memory_space<vmem>>, vector<16xi32>,
      %shift_right_logical3A_461 = arith.constant 7 : i32
      %shift_right_logical3A_462 = vector.broadcast %shift_right_logical3A_461 : i32 to vector<16xi32>
      %shift_right_logical3A_463 = arith.shrui %get3A_460, %shift_right_logical3A_462 : vector<16xi32>
      %and3A_464 = arith.constant 127 : i32
      %and3A_465 = vector.broadcast %and3A_464 : i32 to vector<16xi32>
      %and3A_466 = arith.andi %get3A_460, %and3A_465 : vector<16xi32>
      tpu.vector_store_idx %arg6[%shift_right_logical3A_463, %and3A_466], %broadcast_in_dim3A_9 {add = true} : memref<80x128xf32, #tpu.memory_space<vmem>>[vector<16xi32>, vector<16xi32>], vector<16xf32>,
      %get3A_467 = arith.constant 5 : i32
      %get3A_468 = arith.index_cast %get3A_467 : i32 to index
      %get3A_469 = arith.constant 96 : index
      %get3A_470 = tpu.vector_load %arg5[%get3A_468, %get3A_469] {strides = array<i32>} : memref<8x128xi32, #tpu.memory_space<vmem>>, vector<16xi32>,
      %shift_right_logical3A_471 = arith.constant 7 : i32
      %shift_right_logical3A_472 = vector.broadcast %shift_right_logical3A_471 : i32 to vector<16xi32>
      %shift_right_logical3A_473 = arith.shrui %get3A_470, %shift_right_logical3A_472 : vector<16xi32>
      %and3A_474 = arith.constant 127 : i32
      %and3A_475 = vector.broadcast %and3A_474 : i32 to vector<16xi32>
      %and3A_476 = arith.andi %get3A_470, %and3A_475 : vector<16xi32>
      tpu.vector_store_idx %arg6[%shift_right_logical3A_473, %and3A_476], %broadcast_in_dim3A_9 {add = true} : memref<80x128xf32, #tpu.memory_space<vmem>>[vector<16xi32>, vector<16xi32>], vector<16xf32>,
      %get3A_477 = arith.constant 5 : i32
      %get3A_478 = arith.index_cast %get3A_477 : i32 to index
      %get3A_479 = arith.constant 112 : index
      %get3A_480 = tpu.vector_load %arg5[%get3A_478, %get3A_479] {strides = array<i32>} : memref<8x128xi32, #tpu.memory_space<vmem>>, vector<16xi32>,
      %shift_right_logical3A_481 = arith.constant 7 : i32
      %shift_right_logical3A_482 = vector.broadcast %shift_right_logical3A_481 : i32 to vector<16xi32>
      %shift_right_logical3A_483 = arith.shrui %get3A_480, %shift_right_logical3A_482 : vector<16xi32>
      %and3A_484 = arith.constant 127 : i32
      %and3A_485 = vector.broadcast %and3A_484 : i32 to vector<16xi32>
      %and3A_486 = arith.andi %get3A_480, %and3A_485 : vector<16xi32>
      tpu.vector_store_idx %arg6[%shift_right_logical3A_483, %and3A_486], %broadcast_in_dim3A_9 {add = true} : memref<80x128xf32, #tpu.memory_space<vmem>>[vector<16xi32>, vector<16xi32>], vector<16xf32>,
      %get3A_487 = arith.constant 6 : i32
      %get3A_488 = arith.index_cast %get3A_487 : i32 to index
      %get3A_489 = arith.constant 0 : index
      %get3A_490 = tpu.vector_load %arg5[%get3A_488, %get3A_489] {strides = array<i32>} : memref<8x128xi32, #tpu.memory_space<vmem>>, vector<16xi32>,
      %shift_right_logical3A_491 = arith.constant 7 : i32
      %shift_right_logical3A_492 = vector.broadcast %shift_right_logical3A_491 : i32 to vector<16xi32>
      %shift_right_logical3A_493 = arith.shrui %get3A_490, %shift_right_logical3A_492 : vector<16xi32>
      %and3A_494 = arith.constant 127 : i32
      %and3A_495 = vector.broadcast %and3A_494 : i32 to vector<16xi32>
      %and3A_496 = arith.andi %get3A_490, %and3A_495 : vector<16xi32>
      tpu.vector_store_idx %arg6[%shift_right_logical3A_493, %and3A_496], %broadcast_in_dim3A_9 {add = true} : memref<80x128xf32, #tpu.memory_space<vmem>>[vector<16xi32>, vector<16xi32>], vector<16xf32>,
      %get3A_497 = arith.constant 6 : i32
      %get3A_498 = arith.index_cast %get3A_497 : i32 to index
      %get3A_499 = arith.constant 16 : index
      %get3A_500 = tpu.vector_load %arg5[%get3A_498, %get3A_499] {strides = array<i32>} : memref<8x128xi32, #tpu.memory_space<vmem>>, vector<16xi32>,
      %shift_right_logical3A_501 = arith.constant 7 : i32
      %shift_right_logical3A_502 = vector.broadcast %shift_right_logical3A_501 : i32 to vector<16xi32>
      %shift_right_logical3A_503 = arith.shrui %get3A_500, %shift_right_logical3A_502 : vector<16xi32>
      %and3A_504 = arith.constant 127 : i32
      %and3A_505 = vector.broadcast %and3A_504 : i32 to vector<16xi32>
      %and3A_506 = arith.andi %get3A_500, %and3A_505 : vector<16xi32>
      tpu.vector_store_idx %arg6[%shift_right_logical3A_503, %and3A_506], %broadcast_in_dim3A_9 {add = true} : memref<80x128xf32, #tpu.memory_space<vmem>>[vector<16xi32>, vector<16xi32>], vector<16xf32>,
      %get3A_507 = arith.constant 6 : i32
      %get3A_508 = arith.index_cast %get3A_507 : i32 to index
      %get3A_509 = arith.constant 32 : index
      %get3A_510 = tpu.vector_load %arg5[%get3A_508, %get3A_509] {strides = array<i32>} : memref<8x128xi32, #tpu.memory_space<vmem>>, vector<16xi32>,
      %shift_right_logical3A_511 = arith.constant 7 : i32
      %shift_right_logical3A_512 = vector.broadcast %shift_right_logical3A_511 : i32 to vector<16xi32>
      %shift_right_logical3A_513 = arith.shrui %get3A_510, %shift_right_logical3A_512 : vector<16xi32>
      %and3A_514 = arith.constant 127 : i32
      %and3A_515 = vector.broadcast %and3A_514 : i32 to vector<16xi32>
      %and3A_516 = arith.andi %get3A_510, %and3A_515 : vector<16xi32>
      tpu.vector_store_idx %arg6[%shift_right_logical3A_513, %and3A_516], %broadcast_in_dim3A_9 {add = true} : memref<80x128xf32, #tpu.memory_space<vmem>>[vector<16xi32>, vector<16xi32>], vector<16xf32>,
      %get3A_517 = arith.constant 6 : i32
      %get3A_518 = arith.index_cast %get3A_517 : i32 to index
      %get3A_519 = arith.constant 48 : index
      %get3A_520 = tpu.vector_load %arg5[%get3A_518, %get3A_519] {strides = array<i32>} : memref<8x128xi32, #tpu.memory_space<vmem>>, vector<16xi32>,
      %shift_right_logical3A_521 = arith.constant 7 : i32
      %shift_right_logical3A_522 = vector.broadcast %shift_right_logical3A_521 : i32 to vector<16xi32>
      %shift_right_logical3A_523 = arith.shrui %get3A_520, %shift_right_logical3A_522 : vector<16xi32>
      %and3A_524 = arith.constant 127 : i32
      %and3A_525 = vector.broadcast %and3A_524 : i32 to vector<16xi32>
      %and3A_526 = arith.andi %get3A_520, %and3A_525 : vector<16xi32>
      tpu.vector_store_idx %arg6[%shift_right_logical3A_523, %and3A_526], %broadcast_in_dim3A_9 {add = true} : memref<80x128xf32, #tpu.memory_space<vmem>>[vector<16xi32>, vector<16xi32>], vector<16xf32>,
      %get3A_527 = arith.constant 6 : i32
      %get3A_528 = arith.index_cast %get3A_527 : i32 to index
      %get3A_529 = arith.constant 64 : index
      %get3A_530 = tpu.vector_load %arg5[%get3A_528, %get3A_529] {strides = array<i32>} : memref<8x128xi32, #tpu.memory_space<vmem>>, vector<16xi32>,
      %shift_right_logical3A_531 = arith.constant 7 : i32
      %shift_right_logical3A_532 = vector.broadcast %shift_right_logical3A_531 : i32 to vector<16xi32>
      %shift_right_logical3A_533 = arith.shrui %get3A_530, %shift_right_logical3A_532 : vector<16xi32>
      %and3A_534 = arith.constant 127 : i32
      %and3A_535 = vector.broadcast %and3A_534 : i32 to vector<16xi32>
      %and3A_536 = arith.andi %get3A_530, %and3A_535 : vector<16xi32>
      tpu.vector_store_idx %arg6[%shift_right_logical3A_533, %and3A_536], %broadcast_in_dim3A_9 {add = true} : memref<80x128xf32, #tpu.memory_space<vmem>>[vector<16xi32>, vector<16xi32>], vector<16xf32>,
      %get3A_537 = arith.constant 6 : i32
      %get3A_538 = arith.index_cast %get3A_537 : i32 to index
      %get3A_539 = arith.constant 80 : index
      %get3A_540 = tpu.vector_load %arg5[%get3A_538, %get3A_539] {strides = array<i32>} : memref<8x128xi32, #tpu.memory_space<vmem>>, vector<16xi32>,
      %shift_right_logical3A_541 = arith.constant 7 : i32
      %shift_right_logical3A_542 = vector.broadcast %shift_right_logical3A_541 : i32 to vector<16xi32>
      %shift_right_logical3A_543 = arith.shrui %get3A_540, %shift_right_logical3A_542 : vector<16xi32>
      %and3A_544 = arith.constant 127 : i32
      %and3A_545 = vector.broadcast %and3A_544 : i32 to vector<16xi32>
      %and3A_546 = arith.andi %get3A_540, %and3A_545 : vector<16xi32>
      tpu.vector_store_idx %arg6[%shift_right_logical3A_543, %and3A_546], %broadcast_in_dim3A_9 {add = true} : memref<80x128xf32, #tpu.memory_space<vmem>>[vector<16xi32>, vector<16xi32>], vector<16xf32>,
      %get3A_547 = arith.constant 6 : i32
      %get3A_548 = arith.index_cast %get3A_547 : i32 to index
      %get3A_549 = arith.constant 96 : index
      %get3A_550 = tpu.vector_load %arg5[%get3A_548, %get3A_549] {strides = array<i32>} : memref<8x128xi32, #tpu.memory_space<vmem>>, vector<16xi32>,
      %shift_right_logical3A_551 = arith.constant 7 : i32
      %shift_right_logical3A_552 = vector.broadcast %shift_right_logical3A_551 : i32 to vector<16xi32>
      %shift_right_logical3A_553 = arith.shrui %get3A_550, %shift_right_logical3A_552 : vector<16xi32>
      %and3A_554 = arith.constant 127 : i32
      %and3A_555 = vector.broadcast %and3A_554 : i32 to vector<16xi32>
      %and3A_556 = arith.andi %get3A_550, %and3A_555 : vector<16xi32>
      tpu.vector_store_idx %arg6[%shift_right_logical3A_553, %and3A_556], %broadcast_in_dim3A_9 {add = true} : memref<80x128xf32, #tpu.memory_space<vmem>>[vector<16xi32>, vector<16xi32>], vector<16xf32>,
      %get3A_557 = arith.constant 6 : i32
      %get3A_558 = arith.index_cast %get3A_557 : i32 to index
      %get3A_559 = arith.constant 112 : index
      %get3A_560 = tpu.vector_load %arg5[%get3A_558, %get3A_559] {strides = array<i32>} : memref<8x128xi32, #tpu.memory_space<vmem>>, vector<16xi32>,
      %shift_right_logical3A_561 = arith.constant 7 : i32
      %shift_right_logical3A_562 = vector.broadcast %shift_right_logical3A_561 : i32 to vector<16xi32>
      %shift_right_logical3A_563 = arith.shrui %get3A_560, %shift_right_logical3A_562 : vector<16xi32>
      %and3A_564 = arith.constant 127 : i32
      %and3A_565 = vector.broadcast %and3A_564 : i32 to vector<16xi32>
      %and3A_566 = arith.andi %get3A_560, %and3A_565 : vector<16xi32>
      tpu.vector_store_idx %arg6[%shift_right_logical3A_563, %and3A_566], %broadcast_in_dim3A_9 {add = true} : memref<80x128xf32, #tpu.memory_space<vmem>>[vector<16xi32>, vector<16xi32>], vector<16xf32>,
      %get3A_567 = arith.constant 7 : i32
      %get3A_568 = arith.index_cast %get3A_567 : i32 to index
      %get3A_569 = arith.constant 0 : index
      %get3A_570 = tpu.vector_load %arg5[%get3A_568, %get3A_569] {strides = array<i32>} : memref<8x128xi32, #tpu.memory_space<vmem>>, vector<16xi32>,
      %shift_right_logical3A_571 = arith.constant 7 : i32
      %shift_right_logical3A_572 = vector.broadcast %shift_right_logical3A_571 : i32 to vector<16xi32>
      %shift_right_logical3A_573 = arith.shrui %get3A_570, %shift_right_logical3A_572 : vector<16xi32>
      %and3A_574 = arith.constant 127 : i32
      %and3A_575 = vector.broadcast %and3A_574 : i32 to vector<16xi32>
      %and3A_576 = arith.andi %get3A_570, %and3A_575 : vector<16xi32>
      tpu.vector_store_idx %arg6[%shift_right_logical3A_573, %and3A_576], %broadcast_in_dim3A_9 {add = true} : memref<80x128xf32, #tpu.memory_space<vmem>>[vector<16xi32>, vector<16xi32>], vector<16xf32>,
      %get3A_577 = arith.constant 7 : i32
      %get3A_578 = arith.index_cast %get3A_577 : i32 to index
      %get3A_579 = arith.constant 16 : index
      %get3A_580 = tpu.vector_load %arg5[%get3A_578, %get3A_579] {strides = array<i32>} : memref<8x128xi32, #tpu.memory_space<vmem>>, vector<16xi32>,
      %shift_right_logical3A_581 = arith.constant 7 : i32
      %shift_right_logical3A_582 = vector.broadcast %shift_right_logical3A_581 : i32 to vector<16xi32>
      %shift_right_logical3A_583 = arith.shrui %get3A_580, %shift_right_logical3A_582 : vector<16xi32>
      %and3A_584 = arith.constant 127 : i32
      %and3A_585 = vector.broadcast %and3A_584 : i32 to vector<16xi32>
      %and3A_586 = arith.andi %get3A_580, %and3A_585 : vector<16xi32>
      tpu.vector_store_idx %arg6[%shift_right_logical3A_583, %and3A_586], %broadcast_in_dim3A_9 {add = true} : memref<80x128xf32, #tpu.memory_space<vmem>>[vector<16xi32>, vector<16xi32>], vector<16xf32>,
      %get3A_587 = arith.constant 7 : i32
      %get3A_588 = arith.index_cast %get3A_587 : i32 to index
      %get3A_589 = arith.constant 32 : index
      %get3A_590 = tpu.vector_load %arg5[%get3A_588, %get3A_589] {strides = array<i32>} : memref<8x128xi32, #tpu.memory_space<vmem>>, vector<16xi32>,
      %shift_right_logical3A_591 = arith.constant 7 : i32
      %shift_right_logical3A_592 = vector.broadcast %shift_right_logical3A_591 : i32 to vector<16xi32>
      %shift_right_logical3A_593 = arith.shrui %get3A_590, %shift_right_logical3A_592 : vector<16xi32>
      %and3A_594 = arith.constant 127 : i32
      %and3A_595 = vector.broadcast %and3A_594 : i32 to vector<16xi32>
      %and3A_596 = arith.andi %get3A_590, %and3A_595 : vector<16xi32>
      tpu.vector_store_idx %arg6[%shift_right_logical3A_593, %and3A_596], %broadcast_in_dim3A_9 {add = true} : memref<80x128xf32, #tpu.memory_space<vmem>>[vector<16xi32>, vector<16xi32>], vector<16xf32>,
      %get3A_597 = arith.constant 7 : i32
      %get3A_598 = arith.index_cast %get3A_597 : i32 to index
      %get3A_599 = arith.constant 48 : index
      %get3A_600 = tpu.vector_load %arg5[%get3A_598, %get3A_599] {strides = array<i32>} : memref<8x128xi32, #tpu.memory_space<vmem>>, vector<16xi32>,
      %shift_right_logical3A_601 = arith.constant 7 : i32
      %shift_right_logical3A_602 = vector.broadcast %shift_right_logical3A_601 : i32 to vector<16xi32>
      %shift_right_logical3A_603 = arith.shrui %get3A_600, %shift_right_logical3A_602 : vector<16xi32>
      %and3A_604 = arith.constant 127 : i32
      %and3A_605 = vector.broadcast %and3A_604 : i32 to vector<16xi32>
      %and3A_606 = arith.andi %get3A_600, %and3A_605 : vector<16xi32>
      tpu.vector_store_idx %arg6[%shift_right_logical3A_603, %and3A_606], %broadcast_in_dim3A_9 {add = true} : memref<80x128xf32, #tpu.memory_space<vmem>>[vector<16xi32>, vector<16xi32>], vector<16xf32>,
      %get3A_607 = arith.constant 7 : i32
      %get3A_608 = arith.index_cast %get3A_607 : i32 to index
      %get3A_609 = arith.constant 64 : index
      %get3A_610 = tpu.vector_load %arg5[%get3A_608, %get3A_609] {strides = array<i32>} : memref<8x128xi32, #tpu.memory_space<vmem>>, vector<16xi32>,
      %shift_right_logical3A_611 = arith.constant 7 : i32
      %shift_right_logical3A_612 = vector.broadcast %shift_right_logical3A_611 : i32 to vector<16xi32>
      %shift_right_logical3A_613 = arith.shrui %get3A_610, %shift_right_logical3A_612 : vector<16xi32>
      %and3A_614 = arith.constant 127 : i32
      %and3A_615 = vector.broadcast %and3A_614 : i32 to vector<16xi32>
      %and3A_616 = arith.andi %get3A_610, %and3A_615 : vector<16xi32>
      tpu.vector_store_idx %arg6[%shift_right_logical3A_613, %and3A_616], %broadcast_in_dim3A_9 {add = true} : memref<80x128xf32, #tpu.memory_space<vmem>>[vector<16xi32>, vector<16xi32>], vector<16xf32>,
      %get3A_617 = arith.constant 7 : i32
      %get3A_618 = arith.index_cast %get3A_617 : i32 to index
      %get3A_619 = arith.constant 80 : index
      %get3A_620 = tpu.vector_load %arg5[%get3A_618, %get3A_619] {strides = array<i32>} : memref<8x128xi32, #tpu.memory_space<vmem>>, vector<16xi32>,
      %shift_right_logical3A_621 = arith.constant 7 : i32
      %shift_right_logical3A_622 = vector.broadcast %shift_right_logical3A_621 : i32 to vector<16xi32>
      %shift_right_logical3A_623 = arith.shrui %get3A_620, %shift_right_logical3A_622 : vector<16xi32>
      %and3A_624 = arith.constant 127 : i32
      %and3A_625 = vector.broadcast %and3A_624 : i32 to vector<16xi32>
      %and3A_626 = arith.andi %get3A_620, %and3A_625 : vector<16xi32>
      tpu.vector_store_idx %arg6[%shift_right_logical3A_623, %and3A_626], %broadcast_in_dim3A_9 {add = true} : memref<80x128xf32, #tpu.memory_space<vmem>>[vector<16xi32>, vector<16xi32>], vector<16xf32>,
      %get3A_627 = arith.constant 7 : i32
      %get3A_628 = arith.index_cast %get3A_627 : i32 to index
      %get3A_629 = arith.constant 96 : index
      %get3A_630 = tpu.vector_load %arg5[%get3A_628, %get3A_629] {strides = array<i32>} : memref<8x128xi32, #tpu.memory_space<vmem>>, vector<16xi32>,
      %shift_right_logical3A_631 = arith.constant 7 : i32
      %shift_right_logical3A_632 = vector.broadcast %shift_right_logical3A_631 : i32 to vector<16xi32>
      %shift_right_logical3A_633 = arith.shrui %get3A_630, %shift_right_logical3A_632 : vector<16xi32>
      %and3A_634 = arith.constant 127 : i32
      %and3A_635 = vector.broadcast %and3A_634 : i32 to vector<16xi32>
      %and3A_636 = arith.andi %get3A_630, %and3A_635 : vector<16xi32>
      tpu.vector_store_idx %arg6[%shift_right_logical3A_633, %and3A_636], %broadcast_in_dim3A_9 {add = true} : memref<80x128xf32, #tpu.memory_space<vmem>>[vector<16xi32>, vector<16xi32>], vector<16xf32>,
      %get3A_637 = arith.constant 7 : i32
      %get3A_638 = arith.index_cast %get3A_637 : i32 to index
      %get3A_639 = arith.constant 112 : index
      %get3A_640 = tpu.vector_load %arg5[%get3A_638, %get3A_639] {strides = array<i32>} : memref<8x128xi32, #tpu.memory_space<vmem>>, vector<16xi32>,
      %shift_right_logical3A_641 = arith.constant 7 : i32
      %shift_right_logical3A_642 = vector.broadcast %shift_right_logical3A_641 : i32 to vector<16xi32>
      %shift_right_logical3A_643 = arith.shrui %get3A_640, %shift_right_logical3A_642 : vector<16xi32>
      %and3A_644 = arith.constant 127 : i32
      %and3A_645 = vector.broadcast %and3A_644 : i32 to vector<16xi32>
      %and3A_646 = arith.andi %get3A_640, %and3A_645 : vector<16xi32>
      tpu.vector_store_idx %arg6[%shift_right_logical3A_643, %and3A_646], %broadcast_in_dim3A_9 {add = true} : memref<80x128xf32, #tpu.memory_space<vmem>>[vector<16xi32>, vector<16xi32>], vector<16xf32>,
    }
    %scan3A_4 = arith.constant 10 : i32
    "tpu.region"() ({
      %run_scoped3A = tpu.sem_alloc : memref<!tpu.dma_semaphore, #tpu.memory_space<semaphore_mem>>
      %dma_start3A = arith.constant 0 : i32
      %dma_start3A_5 = arith.constant 0 : i32
      %dma_start3A_6 = tpu.memref_slice %arg4[%arg0, %arg1, %dma_start3A, %dma_start3A_5] : memref<2x16x80x128xf32, #tpu.memory_space<hbm>> -> memref<1x1x80x128xf32, #tpu.memory_space<hbm>>
      %dma_start3A_7 = tpu.memref_squeeze %dma_start3A_6 : memref<1x1x80x128xf32, #tpu.memory_space<hbm>> -> memref<80x128xf32, #tpu.memory_space<hbm>>
      %dma_start3A_8 = arith.constant 0 : i32
      %dma_start3A_9 = arith.constant 0 : i32
      %dma_start3A_10 = tpu.memref_slice %arg4[%arg0, %arg1, %dma_start3A_8, %dma_start3A_9] : memref<2x16x80x128xf32, #tpu.memory_space<hbm>> -> memref<1x1x80x128xf32, #tpu.memory_space<hbm>>
      %dma_start3A_11 = tpu.memref_squeeze %dma_start3A_10 : memref<1x1x80x128xf32, #tpu.memory_space<hbm>> -> memref<80x128xf32, #tpu.memory_space<hbm>>
      tpu.enqueue_dma source(%arg6 : memref<80x128xf32, #tpu.memory_space<vmem>>) target(%dma_start3A_11 : memref<80x128xf32, #tpu.memory_space<hbm>>) target_semaphore(%run_scoped3A : memref<!tpu.dma_semaphore, #tpu.memory_space<semaphore_mem>>)
      %dma_wait3A = arith.constant 0 : i32
      %dma_wait3A_12 = arith.constant 0 : i32
      %dma_wait3A_13 = tpu.memref_slice %arg4[%arg0, %arg1, %dma_wait3A, %dma_wait3A_12] : memref<2x16x80x128xf32, #tpu.memory_space<hbm>> -> memref<1x1x80x128xf32, #tpu.memory_space<hbm>>
      %dma_wait3A_14 = tpu.memref_squeeze %dma_wait3A_13 : memref<1x1x80x128xf32, #tpu.memory_space<hbm>> -> memref<80x128xf32, #tpu.memory_space<hbm>>
      %dma_wait3A_15 = arith.constant 0 : i32
      %dma_wait3A_16 = arith.constant 0 : i32
      %dma_wait3A_17 = tpu.memref_slice %arg4[%arg0, %arg1, %dma_wait3A_15, %dma_wait3A_16] : memref<2x16x80x128xf32, #tpu.memory_space<hbm>> -> memref<1x1x80x128xf32, #tpu.memory_space<hbm>>
      %dma_wait3A_18 = tpu.memref_squeeze %dma_wait3A_17 : memref<1x1x80x128xf32, #tpu.memory_space<hbm>> -> memref<80x128xf32, #tpu.memory_space<hbm>>
      tpu.wait_dma2 semaphore(%run_scoped3A : memref<!tpu.dma_semaphore, #tpu.memory_space<semaphore_mem>>) src(%arg6 : memref<80x128xf32, #tpu.memory_space<vmem>>) dst(%dma_wait3A_18 : memref<80x128xf32, #tpu.memory_space<hbm>>)
      tpu.yield
    }) : () -> ()
    return
  }
}

#map = affine_map<(d0, d1) -> (0, 0)>
#map1 = affine_map<(d0, d1) -> (0, 0, 0, 0, 0)>
#map2 = affine_map<(d0, d1) -> (0, 0, 0)>
module attributes {stable_mosaic.version = 14 : i64} {
  func.func @body(%arg0: i32, %arg1: i32, %arg2: memref<10240x128xf32, #tpu.memory_space<hbm>>, %arg3: memref<2x448x2x3x120xi32, #tpu.memory_space<hbm>>, %arg4: memref<10240x128xf32, #tpu.memory_space<hbm>>, %arg5: memref<2x10240x128xf32, #tpu.memory_space<hbm>>, %arg6: memref<2x2x3x120xi32, #tpu.memory_space<vmem>>, %arg7: memref<3x120x128xf32, #tpu.memory_space<vmem>>, %arg8: memref<10240x128xf32, #tpu.memory_space<vmem_shared>>, %arg9: memref<!tpu.dma_semaphore, #tpu.memory_space<semaphore_mem>>, %arg10: memref<!tpu.dma_semaphore, #tpu.memory_space<semaphore_mem>>) attributes {dimension_semantics = [#tpu.dimension_semantics<core_parallel>, #tpu.dimension_semantics<subcore_parallel>], iteration_bounds = array<i64: 2, 16>, scalar_prefetch = 0 : i64, scratch_operands = 5 : i64, tpu.core_type = #tpu.core_type<sc_vector_subcore>, window_params = [{transform_indices = #map}, {transform_indices = #map1}, {transform_indices = #map}, {transform_indices = #map2}]} {
    %mul3A = arith.constant 640 : i32
    %mul3A_0 = arith.muli %arg1, %mul3A : i32
    "tpu.region"() ({
      %run_scoped3A = tpu.sem_alloc : memref<!tpu.dma_semaphore, #tpu.memory_space<semaphore_mem>>
      %dma_start3A = arith.constant 0 : i32
      %dma_start3A_51 = tpu.memref_slice %arg8[%mul3A_0, %dma_start3A] : memref<10240x128xf32, #tpu.memory_space<vmem_shared>> -> memref<640x128xf32, #tpu.memory_space<vmem_shared>>
      %dma_start3A_52 = arith.constant 0 : i32
      %dma_start3A_53 = tpu.memref_slice %arg4[%mul3A_0, %dma_start3A_52] : memref<10240x128xf32, #tpu.memory_space<hbm>> -> memref<640x128xf32, #tpu.memory_space<hbm>>
      tpu.enqueue_dma source(%dma_start3A_53 : memref<640x128xf32, #tpu.memory_space<hbm>>) target(%dma_start3A_51 : memref<640x128xf32, #tpu.memory_space<vmem_shared>>) target_semaphore(%run_scoped3A : memref<!tpu.dma_semaphore, #tpu.memory_space<semaphore_mem>>)
      %dma_wait3A_54 = arith.constant 0 : i32
      %dma_wait3A_55 = tpu.memref_slice %arg8[%mul3A_0, %dma_wait3A_54] : memref<10240x128xf32, #tpu.memory_space<vmem_shared>> -> memref<640x128xf32, #tpu.memory_space<vmem_shared>>
      %dma_wait3A_56 = arith.constant 0 : i32
      %dma_wait3A_57 = tpu.memref_slice %arg4[%mul3A_0, %dma_wait3A_56] : memref<10240x128xf32, #tpu.memory_space<hbm>> -> memref<640x128xf32, #tpu.memory_space<hbm>>
      tpu.wait_dma2 semaphore(%run_scoped3A : memref<!tpu.dma_semaphore, #tpu.memory_space<semaphore_mem>>) src(%dma_wait3A_57 : memref<640x128xf32, #tpu.memory_space<hbm>>) dst(%dma_wait3A_55 : memref<640x128xf32, #tpu.memory_space<vmem_shared>>)
      tpu.yield
    }) : () -> ()
    %barrier3A = arith.constant 0 : index
    tpu.barrier barrier_id(%barrier3A)
    %scan3A = arith.constant 0 : i32
    %scan3A_1 = arith.constant 0 : i32
    %scan3A_2 = arith.constant 28 : i32
    %scan3A_3 = arith.addi %scan3A_1, %scan3A_2 : i32
    %scan3A_4 = arith.constant 1 : i32
    scf.for %scan3A_51 = %scan3A_1 to %scan3A_3 step %scan3A_4  : i32 {
      %mul3A_52 = arith.constant 28 : i32
      %mul3A_53 = arith.muli %arg1, %mul3A_52 : i32
      %add3A = arith.addi %mul3A_53, %scan3A_51 : i32
      %rem3A = arith.constant 2 : i32
      %rem3A_54 = arith.remsi %scan3A_51, %rem3A : i32
      "tpu.region"() ({
        %run_scoped3A = tpu.sem_alloc : memref<!tpu.dma_semaphore, #tpu.memory_space<semaphore_mem>>
        %dma_start3A_173 = arith.constant 0 : i32
        %dma_start3A_174 = arith.constant 0 : i32
        %dma_start3A_175 = arith.constant 0 : i32
        %dma_start3A_176 = tpu.memref_slice %arg6[%rem3A_54, %dma_start3A_173, %dma_start3A_174, %dma_start3A_175] : memref<2x2x3x120xi32, #tpu.memory_space<vmem>> -> memref<1x2x3x120xi32, #tpu.memory_space<vmem>>
        %dma_start3A_177 = tpu.memref_squeeze %dma_start3A_176 : memref<1x2x3x120xi32, #tpu.memory_space<vmem>> -> memref<2x3x120xi32, #tpu.memory_space<vmem>>
        %dma_start3A_178 = arith.constant 0 : i32
        %dma_start3A_179 = arith.constant 0 : i32
        %dma_start3A_180 = arith.constant 0 : i32
        %dma_start3A_181 = tpu.memref_slice %arg3[%arg0, %add3A, %dma_start3A_178, %dma_start3A_179, %dma_start3A_180] : memref<2x448x2x3x120xi32, #tpu.memory_space<hbm>> -> memref<1x1x2x3x120xi32, #tpu.memory_space<hbm>>
        %dma_start3A_182 = tpu.memref_squeeze %dma_start3A_181 : memref<1x1x2x3x120xi32, #tpu.memory_space<hbm>> -> memref<2x3x120xi32, #tpu.memory_space<hbm>>
        %dma_start3A_183 = arith.constant 0 : i32
        %dma_start3A_184 = arith.constant 0 : i32
        %dma_start3A_185 = arith.constant 0 : i32
        %dma_start3A_186 = tpu.memref_slice %arg6[%rem3A_54, %dma_start3A_183, %dma_start3A_184, %dma_start3A_185] : memref<2x2x3x120xi32, #tpu.memory_space<vmem>> -> memref<1x2x3x120xi32, #tpu.memory_space<vmem>>
        %dma_start3A_187 = tpu.memref_squeeze %dma_start3A_186 : memref<1x2x3x120xi32, #tpu.memory_space<vmem>> -> memref<2x3x120xi32, #tpu.memory_space<vmem>>
        %dma_start3A_188 = arith.constant 0 : i32
        %dma_start3A_189 = arith.constant 0 : i32
        %dma_start3A_190 = arith.constant 0 : i32
        %dma_start3A_191 = tpu.memref_slice %arg3[%arg0, %add3A, %dma_start3A_188, %dma_start3A_189, %dma_start3A_190] : memref<2x448x2x3x120xi32, #tpu.memory_space<hbm>> -> memref<1x1x2x3x120xi32, #tpu.memory_space<hbm>>
        %dma_start3A_192 = tpu.memref_squeeze %dma_start3A_191 : memref<1x1x2x3x120xi32, #tpu.memory_space<hbm>> -> memref<2x3x120xi32, #tpu.memory_space<hbm>>
        tpu.enqueue_dma source(%dma_start3A_192 : memref<2x3x120xi32, #tpu.memory_space<hbm>>) target(%dma_start3A_187 : memref<2x3x120xi32, #tpu.memory_space<vmem>>) target_semaphore(%run_scoped3A : memref<!tpu.dma_semaphore, #tpu.memory_space<semaphore_mem>>)
        %dma_wait3A_193 = arith.constant 0 : i32
        %dma_wait3A_194 = arith.constant 0 : i32
        %dma_wait3A_195 = arith.constant 0 : i32
        %dma_wait3A_196 = tpu.memref_slice %arg6[%rem3A_54, %dma_wait3A_193, %dma_wait3A_194, %dma_wait3A_195] : memref<2x2x3x120xi32, #tpu.memory_space<vmem>> -> memref<1x2x3x120xi32, #tpu.memory_space<vmem>>
        %dma_wait3A_197 = tpu.memref_squeeze %dma_wait3A_196 : memref<1x2x3x120xi32, #tpu.memory_space<vmem>> -> memref<2x3x120xi32, #tpu.memory_space<vmem>>
        %dma_wait3A_198 = arith.constant 0 : i32
        %dma_wait3A_199 = arith.constant 0 : i32
        %dma_wait3A_200 = arith.constant 0 : i32
        %dma_wait3A_201 = tpu.memref_slice %arg3[%arg0, %add3A, %dma_wait3A_198, %dma_wait3A_199, %dma_wait3A_200] : memref<2x448x2x3x120xi32, #tpu.memory_space<hbm>> -> memref<1x1x2x3x120xi32, #tpu.memory_space<hbm>>
        %dma_wait3A_202 = tpu.memref_squeeze %dma_wait3A_201 : memref<1x1x2x3x120xi32, #tpu.memory_space<hbm>> -> memref<2x3x120xi32, #tpu.memory_space<hbm>>
        %dma_wait3A_203 = arith.constant 0 : i32
        %dma_wait3A_204 = arith.constant 0 : i32
        %dma_wait3A_205 = arith.constant 0 : i32
        %dma_wait3A_206 = tpu.memref_slice %arg6[%rem3A_54, %dma_wait3A_203, %dma_wait3A_204, %dma_wait3A_205] : memref<2x2x3x120xi32, #tpu.memory_space<vmem>> -> memref<1x2x3x120xi32, #tpu.memory_space<vmem>>
        %dma_wait3A_207 = tpu.memref_squeeze %dma_wait3A_206 : memref<1x2x3x120xi32, #tpu.memory_space<vmem>> -> memref<2x3x120xi32, #tpu.memory_space<vmem>>
        %dma_wait3A_208 = arith.constant 0 : i32
        %dma_wait3A_209 = arith.constant 0 : i32
        %dma_wait3A_210 = arith.constant 0 : i32
        %dma_wait3A_211 = tpu.memref_slice %arg3[%arg0, %add3A, %dma_wait3A_208, %dma_wait3A_209, %dma_wait3A_210] : memref<2x448x2x3x120xi32, #tpu.memory_space<hbm>> -> memref<1x1x2x3x120xi32, #tpu.memory_space<hbm>>
        %dma_wait3A_212 = tpu.memref_squeeze %dma_wait3A_211 : memref<1x1x2x3x120xi32, #tpu.memory_space<hbm>> -> memref<2x3x120xi32, #tpu.memory_space<hbm>>
        tpu.wait_dma2 semaphore(%run_scoped3A : memref<!tpu.dma_semaphore, #tpu.memory_space<semaphore_mem>>) src(%dma_wait3A_212 : memref<2x3x120xi32, #tpu.memory_space<hbm>>) dst(%dma_wait3A_207 : memref<2x3x120xi32, #tpu.memory_space<vmem>>)
        tpu.yield
      }) : () -> ()
      %gt3A = arith.constant 0 : i32
      %gt3A_55 = arith.cmpi sgt, %scan3A_51, %gt3A : i32
      %convert_element_type3A = arith.extui %gt3A_55 : i1 to i32
      %cond3A = arith.constant 0 : i32
      %cond3A_56 = arith.cmpi ne, %convert_element_type3A, %cond3A : i32
      scf.if %cond3A_56 {
        %dma_wait3A_173 = arith.constant 0 : i32
        %dma_wait3A_174 = arith.constant 0 : i32
        %dma_wait3A_175 = arith.constant 0 : i32
        %dma_wait3A_176 = tpu.memref_slice %arg7[%dma_wait3A_173, %dma_wait3A_174, %dma_wait3A_175] : memref<3x120x128xf32, #tpu.memory_space<vmem>> -> memref<1x120x128xf32, #tpu.memory_space<vmem>>
        %dma_wait3A_177 = tpu.memref_squeeze %dma_wait3A_176 : memref<1x120x128xf32, #tpu.memory_space<vmem>> -> memref<120x128xf32, #tpu.memory_space<vmem>>
        %dma_wait3A_178 = arith.constant 0 : i32
        %dma_wait3A_179 = arith.constant 0 : i32
        %dma_wait3A_180 = tpu.memref_slice %arg2[%dma_wait3A_178, %dma_wait3A_179] : memref<10240x128xf32, #tpu.memory_space<hbm>> -> memref<120x128xf32, #tpu.memory_space<hbm>>
        %dma_wait3A_181 = arith.constant 0 : i32
        %dma_wait3A_182 = arith.constant 0 : i32
        %dma_wait3A_183 = tpu.memref_slice %arg7[%dma_wait3A_173, %dma_wait3A_181, %dma_wait3A_182] : memref<3x120x128xf32, #tpu.memory_space<vmem>> -> memref<1x120x128xf32, #tpu.memory_space<vmem>>
        %dma_wait3A_184 = tpu.memref_squeeze %dma_wait3A_183 : memref<1x120x128xf32, #tpu.memory_space<vmem>> -> memref<120x128xf32, #tpu.memory_space<vmem>>
        %dma_wait3A_185 = arith.constant 0 : i32
        %dma_wait3A_186 = arith.constant 0 : i32
        %dma_wait3A_187 = tpu.memref_slice %arg2[%dma_wait3A_185, %dma_wait3A_186] : memref<10240x128xf32, #tpu.memory_space<hbm>> -> memref<120x128xf32, #tpu.memory_space<hbm>>
        tpu.wait_dma2 semaphore(%arg10 : memref<!tpu.dma_semaphore, #tpu.memory_space<semaphore_mem>>) src(%dma_wait3A_187 : memref<120x128xf32, #tpu.memory_space<hbm>>) dst(%dma_wait3A_184 : memref<120x128xf32, #tpu.memory_space<vmem>>)
        %dma_wait3A_188 = arith.constant 1 : i32
        %dma_wait3A_189 = arith.constant 0 : i32
        %dma_wait3A_190 = arith.constant 0 : i32
        %dma_wait3A_191 = tpu.memref_slice %arg7[%dma_wait3A_188, %dma_wait3A_189, %dma_wait3A_190] : memref<3x120x128xf32, #tpu.memory_space<vmem>> -> memref<1x120x128xf32, #tpu.memory_space<vmem>>
        %dma_wait3A_192 = tpu.memref_squeeze %dma_wait3A_191 : memref<1x120x128xf32, #tpu.memory_space<vmem>> -> memref<120x128xf32, #tpu.memory_space<vmem>>
        %dma_wait3A_193 = arith.constant 0 : i32
        %dma_wait3A_194 = arith.constant 0 : i32
        %dma_wait3A_195 = tpu.memref_slice %arg2[%dma_wait3A_193, %dma_wait3A_194] : memref<10240x128xf32, #tpu.memory_space<hbm>> -> memref<120x128xf32, #tpu.memory_space<hbm>>
        %dma_wait3A_196 = arith.constant 0 : i32
        %dma_wait3A_197 = arith.constant 0 : i32
        %dma_wait3A_198 = tpu.memref_slice %arg7[%dma_wait3A_188, %dma_wait3A_196, %dma_wait3A_197] : memref<3x120x128xf32, #tpu.memory_space<vmem>> -> memref<1x120x128xf32, #tpu.memory_space<vmem>>
        %dma_wait3A_199 = tpu.memref_squeeze %dma_wait3A_198 : memref<1x120x128xf32, #tpu.memory_space<vmem>> -> memref<120x128xf32, #tpu.memory_space<vmem>>
        %dma_wait3A_200 = arith.constant 0 : i32
        %dma_wait3A_201 = arith.constant 0 : i32
        %dma_wait3A_202 = tpu.memref_slice %arg2[%dma_wait3A_200, %dma_wait3A_201] : memref<10240x128xf32, #tpu.memory_space<hbm>> -> memref<120x128xf32, #tpu.memory_space<hbm>>
        tpu.wait_dma2 semaphore(%arg10 : memref<!tpu.dma_semaphore, #tpu.memory_space<semaphore_mem>>) src(%dma_wait3A_202 : memref<120x128xf32, #tpu.memory_space<hbm>>) dst(%dma_wait3A_199 : memref<120x128xf32, #tpu.memory_space<vmem>>)
        %dma_wait3A_203 = arith.constant 2 : i32
        %dma_wait3A_204 = arith.constant 0 : i32
        %dma_wait3A_205 = arith.constant 0 : i32
        %dma_wait3A_206 = tpu.memref_slice %arg7[%dma_wait3A_203, %dma_wait3A_204, %dma_wait3A_205] : memref<3x120x128xf32, #tpu.memory_space<vmem>> -> memref<1x120x128xf32, #tpu.memory_space<vmem>>
        %dma_wait3A_207 = tpu.memref_squeeze %dma_wait3A_206 : memref<1x120x128xf32, #tpu.memory_space<vmem>> -> memref<120x128xf32, #tpu.memory_space<vmem>>
        %dma_wait3A_208 = arith.constant 0 : i32
        %dma_wait3A_209 = arith.constant 0 : i32
        %dma_wait3A_210 = tpu.memref_slice %arg2[%dma_wait3A_208, %dma_wait3A_209] : memref<10240x128xf32, #tpu.memory_space<hbm>> -> memref<120x128xf32, #tpu.memory_space<hbm>>
        %dma_wait3A_211 = arith.constant 0 : i32
        %dma_wait3A_212 = arith.constant 0 : i32
        %dma_wait3A_213 = tpu.memref_slice %arg7[%dma_wait3A_203, %dma_wait3A_211, %dma_wait3A_212] : memref<3x120x128xf32, #tpu.memory_space<vmem>> -> memref<1x120x128xf32, #tpu.memory_space<vmem>>
        %dma_wait3A_214 = tpu.memref_squeeze %dma_wait3A_213 : memref<1x120x128xf32, #tpu.memory_space<vmem>> -> memref<120x128xf32, #tpu.memory_space<vmem>>
        %dma_wait3A_215 = arith.constant 0 : i32
        %dma_wait3A_216 = arith.constant 0 : i32
        %dma_wait3A_217 = tpu.memref_slice %arg2[%dma_wait3A_215, %dma_wait3A_216] : memref<10240x128xf32, #tpu.memory_space<hbm>> -> memref<120x128xf32, #tpu.memory_space<hbm>>
        tpu.wait_dma2 semaphore(%arg10 : memref<!tpu.dma_semaphore, #tpu.memory_space<semaphore_mem>>) src(%dma_wait3A_217 : memref<120x128xf32, #tpu.memory_space<hbm>>) dst(%dma_wait3A_214 : memref<120x128xf32, #tpu.memory_space<vmem>>)
      } else {
      }
      %dma_start3A = arith.constant 0 : i32
      %dma_start3A_57 = arith.constant 0 : i32
      %dma_start3A_58 = arith.constant 0 : i32
      %dma_start3A_59 = arith.constant 0 : i32
      %dma_start3A_60 = arith.constant 0 : i32
      %dma_start3A_61 = tpu.memref_slice %arg7[%dma_start3A_58, %dma_start3A_59, %dma_start3A_60] : memref<3x120x128xf32, #tpu.memory_space<vmem>> -> memref<1x120x128xf32, #tpu.memory_space<vmem>>
      %dma_start3A_62 = tpu.memref_squeeze %dma_start3A_61 : memref<1x120x128xf32, #tpu.memory_space<vmem>> -> memref<120x128xf32, #tpu.memory_space<vmem>>
      %dma_start3A_63 = arith.constant 0 : i32
      %dma_start3A_64 = tpu.memref_slice %arg6[%rem3A_54, %dma_start3A, %dma_start3A_57, %dma_start3A_63] : memref<2x2x3x120xi32, #tpu.memory_space<vmem>> -> memref<1x1x1x120xi32, #tpu.memory_space<vmem>>
      %dma_start3A_65 = tpu.memref_squeeze %dma_start3A_64 : memref<1x1x1x120xi32, #tpu.memory_space<vmem>> -> memref<120xi32, #tpu.memory_space<vmem>>
      %dma_start3A_66 = arith.constant 0 : i32
      %dma_start3A_67 = arith.constant 0 : i32
      %dma_start3A_68 = tpu.memref_slice %arg2[%dma_start3A_66, %dma_start3A_67] : memref<10240x128xf32, #tpu.memory_space<hbm>> -> memref<10240x128xf32, #tpu.memory_space<hbm>>
      tpu.enqueue_indirect_dma source(%dma_start3A_68 : memref<10240x128xf32, #tpu.memory_space<hbm>>) target(%dma_start3A_62 : memref<120x128xf32, #tpu.memory_space<vmem>>) offsets(%dma_start3A_65 : memref<120xi32, #tpu.memory_space<vmem>>) semaphore(%arg9 : memref<!tpu.dma_semaphore, #tpu.memory_space<semaphore_mem>>)
      %dma_start3A_69 = arith.constant 0 : i32
      %dma_start3A_70 = arith.constant 1 : i32
      %dma_start3A_71 = arith.constant 1 : i32
      %dma_start3A_72 = arith.constant 0 : i32
      %dma_start3A_73 = arith.constant 0 : i32
      %dma_start3A_74 = tpu.memref_slice %arg7[%dma_start3A_71, %dma_start3A_72, %dma_start3A_73] : memref<3x120x128xf32, #tpu.memory_space<vmem>> -> memref<1x120x128xf32, #tpu.memory_space<vmem>>
      %dma_start3A_75 = tpu.memref_squeeze %dma_start3A_74 : memref<1x120x128xf32, #tpu.memory_space<vmem>> -> memref<120x128xf32, #tpu.memory_space<vmem>>
      %dma_start3A_76 = arith.constant 0 : i32
      %dma_start3A_77 = tpu.memref_slice %arg6[%rem3A_54, %dma_start3A_69, %dma_start3A_70, %dma_start3A_76] : memref<2x2x3x120xi32, #tpu.memory_space<vmem>> -> memref<1x1x1x120xi32, #tpu.memory_space<vmem>>
      %dma_start3A_78 = tpu.memref_squeeze %dma_start3A_77 : memref<1x1x1x120xi32, #tpu.memory_space<vmem>> -> memref<120xi32, #tpu.memory_space<vmem>>
      %dma_start3A_79 = arith.constant 0 : i32
      %dma_start3A_80 = arith.constant 0 : i32
      %dma_start3A_81 = tpu.memref_slice %arg2[%dma_start3A_79, %dma_start3A_80] : memref<10240x128xf32, #tpu.memory_space<hbm>> -> memref<10240x128xf32, #tpu.memory_space<hbm>>
      tpu.enqueue_indirect_dma source(%dma_start3A_81 : memref<10240x128xf32, #tpu.memory_space<hbm>>) target(%dma_start3A_75 : memref<120x128xf32, #tpu.memory_space<vmem>>) offsets(%dma_start3A_78 : memref<120xi32, #tpu.memory_space<vmem>>) semaphore(%arg9 : memref<!tpu.dma_semaphore, #tpu.memory_space<semaphore_mem>>)
      %dma_start3A_82 = arith.constant 0 : i32
      %dma_start3A_83 = arith.constant 2 : i32
      %dma_start3A_84 = arith.constant 2 : i32
      %dma_start3A_85 = arith.constant 0 : i32
      %dma_start3A_86 = arith.constant 0 : i32
      %dma_start3A_87 = tpu.memref_slice %arg7[%dma_start3A_84, %dma_start3A_85, %dma_start3A_86] : memref<3x120x128xf32, #tpu.memory_space<vmem>> -> memref<1x120x128xf32, #tpu.memory_space<vmem>>
      %dma_start3A_88 = tpu.memref_squeeze %dma_start3A_87 : memref<1x120x128xf32, #tpu.memory_space<vmem>> -> memref<120x128xf32, #tpu.memory_space<vmem>>
      %dma_start3A_89 = arith.constant 0 : i32
      %dma_start3A_90 = tpu.memref_slice %arg6[%rem3A_54, %dma_start3A_82, %dma_start3A_83, %dma_start3A_89] : memref<2x2x3x120xi32, #tpu.memory_space<vmem>> -> memref<1x1x1x120xi32, #tpu.memory_space<vmem>>
      %dma_start3A_91 = tpu.memref_squeeze %dma_start3A_90 : memref<1x1x1x120xi32, #tpu.memory_space<vmem>> -> memref<120xi32, #tpu.memory_space<vmem>>
      %dma_start3A_92 = arith.constant 0 : i32
      %dma_start3A_93 = arith.constant 0 : i32
      %dma_start3A_94 = tpu.memref_slice %arg2[%dma_start3A_92, %dma_start3A_93] : memref<10240x128xf32, #tpu.memory_space<hbm>> -> memref<10240x128xf32, #tpu.memory_space<hbm>>
      tpu.enqueue_indirect_dma source(%dma_start3A_94 : memref<10240x128xf32, #tpu.memory_space<hbm>>) target(%dma_start3A_88 : memref<120x128xf32, #tpu.memory_space<vmem>>) offsets(%dma_start3A_91 : memref<120xi32, #tpu.memory_space<vmem>>) semaphore(%arg9 : memref<!tpu.dma_semaphore, #tpu.memory_space<semaphore_mem>>)
      %dma_wait3A_95 = arith.constant 0 : i32
      %dma_wait3A_96 = arith.constant 0 : i32
      %dma_wait3A_97 = arith.constant 0 : i32
      %dma_wait3A_98 = arith.constant 0 : i32
      %dma_wait3A_99 = arith.constant 0 : i32
      %dma_wait3A_100 = tpu.memref_slice %arg7[%dma_wait3A_97, %dma_wait3A_98, %dma_wait3A_99] : memref<3x120x128xf32, #tpu.memory_space<vmem>> -> memref<1x120x128xf32, #tpu.memory_space<vmem>>
      %dma_wait3A_101 = tpu.memref_squeeze %dma_wait3A_100 : memref<1x120x128xf32, #tpu.memory_space<vmem>> -> memref<120x128xf32, #tpu.memory_space<vmem>>
      %dma_wait3A_102 = arith.constant 0 : i32
      %dma_wait3A_103 = tpu.memref_slice %arg6[%rem3A_54, %dma_wait3A_95, %dma_wait3A_96, %dma_wait3A_102] : memref<2x2x3x120xi32, #tpu.memory_space<vmem>> -> memref<1x1x1x120xi32, #tpu.memory_space<vmem>>
      %dma_wait3A_104 = tpu.memref_squeeze %dma_wait3A_103 : memref<1x1x1x120xi32, #tpu.memory_space<vmem>> -> memref<120xi32, #tpu.memory_space<vmem>>
      %dma_wait3A_105 = arith.constant 0 : i32
      %dma_wait3A_106 = arith.constant 0 : i32
      %dma_wait3A_107 = tpu.memref_slice %arg2[%dma_wait3A_105, %dma_wait3A_106] : memref<10240x128xf32, #tpu.memory_space<hbm>> -> memref<10240x128xf32, #tpu.memory_space<hbm>>
      tpu.wait_indirect_dma semaphore(%arg9 : memref<!tpu.dma_semaphore, #tpu.memory_space<semaphore_mem>>) src(%dma_wait3A_107 : memref<10240x128xf32, #tpu.memory_space<hbm>>) dst(%dma_wait3A_101 : memref<120x128xf32, #tpu.memory_space<vmem>>)
      %dma_start3A_108 = arith.constant 0 : i32
      %dma_start3A_109 = arith.constant 1 : i32
      %dma_start3A_110 = arith.constant 0 : i32
      %dma_start3A_111 = arith.constant 0 : i32
      %dma_start3A_112 = arith.constant 0 : i32
      %dma_start3A_113 = tpu.memref_slice %arg7[%dma_start3A_108, %dma_start3A_111, %dma_start3A_112] : memref<3x120x128xf32, #tpu.memory_space<vmem>> -> memref<1x120x128xf32, #tpu.memory_space<vmem>>
      %dma_start3A_114 = tpu.memref_squeeze %dma_start3A_113 : memref<1x120x128xf32, #tpu.memory_space<vmem>> -> memref<120x128xf32, #tpu.memory_space<vmem>>
      %dma_start3A_115 = arith.constant 0 : i32
      %dma_start3A_116 = tpu.memref_slice %arg6[%rem3A_54, %dma_start3A_109, %dma_start3A_110, %dma_start3A_115] : memref<2x2x3x120xi32, #tpu.memory_space<vmem>> -> memref<1x1x1x120xi32, #tpu.memory_space<vmem>>
      %dma_start3A_117 = tpu.memref_squeeze %dma_start3A_116 : memref<1x1x1x120xi32, #tpu.memory_space<vmem>> -> memref<120xi32, #tpu.memory_space<vmem>>
      %dma_start3A_118 = arith.constant 0 : i32
      %dma_start3A_119 = arith.constant 0 : i32
      %dma_start3A_120 = tpu.memref_slice %arg8[%dma_start3A_118, %dma_start3A_119] : memref<10240x128xf32, #tpu.memory_space<vmem_shared>> -> memref<10240x128xf32, #tpu.memory_space<vmem_shared>>
      tpu.enqueue_indirect_dma source(%dma_start3A_114 : memref<120x128xf32, #tpu.memory_space<vmem>>) target(%dma_start3A_120 : memref<10240x128xf32, #tpu.memory_space<vmem_shared>>) offsets(%dma_start3A_117 : memref<120xi32, #tpu.memory_space<vmem>>) semaphore(%arg10 : memref<!tpu.dma_semaphore, #tpu.memory_space<semaphore_mem>>) {add = true}
      %dma_wait3A_121 = arith.constant 0 : i32
      %dma_wait3A_122 = arith.constant 1 : i32
      %dma_wait3A_123 = arith.constant 1 : i32
      %dma_wait3A_124 = arith.constant 0 : i32
      %dma_wait3A_125 = arith.constant 0 : i32
      %dma_wait3A_126 = tpu.memref_slice %arg7[%dma_wait3A_123, %dma_wait3A_124, %dma_wait3A_125] : memref<3x120x128xf32, #tpu.memory_space<vmem>> -> memref<1x120x128xf32, #tpu.memory_space<vmem>>
      %dma_wait3A_127 = tpu.memref_squeeze %dma_wait3A_126 : memref<1x120x128xf32, #tpu.memory_space<vmem>> -> memref<120x128xf32, #tpu.memory_space<vmem>>
      %dma_wait3A_128 = arith.constant 0 : i32
      %dma_wait3A_129 = tpu.memref_slice %arg6[%rem3A_54, %dma_wait3A_121, %dma_wait3A_122, %dma_wait3A_128] : memref<2x2x3x120xi32, #tpu.memory_space<vmem>> -> memref<1x1x1x120xi32, #tpu.memory_space<vmem>>
      %dma_wait3A_130 = tpu.memref_squeeze %dma_wait3A_129 : memref<1x1x1x120xi32, #tpu.memory_space<vmem>> -> memref<120xi32, #tpu.memory_space<vmem>>
      %dma_wait3A_131 = arith.constant 0 : i32
      %dma_wait3A_132 = arith.constant 0 : i32
      %dma_wait3A_133 = tpu.memref_slice %arg2[%dma_wait3A_131, %dma_wait3A_132] : memref<10240x128xf32, #tpu.memory_space<hbm>> -> memref<10240x128xf32, #tpu.memory_space<hbm>>
      tpu.wait_indirect_dma semaphore(%arg9 : memref<!tpu.dma_semaphore, #tpu.memory_space<semaphore_mem>>) src(%dma_wait3A_133 : memref<10240x128xf32, #tpu.memory_space<hbm>>) dst(%dma_wait3A_127 : memref<120x128xf32, #tpu.memory_space<vmem>>)
      %dma_start3A_134 = arith.constant 1 : i32
      %dma_start3A_135 = arith.constant 1 : i32
      %dma_start3A_136 = arith.constant 1 : i32
      %dma_start3A_137 = arith.constant 0 : i32
      %dma_start3A_138 = arith.constant 0 : i32
      %dma_start3A_139 = tpu.memref_slice %arg7[%dma_start3A_134, %dma_start3A_137, %dma_start3A_138] : memref<3x120x128xf32, #tpu.memory_space<vmem>> -> memref<1x120x128xf32, #tpu.memory_space<vmem>>
      %dma_start3A_140 = tpu.memref_squeeze %dma_start3A_139 : memref<1x120x128xf32, #tpu.memory_space<vmem>> -> memref<120x128xf32, #tpu.memory_space<vmem>>
      %dma_start3A_141 = arith.constant 0 : i32
      %dma_start3A_142 = tpu.memref_slice %arg6[%rem3A_54, %dma_start3A_135, %dma_start3A_136, %dma_start3A_141] : memref<2x2x3x120xi32, #tpu.memory_space<vmem>> -> memref<1x1x1x120xi32, #tpu.memory_space<vmem>>
      %dma_start3A_143 = tpu.memref_squeeze %dma_start3A_142 : memref<1x1x1x120xi32, #tpu.memory_space<vmem>> -> memref<120xi32, #tpu.memory_space<vmem>>
      %dma_start3A_144 = arith.constant 0 : i32
      %dma_start3A_145 = arith.constant 0 : i32
      %dma_start3A_146 = tpu.memref_slice %arg8[%dma_start3A_144, %dma_start3A_145] : memref<10240x128xf32, #tpu.memory_space<vmem_shared>> -> memref<10240x128xf32, #tpu.memory_space<vmem_shared>>
      tpu.enqueue_indirect_dma source(%dma_start3A_140 : memref<120x128xf32, #tpu.memory_space<vmem>>) target(%dma_start3A_146 : memref<10240x128xf32, #tpu.memory_space<vmem_shared>>) offsets(%dma_start3A_143 : memref<120xi32, #tpu.memory_space<vmem>>) semaphore(%arg10 : memref<!tpu.dma_semaphore, #tpu.memory_space<semaphore_mem>>) {add = true}
      %dma_wait3A_147 = arith.constant 0 : i32
      %dma_wait3A_148 = arith.constant 2 : i32
      %dma_wait3A_149 = arith.constant 2 : i32
      %dma_wait3A_150 = arith.constant 0 : i32
      %dma_wait3A_151 = arith.constant 0 : i32
      %dma_wait3A_152 = tpu.memref_slice %arg7[%dma_wait3A_149, %dma_wait3A_150, %dma_wait3A_151] : memref<3x120x128xf32, #tpu.memory_space<vmem>> -> memref<1x120x128xf32, #tpu.memory_space<vmem>>
      %dma_wait3A_153 = tpu.memref_squeeze %dma_wait3A_152 : memref<1x120x128xf32, #tpu.memory_space<vmem>> -> memref<120x128xf32, #tpu.memory_space<vmem>>
      %dma_wait3A_154 = arith.constant 0 : i32
      %dma_wait3A_155 = tpu.memref_slice %arg6[%rem3A_54, %dma_wait3A_147, %dma_wait3A_148, %dma_wait3A_154] : memref<2x2x3x120xi32, #tpu.memory_space<vmem>> -> memref<1x1x1x120xi32, #tpu.memory_space<vmem>>
      %dma_wait3A_156 = tpu.memref_squeeze %dma_wait3A_155 : memref<1x1x1x120xi32, #tpu.memory_space<vmem>> -> memref<120xi32, #tpu.memory_space<vmem>>
      %dma_wait3A_157 = arith.constant 0 : i32
      %dma_wait3A_158 = arith.constant 0 : i32
      %dma_wait3A_159 = tpu.memref_slice %arg2[%dma_wait3A_157, %dma_wait3A_158] : memref<10240x128xf32, #tpu.memory_space<hbm>> -> memref<10240x128xf32, #tpu.memory_space<hbm>>
      tpu.wait_indirect_dma semaphore(%arg9 : memref<!tpu.dma_semaphore, #tpu.memory_space<semaphore_mem>>) src(%dma_wait3A_159 : memref<10240x128xf32, #tpu.memory_space<hbm>>) dst(%dma_wait3A_153 : memref<120x128xf32, #tpu.memory_space<vmem>>)
      %dma_start3A_160 = arith.constant 2 : i32
      %dma_start3A_161 = arith.constant 1 : i32
      %dma_start3A_162 = arith.constant 2 : i32
      %dma_start3A_163 = arith.constant 0 : i32
      %dma_start3A_164 = arith.constant 0 : i32
      %dma_start3A_165 = tpu.memref_slice %arg7[%dma_start3A_160, %dma_start3A_163, %dma_start3A_164] : memref<3x120x128xf32, #tpu.memory_space<vmem>> -> memref<1x120x128xf32, #tpu.memory_space<vmem>>
      %dma_start3A_166 = tpu.memref_squeeze %dma_start3A_165 : memref<1x120x128xf32, #tpu.memory_space<vmem>> -> memref<120x128xf32, #tpu.memory_space<vmem>>
      %dma_start3A_167 = arith.constant 0 : i32
      %dma_start3A_168 = tpu.memref_slice %arg6[%rem3A_54, %dma_start3A_161, %dma_start3A_162, %dma_start3A_167] : memref<2x2x3x120xi32, #tpu.memory_space<vmem>> -> memref<1x1x1x120xi32, #tpu.memory_space<vmem>>
      %dma_start3A_169 = tpu.memref_squeeze %dma_start3A_168 : memref<1x1x1x120xi32, #tpu.memory_space<vmem>> -> memref<120xi32, #tpu.memory_space<vmem>>
      %dma_start3A_170 = arith.constant 0 : i32
      %dma_start3A_171 = arith.constant 0 : i32
      %dma_start3A_172 = tpu.memref_slice %arg8[%dma_start3A_170, %dma_start3A_171] : memref<10240x128xf32, #tpu.memory_space<vmem_shared>> -> memref<10240x128xf32, #tpu.memory_space<vmem_shared>>
      tpu.enqueue_indirect_dma source(%dma_start3A_166 : memref<120x128xf32, #tpu.memory_space<vmem>>) target(%dma_start3A_172 : memref<10240x128xf32, #tpu.memory_space<vmem_shared>>) offsets(%dma_start3A_169 : memref<120xi32, #tpu.memory_space<vmem>>) semaphore(%arg10 : memref<!tpu.dma_semaphore, #tpu.memory_space<semaphore_mem>>) {add = true}
    }
    %scan3A_5 = arith.constant 28 : i32
    %dma_wait3A = arith.constant 0 : i32
    %dma_wait3A_6 = arith.constant 0 : i32
    %dma_wait3A_7 = arith.constant 0 : i32
    %dma_wait3A_8 = tpu.memref_slice %arg7[%dma_wait3A, %dma_wait3A_6, %dma_wait3A_7] : memref<3x120x128xf32, #tpu.memory_space<vmem>> -> memref<1x120x128xf32, #tpu.memory_space<vmem>>
    %dma_wait3A_9 = tpu.memref_squeeze %dma_wait3A_8 : memref<1x120x128xf32, #tpu.memory_space<vmem>> -> memref<120x128xf32, #tpu.memory_space<vmem>>
    %dma_wait3A_10 = arith.constant 0 : i32
    %dma_wait3A_11 = arith.constant 0 : i32
    %dma_wait3A_12 = tpu.memref_slice %arg2[%dma_wait3A_10, %dma_wait3A_11] : memref<10240x128xf32, #tpu.memory_space<hbm>> -> memref<120x128xf32, #tpu.memory_space<hbm>>
    %dma_wait3A_13 = arith.constant 0 : i32
    %dma_wait3A_14 = arith.constant 0 : i32
    %dma_wait3A_15 = tpu.memref_slice %arg7[%dma_wait3A, %dma_wait3A_13, %dma_wait3A_14] : memref<3x120x128xf32, #tpu.memory_space<vmem>> -> memref<1x120x128xf32, #tpu.memory_space<vmem>>
    %dma_wait3A_16 = tpu.memref_squeeze %dma_wait3A_15 : memref<1x120x128xf32, #tpu.memory_space<vmem>> -> memref<120x128xf32, #tpu.memory_space<vmem>>
    %dma_wait3A_17 = arith.constant 0 : i32
    %dma_wait3A_18 = arith.constant 0 : i32
    %dma_wait3A_19 = tpu.memref_slice %arg2[%dma_wait3A_17, %dma_wait3A_18] : memref<10240x128xf32, #tpu.memory_space<hbm>> -> memref<120x128xf32, #tpu.memory_space<hbm>>
    tpu.wait_dma2 semaphore(%arg10 : memref<!tpu.dma_semaphore, #tpu.memory_space<semaphore_mem>>) src(%dma_wait3A_19 : memref<120x128xf32, #tpu.memory_space<hbm>>) dst(%dma_wait3A_16 : memref<120x128xf32, #tpu.memory_space<vmem>>)
    %dma_wait3A_20 = arith.constant 1 : i32
    %dma_wait3A_21 = arith.constant 0 : i32
    %dma_wait3A_22 = arith.constant 0 : i32
    %dma_wait3A_23 = tpu.memref_slice %arg7[%dma_wait3A_20, %dma_wait3A_21, %dma_wait3A_22] : memref<3x120x128xf32, #tpu.memory_space<vmem>> -> memref<1x120x128xf32, #tpu.memory_space<vmem>>
    %dma_wait3A_24 = tpu.memref_squeeze %dma_wait3A_23 : memref<1x120x128xf32, #tpu.memory_space<vmem>> -> memref<120x128xf32, #tpu.memory_space<vmem>>
    %dma_wait3A_25 = arith.constant 0 : i32
    %dma_wait3A_26 = arith.constant 0 : i32
    %dma_wait3A_27 = tpu.memref_slice %arg2[%dma_wait3A_25, %dma_wait3A_26] : memref<10240x128xf32, #tpu.memory_space<hbm>> -> memref<120x128xf32, #tpu.memory_space<hbm>>
    %dma_wait3A_28 = arith.constant 0 : i32
    %dma_wait3A_29 = arith.constant 0 : i32
    %dma_wait3A_30 = tpu.memref_slice %arg7[%dma_wait3A_20, %dma_wait3A_28, %dma_wait3A_29] : memref<3x120x128xf32, #tpu.memory_space<vmem>> -> memref<1x120x128xf32, #tpu.memory_space<vmem>>
    %dma_wait3A_31 = tpu.memref_squeeze %dma_wait3A_30 : memref<1x120x128xf32, #tpu.memory_space<vmem>> -> memref<120x128xf32, #tpu.memory_space<vmem>>
    %dma_wait3A_32 = arith.constant 0 : i32
    %dma_wait3A_33 = arith.constant 0 : i32
    %dma_wait3A_34 = tpu.memref_slice %arg2[%dma_wait3A_32, %dma_wait3A_33] : memref<10240x128xf32, #tpu.memory_space<hbm>> -> memref<120x128xf32, #tpu.memory_space<hbm>>
    tpu.wait_dma2 semaphore(%arg10 : memref<!tpu.dma_semaphore, #tpu.memory_space<semaphore_mem>>) src(%dma_wait3A_34 : memref<120x128xf32, #tpu.memory_space<hbm>>) dst(%dma_wait3A_31 : memref<120x128xf32, #tpu.memory_space<vmem>>)
    %dma_wait3A_35 = arith.constant 2 : i32
    %dma_wait3A_36 = arith.constant 0 : i32
    %dma_wait3A_37 = arith.constant 0 : i32
    %dma_wait3A_38 = tpu.memref_slice %arg7[%dma_wait3A_35, %dma_wait3A_36, %dma_wait3A_37] : memref<3x120x128xf32, #tpu.memory_space<vmem>> -> memref<1x120x128xf32, #tpu.memory_space<vmem>>
    %dma_wait3A_39 = tpu.memref_squeeze %dma_wait3A_38 : memref<1x120x128xf32, #tpu.memory_space<vmem>> -> memref<120x128xf32, #tpu.memory_space<vmem>>
    %dma_wait3A_40 = arith.constant 0 : i32
    %dma_wait3A_41 = arith.constant 0 : i32
    %dma_wait3A_42 = tpu.memref_slice %arg2[%dma_wait3A_40, %dma_wait3A_41] : memref<10240x128xf32, #tpu.memory_space<hbm>> -> memref<120x128xf32, #tpu.memory_space<hbm>>
    %dma_wait3A_43 = arith.constant 0 : i32
    %dma_wait3A_44 = arith.constant 0 : i32
    %dma_wait3A_45 = tpu.memref_slice %arg7[%dma_wait3A_35, %dma_wait3A_43, %dma_wait3A_44] : memref<3x120x128xf32, #tpu.memory_space<vmem>> -> memref<1x120x128xf32, #tpu.memory_space<vmem>>
    %dma_wait3A_46 = tpu.memref_squeeze %dma_wait3A_45 : memref<1x120x128xf32, #tpu.memory_space<vmem>> -> memref<120x128xf32, #tpu.memory_space<vmem>>
    %dma_wait3A_47 = arith.constant 0 : i32
    %dma_wait3A_48 = arith.constant 0 : i32
    %dma_wait3A_49 = tpu.memref_slice %arg2[%dma_wait3A_47, %dma_wait3A_48] : memref<10240x128xf32, #tpu.memory_space<hbm>> -> memref<120x128xf32, #tpu.memory_space<hbm>>
    tpu.wait_dma2 semaphore(%arg10 : memref<!tpu.dma_semaphore, #tpu.memory_space<semaphore_mem>>) src(%dma_wait3A_49 : memref<120x128xf32, #tpu.memory_space<hbm>>) dst(%dma_wait3A_46 : memref<120x128xf32, #tpu.memory_space<vmem>>)
    %barrier3A_50 = arith.constant 0 : index
    tpu.barrier barrier_id(%barrier3A_50)
    "tpu.region"() ({
      %run_scoped3A = tpu.sem_alloc : memref<!tpu.dma_semaphore, #tpu.memory_space<semaphore_mem>>
      %dma_start3A = arith.constant 0 : i32
      %dma_start3A_51 = tpu.memref_slice %arg5[%arg0, %mul3A_0, %dma_start3A] : memref<2x10240x128xf32, #tpu.memory_space<hbm>> -> memref<1x640x128xf32, #tpu.memory_space<hbm>>
      %dma_start3A_52 = tpu.memref_squeeze %dma_start3A_51 : memref<1x640x128xf32, #tpu.memory_space<hbm>> -> memref<640x128xf32, #tpu.memory_space<hbm>>
      %dma_start3A_53 = arith.constant 0 : i32
      %dma_start3A_54 = tpu.memref_slice %arg8[%mul3A_0, %dma_start3A_53] : memref<10240x128xf32, #tpu.memory_space<vmem_shared>> -> memref<640x128xf32, #tpu.memory_space<vmem_shared>>
      tpu.enqueue_dma source(%dma_start3A_54 : memref<640x128xf32, #tpu.memory_space<vmem_shared>>) target(%dma_start3A_52 : memref<640x128xf32, #tpu.memory_space<hbm>>) target_semaphore(%run_scoped3A : memref<!tpu.dma_semaphore, #tpu.memory_space<semaphore_mem>>)
      %dma_wait3A_55 = arith.constant 0 : i32
      %dma_wait3A_56 = tpu.memref_slice %arg5[%arg0, %mul3A_0, %dma_wait3A_55] : memref<2x10240x128xf32, #tpu.memory_space<hbm>> -> memref<1x640x128xf32, #tpu.memory_space<hbm>>
      %dma_wait3A_57 = tpu.memref_squeeze %dma_wait3A_56 : memref<1x640x128xf32, #tpu.memory_space<hbm>> -> memref<640x128xf32, #tpu.memory_space<hbm>>
      %dma_wait3A_58 = arith.constant 0 : i32
      %dma_wait3A_59 = tpu.memref_slice %arg8[%mul3A_0, %dma_wait3A_58] : memref<10240x128xf32, #tpu.memory_space<vmem_shared>> -> memref<640x128xf32, #tpu.memory_space<vmem_shared>>
      tpu.wait_dma2 semaphore(%run_scoped3A : memref<!tpu.dma_semaphore, #tpu.memory_space<semaphore_mem>>) src(%dma_wait3A_59 : memref<640x128xf32, #tpu.memory_space<vmem_shared>>) dst(%dma_wait3A_57 : memref<640x128xf32, #tpu.memory_space<hbm>>)
      tpu.yield
    }) : () -> ()
    return
  }
}

#map = affine_map<(d0, d1) -> (0, 0)>
#map1 = affine_map<(d0, d1) -> (0, 0, 0, 0, 0)>
#map2 = affine_map<(d0, d1) -> (0, 0, 0)>
module attributes {stable_mosaic.version = 14 : i64} {
  func.func @body(%arg0: i32, %arg1: i32, %arg2: memref<20480x128xf32, #tpu.memory_space<hbm>>, %arg3: memref<2x896x2x3x120xi32, #tpu.memory_space<hbm>>, %arg4: memref<10240x128xf32, #tpu.memory_space<hbm>>, %arg5: memref<2x10240x128xf32, #tpu.memory_space<hbm>>, %arg6: memref<2x2x3x120xi32, #tpu.memory_space<vmem>>, %arg7: memref<3x120x128xf32, #tpu.memory_space<vmem>>, %arg8: memref<10240x128xf32, #tpu.memory_space<vmem_shared>>, %arg9: memref<!tpu.dma_semaphore, #tpu.memory_space<semaphore_mem>>, %arg10: memref<!tpu.dma_semaphore, #tpu.memory_space<semaphore_mem>>) attributes {dimension_semantics = [#tpu.dimension_semantics<core_parallel>, #tpu.dimension_semantics<subcore_parallel>], iteration_bounds = array<i64: 2, 16>, scalar_prefetch = 0 : i64, scratch_operands = 5 : i64, tpu.core_type = #tpu.core_type<sc_vector_subcore>, window_params = [{transform_indices = #map}, {transform_indices = #map1}, {transform_indices = #map}, {transform_indices = #map2}]} {
    %mul3A = arith.constant 640 : i32
    %mul3A_0 = arith.muli %arg1, %mul3A : i32
    "tpu.region"() ({
      %run_scoped3A = tpu.sem_alloc : memref<!tpu.dma_semaphore, #tpu.memory_space<semaphore_mem>>
      %dma_start3A = arith.constant 0 : i32
      %dma_start3A_51 = tpu.memref_slice %arg8[%mul3A_0, %dma_start3A] : memref<10240x128xf32, #tpu.memory_space<vmem_shared>> -> memref<640x128xf32, #tpu.memory_space<vmem_shared>>
      %dma_start3A_52 = arith.constant 0 : i32
      %dma_start3A_53 = tpu.memref_slice %arg4[%mul3A_0, %dma_start3A_52] : memref<10240x128xf32, #tpu.memory_space<hbm>> -> memref<640x128xf32, #tpu.memory_space<hbm>>
      tpu.enqueue_dma source(%dma_start3A_53 : memref<640x128xf32, #tpu.memory_space<hbm>>) target(%dma_start3A_51 : memref<640x128xf32, #tpu.memory_space<vmem_shared>>) target_semaphore(%run_scoped3A : memref<!tpu.dma_semaphore, #tpu.memory_space<semaphore_mem>>)
      %dma_wait3A_54 = arith.constant 0 : i32
      %dma_wait3A_55 = tpu.memref_slice %arg8[%mul3A_0, %dma_wait3A_54] : memref<10240x128xf32, #tpu.memory_space<vmem_shared>> -> memref<640x128xf32, #tpu.memory_space<vmem_shared>>
      %dma_wait3A_56 = arith.constant 0 : i32
      %dma_wait3A_57 = tpu.memref_slice %arg4[%mul3A_0, %dma_wait3A_56] : memref<10240x128xf32, #tpu.memory_space<hbm>> -> memref<640x128xf32, #tpu.memory_space<hbm>>
      tpu.wait_dma2 semaphore(%run_scoped3A : memref<!tpu.dma_semaphore, #tpu.memory_space<semaphore_mem>>) src(%dma_wait3A_57 : memref<640x128xf32, #tpu.memory_space<hbm>>) dst(%dma_wait3A_55 : memref<640x128xf32, #tpu.memory_space<vmem_shared>>)
      tpu.yield
    }) : () -> ()
    %barrier3A = arith.constant 0 : index
    tpu.barrier barrier_id(%barrier3A)
    %scan3A = arith.constant 0 : i32
    %scan3A_1 = arith.constant 0 : i32
    %scan3A_2 = arith.constant 56 : i32
    %scan3A_3 = arith.addi %scan3A_1, %scan3A_2 : i32
    %scan3A_4 = arith.constant 1 : i32
    scf.for %scan3A_51 = %scan3A_1 to %scan3A_3 step %scan3A_4  : i32 {
      %mul3A_52 = arith.constant 56 : i32
      %mul3A_53 = arith.muli %arg1, %mul3A_52 : i32
      %add3A = arith.addi %mul3A_53, %scan3A_51 : i32
      %rem3A = arith.constant 2 : i32
      %rem3A_54 = arith.remsi %scan3A_51, %rem3A : i32
      "tpu.region"() ({
        %run_scoped3A = tpu.sem_alloc : memref<!tpu.dma_semaphore, #tpu.memory_space<semaphore_mem>>
        %dma_start3A_173 = arith.constant 0 : i32
        %dma_start3A_174 = arith.constant 0 : i32
        %dma_start3A_175 = arith.constant 0 : i32
        %dma_start3A_176 = tpu.memref_slice %arg6[%rem3A_54, %dma_start3A_173, %dma_start3A_174, %dma_start3A_175] : memref<2x2x3x120xi32, #tpu.memory_space<vmem>> -> memref<1x2x3x120xi32, #tpu.memory_space<vmem>>
        %dma_start3A_177 = tpu.memref_squeeze %dma_start3A_176 : memref<1x2x3x120xi32, #tpu.memory_space<vmem>> -> memref<2x3x120xi32, #tpu.memory_space<vmem>>
        %dma_start3A_178 = arith.constant 0 : i32
        %dma_start3A_179 = arith.constant 0 : i32
        %dma_start3A_180 = arith.constant 0 : i32
        %dma_start3A_181 = tpu.memref_slice %arg3[%arg0, %add3A, %dma_start3A_178, %dma_start3A_179, %dma_start3A_180] : memref<2x896x2x3x120xi32, #tpu.memory_space<hbm>> -> memref<1x1x2x3x120xi32, #tpu.memory_space<hbm>>
        %dma_start3A_182 = tpu.memref_squeeze %dma_start3A_181 : memref<1x1x2x3x120xi32, #tpu.memory_space<hbm>> -> memref<2x3x120xi32, #tpu.memory_space<hbm>>
        %dma_start3A_183 = arith.constant 0 : i32
        %dma_start3A_184 = arith.constant 0 : i32
        %dma_start3A_185 = arith.constant 0 : i32
        %dma_start3A_186 = tpu.memref_slice %arg6[%rem3A_54, %dma_start3A_183, %dma_start3A_184, %dma_start3A_185] : memref<2x2x3x120xi32, #tpu.memory_space<vmem>> -> memref<1x2x3x120xi32, #tpu.memory_space<vmem>>
        %dma_start3A_187 = tpu.memref_squeeze %dma_start3A_186 : memref<1x2x3x120xi32, #tpu.memory_space<vmem>> -> memref<2x3x120xi32, #tpu.memory_space<vmem>>
        %dma_start3A_188 = arith.constant 0 : i32
        %dma_start3A_189 = arith.constant 0 : i32
        %dma_start3A_190 = arith.constant 0 : i32
        %dma_start3A_191 = tpu.memref_slice %arg3[%arg0, %add3A, %dma_start3A_188, %dma_start3A_189, %dma_start3A_190] : memref<2x896x2x3x120xi32, #tpu.memory_space<hbm>> -> memref<1x1x2x3x120xi32, #tpu.memory_space<hbm>>
        %dma_start3A_192 = tpu.memref_squeeze %dma_start3A_191 : memref<1x1x2x3x120xi32, #tpu.memory_space<hbm>> -> memref<2x3x120xi32, #tpu.memory_space<hbm>>
        tpu.enqueue_dma source(%dma_start3A_192 : memref<2x3x120xi32, #tpu.memory_space<hbm>>) target(%dma_start3A_187 : memref<2x3x120xi32, #tpu.memory_space<vmem>>) target_semaphore(%run_scoped3A : memref<!tpu.dma_semaphore, #tpu.memory_space<semaphore_mem>>)
        %dma_wait3A_193 = arith.constant 0 : i32
        %dma_wait3A_194 = arith.constant 0 : i32
        %dma_wait3A_195 = arith.constant 0 : i32
        %dma_wait3A_196 = tpu.memref_slice %arg6[%rem3A_54, %dma_wait3A_193, %dma_wait3A_194, %dma_wait3A_195] : memref<2x2x3x120xi32, #tpu.memory_space<vmem>> -> memref<1x2x3x120xi32, #tpu.memory_space<vmem>>
        %dma_wait3A_197 = tpu.memref_squeeze %dma_wait3A_196 : memref<1x2x3x120xi32, #tpu.memory_space<vmem>> -> memref<2x3x120xi32, #tpu.memory_space<vmem>>
        %dma_wait3A_198 = arith.constant 0 : i32
        %dma_wait3A_199 = arith.constant 0 : i32
        %dma_wait3A_200 = arith.constant 0 : i32
        %dma_wait3A_201 = tpu.memref_slice %arg3[%arg0, %add3A, %dma_wait3A_198, %dma_wait3A_199, %dma_wait3A_200] : memref<2x896x2x3x120xi32, #tpu.memory_space<hbm>> -> memref<1x1x2x3x120xi32, #tpu.memory_space<hbm>>
        %dma_wait3A_202 = tpu.memref_squeeze %dma_wait3A_201 : memref<1x1x2x3x120xi32, #tpu.memory_space<hbm>> -> memref<2x3x120xi32, #tpu.memory_space<hbm>>
        %dma_wait3A_203 = arith.constant 0 : i32
        %dma_wait3A_204 = arith.constant 0 : i32
        %dma_wait3A_205 = arith.constant 0 : i32
        %dma_wait3A_206 = tpu.memref_slice %arg6[%rem3A_54, %dma_wait3A_203, %dma_wait3A_204, %dma_wait3A_205] : memref<2x2x3x120xi32, #tpu.memory_space<vmem>> -> memref<1x2x3x120xi32, #tpu.memory_space<vmem>>
        %dma_wait3A_207 = tpu.memref_squeeze %dma_wait3A_206 : memref<1x2x3x120xi32, #tpu.memory_space<vmem>> -> memref<2x3x120xi32, #tpu.memory_space<vmem>>
        %dma_wait3A_208 = arith.constant 0 : i32
        %dma_wait3A_209 = arith.constant 0 : i32
        %dma_wait3A_210 = arith.constant 0 : i32
        %dma_wait3A_211 = tpu.memref_slice %arg3[%arg0, %add3A, %dma_wait3A_208, %dma_wait3A_209, %dma_wait3A_210] : memref<2x896x2x3x120xi32, #tpu.memory_space<hbm>> -> memref<1x1x2x3x120xi32, #tpu.memory_space<hbm>>
        %dma_wait3A_212 = tpu.memref_squeeze %dma_wait3A_211 : memref<1x1x2x3x120xi32, #tpu.memory_space<hbm>> -> memref<2x3x120xi32, #tpu.memory_space<hbm>>
        tpu.wait_dma2 semaphore(%run_scoped3A : memref<!tpu.dma_semaphore, #tpu.memory_space<semaphore_mem>>) src(%dma_wait3A_212 : memref<2x3x120xi32, #tpu.memory_space<hbm>>) dst(%dma_wait3A_207 : memref<2x3x120xi32, #tpu.memory_space<vmem>>)
        tpu.yield
      }) : () -> ()
      %gt3A = arith.constant 0 : i32
      %gt3A_55 = arith.cmpi sgt, %scan3A_51, %gt3A : i32
      %convert_element_type3A = arith.extui %gt3A_55 : i1 to i32
      %cond3A = arith.constant 0 : i32
      %cond3A_56 = arith.cmpi ne, %convert_element_type3A, %cond3A : i32
      scf.if %cond3A_56 {
        %dma_wait3A_173 = arith.constant 0 : i32
        %dma_wait3A_174 = arith.constant 0 : i32
        %dma_wait3A_175 = arith.constant 0 : i32
        %dma_wait3A_176 = tpu.memref_slice %arg7[%dma_wait3A_173, %dma_wait3A_174, %dma_wait3A_175] : memref<3x120x128xf32, #tpu.memory_space<vmem>> -> memref<1x120x128xf32, #tpu.memory_space<vmem>>
        %dma_wait3A_177 = tpu.memref_squeeze %dma_wait3A_176 : memref<1x120x128xf32, #tpu.memory_space<vmem>> -> memref<120x128xf32, #tpu.memory_space<vmem>>
        %dma_wait3A_178 = arith.constant 0 : i32
        %dma_wait3A_179 = arith.constant 0 : i32
        %dma_wait3A_180 = tpu.memref_slice %arg2[%dma_wait3A_178, %dma_wait3A_179] : memref<20480x128xf32, #tpu.memory_space<hbm>> -> memref<120x128xf32, #tpu.memory_space<hbm>>
        %dma_wait3A_181 = arith.constant 0 : i32
        %dma_wait3A_182 = arith.constant 0 : i32
        %dma_wait3A_183 = tpu.memref_slice %arg7[%dma_wait3A_173, %dma_wait3A_181, %dma_wait3A_182] : memref<3x120x128xf32, #tpu.memory_space<vmem>> -> memref<1x120x128xf32, #tpu.memory_space<vmem>>
        %dma_wait3A_184 = tpu.memref_squeeze %dma_wait3A_183 : memref<1x120x128xf32, #tpu.memory_space<vmem>> -> memref<120x128xf32, #tpu.memory_space<vmem>>
        %dma_wait3A_185 = arith.constant 0 : i32
        %dma_wait3A_186 = arith.constant 0 : i32
        %dma_wait3A_187 = tpu.memref_slice %arg2[%dma_wait3A_185, %dma_wait3A_186] : memref<20480x128xf32, #tpu.memory_space<hbm>> -> memref<120x128xf32, #tpu.memory_space<hbm>>
        tpu.wait_dma2 semaphore(%arg10 : memref<!tpu.dma_semaphore, #tpu.memory_space<semaphore_mem>>) src(%dma_wait3A_187 : memref<120x128xf32, #tpu.memory_space<hbm>>) dst(%dma_wait3A_184 : memref<120x128xf32, #tpu.memory_space<vmem>>)
        %dma_wait3A_188 = arith.constant 1 : i32
        %dma_wait3A_189 = arith.constant 0 : i32
        %dma_wait3A_190 = arith.constant 0 : i32
        %dma_wait3A_191 = tpu.memref_slice %arg7[%dma_wait3A_188, %dma_wait3A_189, %dma_wait3A_190] : memref<3x120x128xf32, #tpu.memory_space<vmem>> -> memref<1x120x128xf32, #tpu.memory_space<vmem>>
        %dma_wait3A_192 = tpu.memref_squeeze %dma_wait3A_191 : memref<1x120x128xf32, #tpu.memory_space<vmem>> -> memref<120x128xf32, #tpu.memory_space<vmem>>
        %dma_wait3A_193 = arith.constant 0 : i32
        %dma_wait3A_194 = arith.constant 0 : i32
        %dma_wait3A_195 = tpu.memref_slice %arg2[%dma_wait3A_193, %dma_wait3A_194] : memref<20480x128xf32, #tpu.memory_space<hbm>> -> memref<120x128xf32, #tpu.memory_space<hbm>>
        %dma_wait3A_196 = arith.constant 0 : i32
        %dma_wait3A_197 = arith.constant 0 : i32
        %dma_wait3A_198 = tpu.memref_slice %arg7[%dma_wait3A_188, %dma_wait3A_196, %dma_wait3A_197] : memref<3x120x128xf32, #tpu.memory_space<vmem>> -> memref<1x120x128xf32, #tpu.memory_space<vmem>>
        %dma_wait3A_199 = tpu.memref_squeeze %dma_wait3A_198 : memref<1x120x128xf32, #tpu.memory_space<vmem>> -> memref<120x128xf32, #tpu.memory_space<vmem>>
        %dma_wait3A_200 = arith.constant 0 : i32
        %dma_wait3A_201 = arith.constant 0 : i32
        %dma_wait3A_202 = tpu.memref_slice %arg2[%dma_wait3A_200, %dma_wait3A_201] : memref<20480x128xf32, #tpu.memory_space<hbm>> -> memref<120x128xf32, #tpu.memory_space<hbm>>
        tpu.wait_dma2 semaphore(%arg10 : memref<!tpu.dma_semaphore, #tpu.memory_space<semaphore_mem>>) src(%dma_wait3A_202 : memref<120x128xf32, #tpu.memory_space<hbm>>) dst(%dma_wait3A_199 : memref<120x128xf32, #tpu.memory_space<vmem>>)
        %dma_wait3A_203 = arith.constant 2 : i32
        %dma_wait3A_204 = arith.constant 0 : i32
        %dma_wait3A_205 = arith.constant 0 : i32
        %dma_wait3A_206 = tpu.memref_slice %arg7[%dma_wait3A_203, %dma_wait3A_204, %dma_wait3A_205] : memref<3x120x128xf32, #tpu.memory_space<vmem>> -> memref<1x120x128xf32, #tpu.memory_space<vmem>>
        %dma_wait3A_207 = tpu.memref_squeeze %dma_wait3A_206 : memref<1x120x128xf32, #tpu.memory_space<vmem>> -> memref<120x128xf32, #tpu.memory_space<vmem>>
        %dma_wait3A_208 = arith.constant 0 : i32
        %dma_wait3A_209 = arith.constant 0 : i32
        %dma_wait3A_210 = tpu.memref_slice %arg2[%dma_wait3A_208, %dma_wait3A_209] : memref<20480x128xf32, #tpu.memory_space<hbm>> -> memref<120x128xf32, #tpu.memory_space<hbm>>
        %dma_wait3A_211 = arith.constant 0 : i32
        %dma_wait3A_212 = arith.constant 0 : i32
        %dma_wait3A_213 = tpu.memref_slice %arg7[%dma_wait3A_203, %dma_wait3A_211, %dma_wait3A_212] : memref<3x120x128xf32, #tpu.memory_space<vmem>> -> memref<1x120x128xf32, #tpu.memory_space<vmem>>
        %dma_wait3A_214 = tpu.memref_squeeze %dma_wait3A_213 : memref<1x120x128xf32, #tpu.memory_space<vmem>> -> memref<120x128xf32, #tpu.memory_space<vmem>>
        %dma_wait3A_215 = arith.constant 0 : i32
        %dma_wait3A_216 = arith.constant 0 : i32
        %dma_wait3A_217 = tpu.memref_slice %arg2[%dma_wait3A_215, %dma_wait3A_216] : memref<20480x128xf32, #tpu.memory_space<hbm>> -> memref<120x128xf32, #tpu.memory_space<hbm>>
        tpu.wait_dma2 semaphore(%arg10 : memref<!tpu.dma_semaphore, #tpu.memory_space<semaphore_mem>>) src(%dma_wait3A_217 : memref<120x128xf32, #tpu.memory_space<hbm>>) dst(%dma_wait3A_214 : memref<120x128xf32, #tpu.memory_space<vmem>>)
      } else {
      }
      %dma_start3A = arith.constant 0 : i32
      %dma_start3A_57 = arith.constant 0 : i32
      %dma_start3A_58 = arith.constant 0 : i32
      %dma_start3A_59 = arith.constant 0 : i32
      %dma_start3A_60 = arith.constant 0 : i32
      %dma_start3A_61 = tpu.memref_slice %arg7[%dma_start3A_58, %dma_start3A_59, %dma_start3A_60] : memref<3x120x128xf32, #tpu.memory_space<vmem>> -> memref<1x120x128xf32, #tpu.memory_space<vmem>>
      %dma_start3A_62 = tpu.memref_squeeze %dma_start3A_61 : memref<1x120x128xf32, #tpu.memory_space<vmem>> -> memref<120x128xf32, #tpu.memory_space<vmem>>
      %dma_start3A_63 = arith.constant 0 : i32
      %dma_start3A_64 = tpu.memref_slice %arg6[%rem3A_54, %dma_start3A, %dma_start3A_57, %dma_start3A_63] : memref<2x2x3x120xi32, #tpu.memory_space<vmem>> -> memref<1x1x1x120xi32, #tpu.memory_space<vmem>>
      %dma_start3A_65 = tpu.memref_squeeze %dma_start3A_64 : memref<1x1x1x120xi32, #tpu.memory_space<vmem>> -> memref<120xi32, #tpu.memory_space<vmem>>
      %dma_start3A_66 = arith.constant 0 : i32
      %dma_start3A_67 = arith.constant 0 : i32
      %dma_start3A_68 = tpu.memref_slice %arg2[%dma_start3A_66, %dma_start3A_67] : memref<20480x128xf32, #tpu.memory_space<hbm>> -> memref<20480x128xf32, #tpu.memory_space<hbm>>
      tpu.enqueue_indirect_dma source(%dma_start3A_68 : memref<20480x128xf32, #tpu.memory_space<hbm>>) target(%dma_start3A_62 : memref<120x128xf32, #tpu.memory_space<vmem>>) offsets(%dma_start3A_65 : memref<120xi32, #tpu.memory_space<vmem>>) semaphore(%arg9 : memref<!tpu.dma_semaphore, #tpu.memory_space<semaphore_mem>>)
      %dma_start3A_69 = arith.constant 0 : i32
      %dma_start3A_70 = arith.constant 1 : i32
      %dma_start3A_71 = arith.constant 1 : i32
      %dma_start3A_72 = arith.constant 0 : i32
      %dma_start3A_73 = arith.constant 0 : i32
      %dma_start3A_74 = tpu.memref_slice %arg7[%dma_start3A_71, %dma_start3A_72, %dma_start3A_73] : memref<3x120x128xf32, #tpu.memory_space<vmem>> -> memref<1x120x128xf32, #tpu.memory_space<vmem>>
      %dma_start3A_75 = tpu.memref_squeeze %dma_start3A_74 : memref<1x120x128xf32, #tpu.memory_space<vmem>> -> memref<120x128xf32, #tpu.memory_space<vmem>>
      %dma_start3A_76 = arith.constant 0 : i32
      %dma_start3A_77 = tpu.memref_slice %arg6[%rem3A_54, %dma_start3A_69, %dma_start3A_70, %dma_start3A_76] : memref<2x2x3x120xi32, #tpu.memory_space<vmem>> -> memref<1x1x1x120xi32, #tpu.memory_space<vmem>>
      %dma_start3A_78 = tpu.memref_squeeze %dma_start3A_77 : memref<1x1x1x120xi32, #tpu.memory_space<vmem>> -> memref<120xi32, #tpu.memory_space<vmem>>
      %dma_start3A_79 = arith.constant 0 : i32
      %dma_start3A_80 = arith.constant 0 : i32
      %dma_start3A_81 = tpu.memref_slice %arg2[%dma_start3A_79, %dma_start3A_80] : memref<20480x128xf32, #tpu.memory_space<hbm>> -> memref<20480x128xf32, #tpu.memory_space<hbm>>
      tpu.enqueue_indirect_dma source(%dma_start3A_81 : memref<20480x128xf32, #tpu.memory_space<hbm>>) target(%dma_start3A_75 : memref<120x128xf32, #tpu.memory_space<vmem>>) offsets(%dma_start3A_78 : memref<120xi32, #tpu.memory_space<vmem>>) semaphore(%arg9 : memref<!tpu.dma_semaphore, #tpu.memory_space<semaphore_mem>>)
      %dma_start3A_82 = arith.constant 0 : i32
      %dma_start3A_83 = arith.constant 2 : i32
      %dma_start3A_84 = arith.constant 2 : i32
      %dma_start3A_85 = arith.constant 0 : i32
      %dma_start3A_86 = arith.constant 0 : i32
      %dma_start3A_87 = tpu.memref_slice %arg7[%dma_start3A_84, %dma_start3A_85, %dma_start3A_86] : memref<3x120x128xf32, #tpu.memory_space<vmem>> -> memref<1x120x128xf32, #tpu.memory_space<vmem>>
      %dma_start3A_88 = tpu.memref_squeeze %dma_start3A_87 : memref<1x120x128xf32, #tpu.memory_space<vmem>> -> memref<120x128xf32, #tpu.memory_space<vmem>>
      %dma_start3A_89 = arith.constant 0 : i32
      %dma_start3A_90 = tpu.memref_slice %arg6[%rem3A_54, %dma_start3A_82, %dma_start3A_83, %dma_start3A_89] : memref<2x2x3x120xi32, #tpu.memory_space<vmem>> -> memref<1x1x1x120xi32, #tpu.memory_space<vmem>>
      %dma_start3A_91 = tpu.memref_squeeze %dma_start3A_90 : memref<1x1x1x120xi32, #tpu.memory_space<vmem>> -> memref<120xi32, #tpu.memory_space<vmem>>
      %dma_start3A_92 = arith.constant 0 : i32
      %dma_start3A_93 = arith.constant 0 : i32
      %dma_start3A_94 = tpu.memref_slice %arg2[%dma_start3A_92, %dma_start3A_93] : memref<20480x128xf32, #tpu.memory_space<hbm>> -> memref<20480x128xf32, #tpu.memory_space<hbm>>
      tpu.enqueue_indirect_dma source(%dma_start3A_94 : memref<20480x128xf32, #tpu.memory_space<hbm>>) target(%dma_start3A_88 : memref<120x128xf32, #tpu.memory_space<vmem>>) offsets(%dma_start3A_91 : memref<120xi32, #tpu.memory_space<vmem>>) semaphore(%arg9 : memref<!tpu.dma_semaphore, #tpu.memory_space<semaphore_mem>>)
      %dma_wait3A_95 = arith.constant 0 : i32
      %dma_wait3A_96 = arith.constant 0 : i32
      %dma_wait3A_97 = arith.constant 0 : i32
      %dma_wait3A_98 = arith.constant 0 : i32
      %dma_wait3A_99 = arith.constant 0 : i32
      %dma_wait3A_100 = tpu.memref_slice %arg7[%dma_wait3A_97, %dma_wait3A_98, %dma_wait3A_99] : memref<3x120x128xf32, #tpu.memory_space<vmem>> -> memref<1x120x128xf32, #tpu.memory_space<vmem>>
      %dma_wait3A_101 = tpu.memref_squeeze %dma_wait3A_100 : memref<1x120x128xf32, #tpu.memory_space<vmem>> -> memref<120x128xf32, #tpu.memory_space<vmem>>
      %dma_wait3A_102 = arith.constant 0 : i32
      %dma_wait3A_103 = tpu.memref_slice %arg6[%rem3A_54, %dma_wait3A_95, %dma_wait3A_96, %dma_wait3A_102] : memref<2x2x3x120xi32, #tpu.memory_space<vmem>> -> memref<1x1x1x120xi32, #tpu.memory_space<vmem>>
      %dma_wait3A_104 = tpu.memref_squeeze %dma_wait3A_103 : memref<1x1x1x120xi32, #tpu.memory_space<vmem>> -> memref<120xi32, #tpu.memory_space<vmem>>
      %dma_wait3A_105 = arith.constant 0 : i32
      %dma_wait3A_106 = arith.constant 0 : i32
      %dma_wait3A_107 = tpu.memref_slice %arg2[%dma_wait3A_105, %dma_wait3A_106] : memref<20480x128xf32, #tpu.memory_space<hbm>> -> memref<20480x128xf32, #tpu.memory_space<hbm>>
      tpu.wait_indirect_dma semaphore(%arg9 : memref<!tpu.dma_semaphore, #tpu.memory_space<semaphore_mem>>) src(%dma_wait3A_107 : memref<20480x128xf32, #tpu.memory_space<hbm>>) dst(%dma_wait3A_101 : memref<120x128xf32, #tpu.memory_space<vmem>>)
      %dma_start3A_108 = arith.constant 0 : i32
      %dma_start3A_109 = arith.constant 1 : i32
      %dma_start3A_110 = arith.constant 0 : i32
      %dma_start3A_111 = arith.constant 0 : i32
      %dma_start3A_112 = arith.constant 0 : i32
      %dma_start3A_113 = tpu.memref_slice %arg7[%dma_start3A_108, %dma_start3A_111, %dma_start3A_112] : memref<3x120x128xf32, #tpu.memory_space<vmem>> -> memref<1x120x128xf32, #tpu.memory_space<vmem>>
      %dma_start3A_114 = tpu.memref_squeeze %dma_start3A_113 : memref<1x120x128xf32, #tpu.memory_space<vmem>> -> memref<120x128xf32, #tpu.memory_space<vmem>>
      %dma_start3A_115 = arith.constant 0 : i32
      %dma_start3A_116 = tpu.memref_slice %arg6[%rem3A_54, %dma_start3A_109, %dma_start3A_110, %dma_start3A_115] : memref<2x2x3x120xi32, #tpu.memory_space<vmem>> -> memref<1x1x1x120xi32, #tpu.memory_space<vmem>>
      %dma_start3A_117 = tpu.memref_squeeze %dma_start3A_116 : memref<1x1x1x120xi32, #tpu.memory_space<vmem>> -> memref<120xi32, #tpu.memory_space<vmem>>
      %dma_start3A_118 = arith.constant 0 : i32
      %dma_start3A_119 = arith.constant 0 : i32
      %dma_start3A_120 = tpu.memref_slice %arg8[%dma_start3A_118, %dma_start3A_119] : memref<10240x128xf32, #tpu.memory_space<vmem_shared>> -> memref<10240x128xf32, #tpu.memory_space<vmem_shared>>
      tpu.enqueue_indirect_dma source(%dma_start3A_114 : memref<120x128xf32, #tpu.memory_space<vmem>>) target(%dma_start3A_120 : memref<10240x128xf32, #tpu.memory_space<vmem_shared>>) offsets(%dma_start3A_117 : memref<120xi32, #tpu.memory_space<vmem>>) semaphore(%arg10 : memref<!tpu.dma_semaphore, #tpu.memory_space<semaphore_mem>>) {add = true}
      %dma_wait3A_121 = arith.constant 0 : i32
      %dma_wait3A_122 = arith.constant 1 : i32
      %dma_wait3A_123 = arith.constant 1 : i32
      %dma_wait3A_124 = arith.constant 0 : i32
      %dma_wait3A_125 = arith.constant 0 : i32
      %dma_wait3A_126 = tpu.memref_slice %arg7[%dma_wait3A_123, %dma_wait3A_124, %dma_wait3A_125] : memref<3x120x128xf32, #tpu.memory_space<vmem>> -> memref<1x120x128xf32, #tpu.memory_space<vmem>>
      %dma_wait3A_127 = tpu.memref_squeeze %dma_wait3A_126 : memref<1x120x128xf32, #tpu.memory_space<vmem>> -> memref<120x128xf32, #tpu.memory_space<vmem>>
      %dma_wait3A_128 = arith.constant 0 : i32
      %dma_wait3A_129 = tpu.memref_slice %arg6[%rem3A_54, %dma_wait3A_121, %dma_wait3A_122, %dma_wait3A_128] : memref<2x2x3x120xi32, #tpu.memory_space<vmem>> -> memref<1x1x1x120xi32, #tpu.memory_space<vmem>>
      %dma_wait3A_130 = tpu.memref_squeeze %dma_wait3A_129 : memref<1x1x1x120xi32, #tpu.memory_space<vmem>> -> memref<120xi32, #tpu.memory_space<vmem>>
      %dma_wait3A_131 = arith.constant 0 : i32
      %dma_wait3A_132 = arith.constant 0 : i32
      %dma_wait3A_133 = tpu.memref_slice %arg2[%dma_wait3A_131, %dma_wait3A_132] : memref<20480x128xf32, #tpu.memory_space<hbm>> -> memref<20480x128xf32, #tpu.memory_space<hbm>>
      tpu.wait_indirect_dma semaphore(%arg9 : memref<!tpu.dma_semaphore, #tpu.memory_space<semaphore_mem>>) src(%dma_wait3A_133 : memref<20480x128xf32, #tpu.memory_space<hbm>>) dst(%dma_wait3A_127 : memref<120x128xf32, #tpu.memory_space<vmem>>)
      %dma_start3A_134 = arith.constant 1 : i32
      %dma_start3A_135 = arith.constant 1 : i32
      %dma_start3A_136 = arith.constant 1 : i32
      %dma_start3A_137 = arith.constant 0 : i32
      %dma_start3A_138 = arith.constant 0 : i32
      %dma_start3A_139 = tpu.memref_slice %arg7[%dma_start3A_134, %dma_start3A_137, %dma_start3A_138] : memref<3x120x128xf32, #tpu.memory_space<vmem>> -> memref<1x120x128xf32, #tpu.memory_space<vmem>>
      %dma_start3A_140 = tpu.memref_squeeze %dma_start3A_139 : memref<1x120x128xf32, #tpu.memory_space<vmem>> -> memref<120x128xf32, #tpu.memory_space<vmem>>
      %dma_start3A_141 = arith.constant 0 : i32
      %dma_start3A_142 = tpu.memref_slice %arg6[%rem3A_54, %dma_start3A_135, %dma_start3A_136, %dma_start3A_141] : memref<2x2x3x120xi32, #tpu.memory_space<vmem>> -> memref<1x1x1x120xi32, #tpu.memory_space<vmem>>
      %dma_start3A_143 = tpu.memref_squeeze %dma_start3A_142 : memref<1x1x1x120xi32, #tpu.memory_space<vmem>> -> memref<120xi32, #tpu.memory_space<vmem>>
      %dma_start3A_144 = arith.constant 0 : i32
      %dma_start3A_145 = arith.constant 0 : i32
      %dma_start3A_146 = tpu.memref_slice %arg8[%dma_start3A_144, %dma_start3A_145] : memref<10240x128xf32, #tpu.memory_space<vmem_shared>> -> memref<10240x128xf32, #tpu.memory_space<vmem_shared>>
      tpu.enqueue_indirect_dma source(%dma_start3A_140 : memref<120x128xf32, #tpu.memory_space<vmem>>) target(%dma_start3A_146 : memref<10240x128xf32, #tpu.memory_space<vmem_shared>>) offsets(%dma_start3A_143 : memref<120xi32, #tpu.memory_space<vmem>>) semaphore(%arg10 : memref<!tpu.dma_semaphore, #tpu.memory_space<semaphore_mem>>) {add = true}
      %dma_wait3A_147 = arith.constant 0 : i32
      %dma_wait3A_148 = arith.constant 2 : i32
      %dma_wait3A_149 = arith.constant 2 : i32
      %dma_wait3A_150 = arith.constant 0 : i32
      %dma_wait3A_151 = arith.constant 0 : i32
      %dma_wait3A_152 = tpu.memref_slice %arg7[%dma_wait3A_149, %dma_wait3A_150, %dma_wait3A_151] : memref<3x120x128xf32, #tpu.memory_space<vmem>> -> memref<1x120x128xf32, #tpu.memory_space<vmem>>
      %dma_wait3A_153 = tpu.memref_squeeze %dma_wait3A_152 : memref<1x120x128xf32, #tpu.memory_space<vmem>> -> memref<120x128xf32, #tpu.memory_space<vmem>>
      %dma_wait3A_154 = arith.constant 0 : i32
      %dma_wait3A_155 = tpu.memref_slice %arg6[%rem3A_54, %dma_wait3A_147, %dma_wait3A_148, %dma_wait3A_154] : memref<2x2x3x120xi32, #tpu.memory_space<vmem>> -> memref<1x1x1x120xi32, #tpu.memory_space<vmem>>
      %dma_wait3A_156 = tpu.memref_squeeze %dma_wait3A_155 : memref<1x1x1x120xi32, #tpu.memory_space<vmem>> -> memref<120xi32, #tpu.memory_space<vmem>>
      %dma_wait3A_157 = arith.constant 0 : i32
      %dma_wait3A_158 = arith.constant 0 : i32
      %dma_wait3A_159 = tpu.memref_slice %arg2[%dma_wait3A_157, %dma_wait3A_158] : memref<20480x128xf32, #tpu.memory_space<hbm>> -> memref<20480x128xf32, #tpu.memory_space<hbm>>
      tpu.wait_indirect_dma semaphore(%arg9 : memref<!tpu.dma_semaphore, #tpu.memory_space<semaphore_mem>>) src(%dma_wait3A_159 : memref<20480x128xf32, #tpu.memory_space<hbm>>) dst(%dma_wait3A_153 : memref<120x128xf32, #tpu.memory_space<vmem>>)
      %dma_start3A_160 = arith.constant 2 : i32
      %dma_start3A_161 = arith.constant 1 : i32
      %dma_start3A_162 = arith.constant 2 : i32
      %dma_start3A_163 = arith.constant 0 : i32
      %dma_start3A_164 = arith.constant 0 : i32
      %dma_start3A_165 = tpu.memref_slice %arg7[%dma_start3A_160, %dma_start3A_163, %dma_start3A_164] : memref<3x120x128xf32, #tpu.memory_space<vmem>> -> memref<1x120x128xf32, #tpu.memory_space<vmem>>
      %dma_start3A_166 = tpu.memref_squeeze %dma_start3A_165 : memref<1x120x128xf32, #tpu.memory_space<vmem>> -> memref<120x128xf32, #tpu.memory_space<vmem>>
      %dma_start3A_167 = arith.constant 0 : i32
      %dma_start3A_168 = tpu.memref_slice %arg6[%rem3A_54, %dma_start3A_161, %dma_start3A_162, %dma_start3A_167] : memref<2x2x3x120xi32, #tpu.memory_space<vmem>> -> memref<1x1x1x120xi32, #tpu.memory_space<vmem>>
      %dma_start3A_169 = tpu.memref_squeeze %dma_start3A_168 : memref<1x1x1x120xi32, #tpu.memory_space<vmem>> -> memref<120xi32, #tpu.memory_space<vmem>>
      %dma_start3A_170 = arith.constant 0 : i32
      %dma_start3A_171 = arith.constant 0 : i32
      %dma_start3A_172 = tpu.memref_slice %arg8[%dma_start3A_170, %dma_start3A_171] : memref<10240x128xf32, #tpu.memory_space<vmem_shared>> -> memref<10240x128xf32, #tpu.memory_space<vmem_shared>>
      tpu.enqueue_indirect_dma source(%dma_start3A_166 : memref<120x128xf32, #tpu.memory_space<vmem>>) target(%dma_start3A_172 : memref<10240x128xf32, #tpu.memory_space<vmem_shared>>) offsets(%dma_start3A_169 : memref<120xi32, #tpu.memory_space<vmem>>) semaphore(%arg10 : memref<!tpu.dma_semaphore, #tpu.memory_space<semaphore_mem>>) {add = true}
    }
    %scan3A_5 = arith.constant 56 : i32
    %dma_wait3A = arith.constant 0 : i32
    %dma_wait3A_6 = arith.constant 0 : i32
    %dma_wait3A_7 = arith.constant 0 : i32
    %dma_wait3A_8 = tpu.memref_slice %arg7[%dma_wait3A, %dma_wait3A_6, %dma_wait3A_7] : memref<3x120x128xf32, #tpu.memory_space<vmem>> -> memref<1x120x128xf32, #tpu.memory_space<vmem>>
    %dma_wait3A_9 = tpu.memref_squeeze %dma_wait3A_8 : memref<1x120x128xf32, #tpu.memory_space<vmem>> -> memref<120x128xf32, #tpu.memory_space<vmem>>
    %dma_wait3A_10 = arith.constant 0 : i32
    %dma_wait3A_11 = arith.constant 0 : i32
    %dma_wait3A_12 = tpu.memref_slice %arg2[%dma_wait3A_10, %dma_wait3A_11] : memref<20480x128xf32, #tpu.memory_space<hbm>> -> memref<120x128xf32, #tpu.memory_space<hbm>>
    %dma_wait3A_13 = arith.constant 0 : i32
    %dma_wait3A_14 = arith.constant 0 : i32
    %dma_wait3A_15 = tpu.memref_slice %arg7[%dma_wait3A, %dma_wait3A_13, %dma_wait3A_14] : memref<3x120x128xf32, #tpu.memory_space<vmem>> -> memref<1x120x128xf32, #tpu.memory_space<vmem>>
    %dma_wait3A_16 = tpu.memref_squeeze %dma_wait3A_15 : memref<1x120x128xf32, #tpu.memory_space<vmem>> -> memref<120x128xf32, #tpu.memory_space<vmem>>
    %dma_wait3A_17 = arith.constant 0 : i32
    %dma_wait3A_18 = arith.constant 0 : i32
    %dma_wait3A_19 = tpu.memref_slice %arg2[%dma_wait3A_17, %dma_wait3A_18] : memref<20480x128xf32, #tpu.memory_space<hbm>> -> memref<120x128xf32, #tpu.memory_space<hbm>>
    tpu.wait_dma2 semaphore(%arg10 : memref<!tpu.dma_semaphore, #tpu.memory_space<semaphore_mem>>) src(%dma_wait3A_19 : memref<120x128xf32, #tpu.memory_space<hbm>>) dst(%dma_wait3A_16 : memref<120x128xf32, #tpu.memory_space<vmem>>)
    %dma_wait3A_20 = arith.constant 1 : i32
    %dma_wait3A_21 = arith.constant 0 : i32
    %dma_wait3A_22 = arith.constant 0 : i32
    %dma_wait3A_23 = tpu.memref_slice %arg7[%dma_wait3A_20, %dma_wait3A_21, %dma_wait3A_22] : memref<3x120x128xf32, #tpu.memory_space<vmem>> -> memref<1x120x128xf32, #tpu.memory_space<vmem>>
    %dma_wait3A_24 = tpu.memref_squeeze %dma_wait3A_23 : memref<1x120x128xf32, #tpu.memory_space<vmem>> -> memref<120x128xf32, #tpu.memory_space<vmem>>
    %dma_wait3A_25 = arith.constant 0 : i32
    %dma_wait3A_26 = arith.constant 0 : i32
    %dma_wait3A_27 = tpu.memref_slice %arg2[%dma_wait3A_25, %dma_wait3A_26] : memref<20480x128xf32, #tpu.memory_space<hbm>> -> memref<120x128xf32, #tpu.memory_space<hbm>>
    %dma_wait3A_28 = arith.constant 0 : i32
    %dma_wait3A_29 = arith.constant 0 : i32
    %dma_wait3A_30 = tpu.memref_slice %arg7[%dma_wait3A_20, %dma_wait3A_28, %dma_wait3A_29] : memref<3x120x128xf32, #tpu.memory_space<vmem>> -> memref<1x120x128xf32, #tpu.memory_space<vmem>>
    %dma_wait3A_31 = tpu.memref_squeeze %dma_wait3A_30 : memref<1x120x128xf32, #tpu.memory_space<vmem>> -> memref<120x128xf32, #tpu.memory_space<vmem>>
    %dma_wait3A_32 = arith.constant 0 : i32
    %dma_wait3A_33 = arith.constant 0 : i32
    %dma_wait3A_34 = tpu.memref_slice %arg2[%dma_wait3A_32, %dma_wait3A_33] : memref<20480x128xf32, #tpu.memory_space<hbm>> -> memref<120x128xf32, #tpu.memory_space<hbm>>
    tpu.wait_dma2 semaphore(%arg10 : memref<!tpu.dma_semaphore, #tpu.memory_space<semaphore_mem>>) src(%dma_wait3A_34 : memref<120x128xf32, #tpu.memory_space<hbm>>) dst(%dma_wait3A_31 : memref<120x128xf32, #tpu.memory_space<vmem>>)
    %dma_wait3A_35 = arith.constant 2 : i32
    %dma_wait3A_36 = arith.constant 0 : i32
    %dma_wait3A_37 = arith.constant 0 : i32
    %dma_wait3A_38 = tpu.memref_slice %arg7[%dma_wait3A_35, %dma_wait3A_36, %dma_wait3A_37] : memref<3x120x128xf32, #tpu.memory_space<vmem>> -> memref<1x120x128xf32, #tpu.memory_space<vmem>>
    %dma_wait3A_39 = tpu.memref_squeeze %dma_wait3A_38 : memref<1x120x128xf32, #tpu.memory_space<vmem>> -> memref<120x128xf32, #tpu.memory_space<vmem>>
    %dma_wait3A_40 = arith.constant 0 : i32
    %dma_wait3A_41 = arith.constant 0 : i32
    %dma_wait3A_42 = tpu.memref_slice %arg2[%dma_wait3A_40, %dma_wait3A_41] : memref<20480x128xf32, #tpu.memory_space<hbm>> -> memref<120x128xf32, #tpu.memory_space<hbm>>
    %dma_wait3A_43 = arith.constant 0 : i32
    %dma_wait3A_44 = arith.constant 0 : i32
    %dma_wait3A_45 = tpu.memref_slice %arg7[%dma_wait3A_35, %dma_wait3A_43, %dma_wait3A_44] : memref<3x120x128xf32, #tpu.memory_space<vmem>> -> memref<1x120x128xf32, #tpu.memory_space<vmem>>
    %dma_wait3A_46 = tpu.memref_squeeze %dma_wait3A_45 : memref<1x120x128xf32, #tpu.memory_space<vmem>> -> memref<120x128xf32, #tpu.memory_space<vmem>>
    %dma_wait3A_47 = arith.constant 0 : i32
    %dma_wait3A_48 = arith.constant 0 : i32
    %dma_wait3A_49 = tpu.memref_slice %arg2[%dma_wait3A_47, %dma_wait3A_48] : memref<20480x128xf32, #tpu.memory_space<hbm>> -> memref<120x128xf32, #tpu.memory_space<hbm>>
    tpu.wait_dma2 semaphore(%arg10 : memref<!tpu.dma_semaphore, #tpu.memory_space<semaphore_mem>>) src(%dma_wait3A_49 : memref<120x128xf32, #tpu.memory_space<hbm>>) dst(%dma_wait3A_46 : memref<120x128xf32, #tpu.memory_space<vmem>>)
    %barrier3A_50 = arith.constant 0 : index
    tpu.barrier barrier_id(%barrier3A_50)
    "tpu.region"() ({
      %run_scoped3A = tpu.sem_alloc : memref<!tpu.dma_semaphore, #tpu.memory_space<semaphore_mem>>
      %dma_start3A = arith.constant 0 : i32
      %dma_start3A_51 = tpu.memref_slice %arg5[%arg0, %mul3A_0, %dma_start3A] : memref<2x10240x128xf32, #tpu.memory_space<hbm>> -> memref<1x640x128xf32, #tpu.memory_space<hbm>>
      %dma_start3A_52 = tpu.memref_squeeze %dma_start3A_51 : memref<1x640x128xf32, #tpu.memory_space<hbm>> -> memref<640x128xf32, #tpu.memory_space<hbm>>
      %dma_start3A_53 = arith.constant 0 : i32
      %dma_start3A_54 = tpu.memref_slice %arg8[%mul3A_0, %dma_start3A_53] : memref<10240x128xf32, #tpu.memory_space<vmem_shared>> -> memref<640x128xf32, #tpu.memory_space<vmem_shared>>
      tpu.enqueue_dma source(%dma_start3A_54 : memref<640x128xf32, #tpu.memory_space<vmem_shared>>) target(%dma_start3A_52 : memref<640x128xf32, #tpu.memory_space<hbm>>) target_semaphore(%run_scoped3A : memref<!tpu.dma_semaphore, #tpu.memory_space<semaphore_mem>>)
      %dma_wait3A_55 = arith.constant 0 : i32
      %dma_wait3A_56 = tpu.memref_slice %arg5[%arg0, %mul3A_0, %dma_wait3A_55] : memref<2x10240x128xf32, #tpu.memory_space<hbm>> -> memref<1x640x128xf32, #tpu.memory_space<hbm>>
      %dma_wait3A_57 = tpu.memref_squeeze %dma_wait3A_56 : memref<1x640x128xf32, #tpu.memory_space<hbm>> -> memref<640x128xf32, #tpu.memory_space<hbm>>
      %dma_wait3A_58 = arith.constant 0 : i32
      %dma_wait3A_59 = tpu.memref_slice %arg8[%mul3A_0, %dma_wait3A_58] : memref<10240x128xf32, #tpu.memory_space<vmem_shared>> -> memref<640x128xf32, #tpu.memory_space<vmem_shared>>
      tpu.wait_dma2 semaphore(%run_scoped3A : memref<!tpu.dma_semaphore, #tpu.memory_space<semaphore_mem>>) src(%dma_wait3A_59 : memref<640x128xf32, #tpu.memory_space<vmem_shared>>) dst(%dma_wait3A_57 : memref<640x128xf32, #tpu.memory_space<hbm>>)
      tpu.yield
    }) : () -> ()
    return
  }
}

#map = affine_map<(d0, d1) -> (0, 0)>
#map1 = affine_map<(d0, d1) -> (0, 0, 0, 0, 0)>
#map2 = affine_map<(d0, d1) -> (0, 0, 0)>
module attributes {stable_mosaic.version = 14 : i64} {
  func.func @body(%arg0: i32, %arg1: i32, %arg2: memref<10240x128xf32, #tpu.memory_space<hbm>>, %arg3: memref<2x448x2x3x120xi32, #tpu.memory_space<hbm>>, %arg4: memref<10240x128xf32, #tpu.memory_space<hbm>>, %arg5: memref<2x10240x128xf32, #tpu.memory_space<hbm>>, %arg6: memref<2x2x3x120xi32, #tpu.memory_space<vmem>>, %arg7: memref<3x120x128xf32, #tpu.memory_space<vmem>>, %arg8: memref<10240x128xf32, #tpu.memory_space<vmem_shared>>, %arg9: memref<!tpu.dma_semaphore, #tpu.memory_space<semaphore_mem>>, %arg10: memref<!tpu.dma_semaphore, #tpu.memory_space<semaphore_mem>>) attributes {dimension_semantics = [#tpu.dimension_semantics<core_parallel>, #tpu.dimension_semantics<subcore_parallel>], iteration_bounds = array<i64: 2, 16>, scalar_prefetch = 0 : i64, scratch_operands = 5 : i64, tpu.core_type = #tpu.core_type<sc_vector_subcore>, window_params = [{transform_indices = #map}, {transform_indices = #map1}, {transform_indices = #map}, {transform_indices = #map2}]} {
    %mul3A = arith.constant 640 : i32
    %mul3A_0 = arith.muli %arg1, %mul3A : i32
    "tpu.region"() ({
      %run_scoped3A = tpu.sem_alloc : memref<!tpu.dma_semaphore, #tpu.memory_space<semaphore_mem>>
      %dma_start3A = arith.constant 0 : i32
      %dma_start3A_51 = tpu.memref_slice %arg8[%mul3A_0, %dma_start3A] : memref<10240x128xf32, #tpu.memory_space<vmem_shared>> -> memref<640x128xf32, #tpu.memory_space<vmem_shared>>
      %dma_start3A_52 = arith.constant 0 : i32
      %dma_start3A_53 = tpu.memref_slice %arg4[%mul3A_0, %dma_start3A_52] : memref<10240x128xf32, #tpu.memory_space<hbm>> -> memref<640x128xf32, #tpu.memory_space<hbm>>
      tpu.enqueue_dma source(%dma_start3A_53 : memref<640x128xf32, #tpu.memory_space<hbm>>) target(%dma_start3A_51 : memref<640x128xf32, #tpu.memory_space<vmem_shared>>) target_semaphore(%run_scoped3A : memref<!tpu.dma_semaphore, #tpu.memory_space<semaphore_mem>>)
      %dma_wait3A_54 = arith.constant 0 : i32
      %dma_wait3A_55 = tpu.memref_slice %arg8[%mul3A_0, %dma_wait3A_54] : memref<10240x128xf32, #tpu.memory_space<vmem_shared>> -> memref<640x128xf32, #tpu.memory_space<vmem_shared>>
      %dma_wait3A_56 = arith.constant 0 : i32
      %dma_wait3A_57 = tpu.memref_slice %arg4[%mul3A_0, %dma_wait3A_56] : memref<10240x128xf32, #tpu.memory_space<hbm>> -> memref<640x128xf32, #tpu.memory_space<hbm>>
      tpu.wait_dma2 semaphore(%run_scoped3A : memref<!tpu.dma_semaphore, #tpu.memory_space<semaphore_mem>>) src(%dma_wait3A_57 : memref<640x128xf32, #tpu.memory_space<hbm>>) dst(%dma_wait3A_55 : memref<640x128xf32, #tpu.memory_space<vmem_shared>>)
      tpu.yield
    }) : () -> ()
    %barrier3A = arith.constant 0 : index
    tpu.barrier barrier_id(%barrier3A)
    %scan3A = arith.constant 0 : i32
    %scan3A_1 = arith.constant 0 : i32
    %scan3A_2 = arith.constant 28 : i32
    %scan3A_3 = arith.addi %scan3A_1, %scan3A_2 : i32
    %scan3A_4 = arith.constant 1 : i32
    scf.for %scan3A_51 = %scan3A_1 to %scan3A_3 step %scan3A_4  : i32 {
      %mul3A_52 = arith.constant 28 : i32
      %mul3A_53 = arith.muli %arg1, %mul3A_52 : i32
      %add3A = arith.addi %mul3A_53, %scan3A_51 : i32
      %rem3A = arith.constant 2 : i32
      %rem3A_54 = arith.remsi %scan3A_51, %rem3A : i32
      "tpu.region"() ({
        %run_scoped3A = tpu.sem_alloc : memref<!tpu.dma_semaphore, #tpu.memory_space<semaphore_mem>>
        %dma_start3A_173 = arith.constant 0 : i32
        %dma_start3A_174 = arith.constant 0 : i32
        %dma_start3A_175 = arith.constant 0 : i32
        %dma_start3A_176 = tpu.memref_slice %arg6[%rem3A_54, %dma_start3A_173, %dma_start3A_174, %dma_start3A_175] : memref<2x2x3x120xi32, #tpu.memory_space<vmem>> -> memref<1x2x3x120xi32, #tpu.memory_space<vmem>>
        %dma_start3A_177 = tpu.memref_squeeze %dma_start3A_176 : memref<1x2x3x120xi32, #tpu.memory_space<vmem>> -> memref<2x3x120xi32, #tpu.memory_space<vmem>>
        %dma_start3A_178 = arith.constant 0 : i32
        %dma_start3A_179 = arith.constant 0 : i32
        %dma_start3A_180 = arith.constant 0 : i32
        %dma_start3A_181 = tpu.memref_slice %arg3[%arg0, %add3A, %dma_start3A_178, %dma_start3A_179, %dma_start3A_180] : memref<2x448x2x3x120xi32, #tpu.memory_space<hbm>> -> memref<1x1x2x3x120xi32, #tpu.memory_space<hbm>>
        %dma_start3A_182 = tpu.memref_squeeze %dma_start3A_181 : memref<1x1x2x3x120xi32, #tpu.memory_space<hbm>> -> memref<2x3x120xi32, #tpu.memory_space<hbm>>
        %dma_start3A_183 = arith.constant 0 : i32
        %dma_start3A_184 = arith.constant 0 : i32
        %dma_start3A_185 = arith.constant 0 : i32
        %dma_start3A_186 = tpu.memref_slice %arg6[%rem3A_54, %dma_start3A_183, %dma_start3A_184, %dma_start3A_185] : memref<2x2x3x120xi32, #tpu.memory_space<vmem>> -> memref<1x2x3x120xi32, #tpu.memory_space<vmem>>
        %dma_start3A_187 = tpu.memref_squeeze %dma_start3A_186 : memref<1x2x3x120xi32, #tpu.memory_space<vmem>> -> memref<2x3x120xi32, #tpu.memory_space<vmem>>
        %dma_start3A_188 = arith.constant 0 : i32
        %dma_start3A_189 = arith.constant 0 : i32
        %dma_start3A_190 = arith.constant 0 : i32
        %dma_start3A_191 = tpu.memref_slice %arg3[%arg0, %add3A, %dma_start3A_188, %dma_start3A_189, %dma_start3A_190] : memref<2x448x2x3x120xi32, #tpu.memory_space<hbm>> -> memref<1x1x2x3x120xi32, #tpu.memory_space<hbm>>
        %dma_start3A_192 = tpu.memref_squeeze %dma_start3A_191 : memref<1x1x2x3x120xi32, #tpu.memory_space<hbm>> -> memref<2x3x120xi32, #tpu.memory_space<hbm>>
        tpu.enqueue_dma source(%dma_start3A_192 : memref<2x3x120xi32, #tpu.memory_space<hbm>>) target(%dma_start3A_187 : memref<2x3x120xi32, #tpu.memory_space<vmem>>) target_semaphore(%run_scoped3A : memref<!tpu.dma_semaphore, #tpu.memory_space<semaphore_mem>>)
        %dma_wait3A_193 = arith.constant 0 : i32
        %dma_wait3A_194 = arith.constant 0 : i32
        %dma_wait3A_195 = arith.constant 0 : i32
        %dma_wait3A_196 = tpu.memref_slice %arg6[%rem3A_54, %dma_wait3A_193, %dma_wait3A_194, %dma_wait3A_195] : memref<2x2x3x120xi32, #tpu.memory_space<vmem>> -> memref<1x2x3x120xi32, #tpu.memory_space<vmem>>
        %dma_wait3A_197 = tpu.memref_squeeze %dma_wait3A_196 : memref<1x2x3x120xi32, #tpu.memory_space<vmem>> -> memref<2x3x120xi32, #tpu.memory_space<vmem>>
        %dma_wait3A_198 = arith.constant 0 : i32
        %dma_wait3A_199 = arith.constant 0 : i32
        %dma_wait3A_200 = arith.constant 0 : i32
        %dma_wait3A_201 = tpu.memref_slice %arg3[%arg0, %add3A, %dma_wait3A_198, %dma_wait3A_199, %dma_wait3A_200] : memref<2x448x2x3x120xi32, #tpu.memory_space<hbm>> -> memref<1x1x2x3x120xi32, #tpu.memory_space<hbm>>
        %dma_wait3A_202 = tpu.memref_squeeze %dma_wait3A_201 : memref<1x1x2x3x120xi32, #tpu.memory_space<hbm>> -> memref<2x3x120xi32, #tpu.memory_space<hbm>>
        %dma_wait3A_203 = arith.constant 0 : i32
        %dma_wait3A_204 = arith.constant 0 : i32
        %dma_wait3A_205 = arith.constant 0 : i32
        %dma_wait3A_206 = tpu.memref_slice %arg6[%rem3A_54, %dma_wait3A_203, %dma_wait3A_204, %dma_wait3A_205] : memref<2x2x3x120xi32, #tpu.memory_space<vmem>> -> memref<1x2x3x120xi32, #tpu.memory_space<vmem>>
        %dma_wait3A_207 = tpu.memref_squeeze %dma_wait3A_206 : memref<1x2x3x120xi32, #tpu.memory_space<vmem>> -> memref<2x3x120xi32, #tpu.memory_space<vmem>>
        %dma_wait3A_208 = arith.constant 0 : i32
        %dma_wait3A_209 = arith.constant 0 : i32
        %dma_wait3A_210 = arith.constant 0 : i32
        %dma_wait3A_211 = tpu.memref_slice %arg3[%arg0, %add3A, %dma_wait3A_208, %dma_wait3A_209, %dma_wait3A_210] : memref<2x448x2x3x120xi32, #tpu.memory_space<hbm>> -> memref<1x1x2x3x120xi32, #tpu.memory_space<hbm>>
        %dma_wait3A_212 = tpu.memref_squeeze %dma_wait3A_211 : memref<1x1x2x3x120xi32, #tpu.memory_space<hbm>> -> memref<2x3x120xi32, #tpu.memory_space<hbm>>
        tpu.wait_dma2 semaphore(%run_scoped3A : memref<!tpu.dma_semaphore, #tpu.memory_space<semaphore_mem>>) src(%dma_wait3A_212 : memref<2x3x120xi32, #tpu.memory_space<hbm>>) dst(%dma_wait3A_207 : memref<2x3x120xi32, #tpu.memory_space<vmem>>)
        tpu.yield
      }) : () -> ()
      %gt3A = arith.constant 0 : i32
      %gt3A_55 = arith.cmpi sgt, %scan3A_51, %gt3A : i32
      %convert_element_type3A = arith.extui %gt3A_55 : i1 to i32
      %cond3A = arith.constant 0 : i32
      %cond3A_56 = arith.cmpi ne, %convert_element_type3A, %cond3A : i32
      scf.if %cond3A_56 {
        %dma_wait3A_173 = arith.constant 0 : i32
        %dma_wait3A_174 = arith.constant 0 : i32
        %dma_wait3A_175 = arith.constant 0 : i32
        %dma_wait3A_176 = tpu.memref_slice %arg7[%dma_wait3A_173, %dma_wait3A_174, %dma_wait3A_175] : memref<3x120x128xf32, #tpu.memory_space<vmem>> -> memref<1x120x128xf32, #tpu.memory_space<vmem>>
        %dma_wait3A_177 = tpu.memref_squeeze %dma_wait3A_176 : memref<1x120x128xf32, #tpu.memory_space<vmem>> -> memref<120x128xf32, #tpu.memory_space<vmem>>
        %dma_wait3A_178 = arith.constant 0 : i32
        %dma_wait3A_179 = arith.constant 0 : i32
        %dma_wait3A_180 = tpu.memref_slice %arg2[%dma_wait3A_178, %dma_wait3A_179] : memref<10240x128xf32, #tpu.memory_space<hbm>> -> memref<120x128xf32, #tpu.memory_space<hbm>>
        %dma_wait3A_181 = arith.constant 0 : i32
        %dma_wait3A_182 = arith.constant 0 : i32
        %dma_wait3A_183 = tpu.memref_slice %arg7[%dma_wait3A_173, %dma_wait3A_181, %dma_wait3A_182] : memref<3x120x128xf32, #tpu.memory_space<vmem>> -> memref<1x120x128xf32, #tpu.memory_space<vmem>>
        %dma_wait3A_184 = tpu.memref_squeeze %dma_wait3A_183 : memref<1x120x128xf32, #tpu.memory_space<vmem>> -> memref<120x128xf32, #tpu.memory_space<vmem>>
        %dma_wait3A_185 = arith.constant 0 : i32
        %dma_wait3A_186 = arith.constant 0 : i32
        %dma_wait3A_187 = tpu.memref_slice %arg2[%dma_wait3A_185, %dma_wait3A_186] : memref<10240x128xf32, #tpu.memory_space<hbm>> -> memref<120x128xf32, #tpu.memory_space<hbm>>
        tpu.wait_dma2 semaphore(%arg10 : memref<!tpu.dma_semaphore, #tpu.memory_space<semaphore_mem>>) src(%dma_wait3A_187 : memref<120x128xf32, #tpu.memory_space<hbm>>) dst(%dma_wait3A_184 : memref<120x128xf32, #tpu.memory_space<vmem>>)
        %dma_wait3A_188 = arith.constant 1 : i32
        %dma_wait3A_189 = arith.constant 0 : i32
        %dma_wait3A_190 = arith.constant 0 : i32
        %dma_wait3A_191 = tpu.memref_slice %arg7[%dma_wait3A_188, %dma_wait3A_189, %dma_wait3A_190] : memref<3x120x128xf32, #tpu.memory_space<vmem>> -> memref<1x120x128xf32, #tpu.memory_space<vmem>>
        %dma_wait3A_192 = tpu.memref_squeeze %dma_wait3A_191 : memref<1x120x128xf32, #tpu.memory_space<vmem>> -> memref<120x128xf32, #tpu.memory_space<vmem>>
        %dma_wait3A_193 = arith.constant 0 : i32
        %dma_wait3A_194 = arith.constant 0 : i32
        %dma_wait3A_195 = tpu.memref_slice %arg2[%dma_wait3A_193, %dma_wait3A_194] : memref<10240x128xf32, #tpu.memory_space<hbm>> -> memref<120x128xf32, #tpu.memory_space<hbm>>
        %dma_wait3A_196 = arith.constant 0 : i32
        %dma_wait3A_197 = arith.constant 0 : i32
        %dma_wait3A_198 = tpu.memref_slice %arg7[%dma_wait3A_188, %dma_wait3A_196, %dma_wait3A_197] : memref<3x120x128xf32, #tpu.memory_space<vmem>> -> memref<1x120x128xf32, #tpu.memory_space<vmem>>
        %dma_wait3A_199 = tpu.memref_squeeze %dma_wait3A_198 : memref<1x120x128xf32, #tpu.memory_space<vmem>> -> memref<120x128xf32, #tpu.memory_space<vmem>>
        %dma_wait3A_200 = arith.constant 0 : i32
        %dma_wait3A_201 = arith.constant 0 : i32
        %dma_wait3A_202 = tpu.memref_slice %arg2[%dma_wait3A_200, %dma_wait3A_201] : memref<10240x128xf32, #tpu.memory_space<hbm>> -> memref<120x128xf32, #tpu.memory_space<hbm>>
        tpu.wait_dma2 semaphore(%arg10 : memref<!tpu.dma_semaphore, #tpu.memory_space<semaphore_mem>>) src(%dma_wait3A_202 : memref<120x128xf32, #tpu.memory_space<hbm>>) dst(%dma_wait3A_199 : memref<120x128xf32, #tpu.memory_space<vmem>>)
        %dma_wait3A_203 = arith.constant 2 : i32
        %dma_wait3A_204 = arith.constant 0 : i32
        %dma_wait3A_205 = arith.constant 0 : i32
        %dma_wait3A_206 = tpu.memref_slice %arg7[%dma_wait3A_203, %dma_wait3A_204, %dma_wait3A_205] : memref<3x120x128xf32, #tpu.memory_space<vmem>> -> memref<1x120x128xf32, #tpu.memory_space<vmem>>
        %dma_wait3A_207 = tpu.memref_squeeze %dma_wait3A_206 : memref<1x120x128xf32, #tpu.memory_space<vmem>> -> memref<120x128xf32, #tpu.memory_space<vmem>>
        %dma_wait3A_208 = arith.constant 0 : i32
        %dma_wait3A_209 = arith.constant 0 : i32
        %dma_wait3A_210 = tpu.memref_slice %arg2[%dma_wait3A_208, %dma_wait3A_209] : memref<10240x128xf32, #tpu.memory_space<hbm>> -> memref<120x128xf32, #tpu.memory_space<hbm>>
        %dma_wait3A_211 = arith.constant 0 : i32
        %dma_wait3A_212 = arith.constant 0 : i32
        %dma_wait3A_213 = tpu.memref_slice %arg7[%dma_wait3A_203, %dma_wait3A_211, %dma_wait3A_212] : memref<3x120x128xf32, #tpu.memory_space<vmem>> -> memref<1x120x128xf32, #tpu.memory_space<vmem>>
        %dma_wait3A_214 = tpu.memref_squeeze %dma_wait3A_213 : memref<1x120x128xf32, #tpu.memory_space<vmem>> -> memref<120x128xf32, #tpu.memory_space<vmem>>
        %dma_wait3A_215 = arith.constant 0 : i32
        %dma_wait3A_216 = arith.constant 0 : i32
        %dma_wait3A_217 = tpu.memref_slice %arg2[%dma_wait3A_215, %dma_wait3A_216] : memref<10240x128xf32, #tpu.memory_space<hbm>> -> memref<120x128xf32, #tpu.memory_space<hbm>>
        tpu.wait_dma2 semaphore(%arg10 : memref<!tpu.dma_semaphore, #tpu.memory_space<semaphore_mem>>) src(%dma_wait3A_217 : memref<120x128xf32, #tpu.memory_space<hbm>>) dst(%dma_wait3A_214 : memref<120x128xf32, #tpu.memory_space<vmem>>)
      } else {
      }
      %dma_start3A = arith.constant 0 : i32
      %dma_start3A_57 = arith.constant 0 : i32
      %dma_start3A_58 = arith.constant 0 : i32
      %dma_start3A_59 = arith.constant 0 : i32
      %dma_start3A_60 = arith.constant 0 : i32
      %dma_start3A_61 = tpu.memref_slice %arg7[%dma_start3A_58, %dma_start3A_59, %dma_start3A_60] : memref<3x120x128xf32, #tpu.memory_space<vmem>> -> memref<1x120x128xf32, #tpu.memory_space<vmem>>
      %dma_start3A_62 = tpu.memref_squeeze %dma_start3A_61 : memref<1x120x128xf32, #tpu.memory_space<vmem>> -> memref<120x128xf32, #tpu.memory_space<vmem>>
      %dma_start3A_63 = arith.constant 0 : i32
      %dma_start3A_64 = tpu.memref_slice %arg6[%rem3A_54, %dma_start3A, %dma_start3A_57, %dma_start3A_63] : memref<2x2x3x120xi32, #tpu.memory_space<vmem>> -> memref<1x1x1x120xi32, #tpu.memory_space<vmem>>
      %dma_start3A_65 = tpu.memref_squeeze %dma_start3A_64 : memref<1x1x1x120xi32, #tpu.memory_space<vmem>> -> memref<120xi32, #tpu.memory_space<vmem>>
      %dma_start3A_66 = arith.constant 0 : i32
      %dma_start3A_67 = arith.constant 0 : i32
      %dma_start3A_68 = tpu.memref_slice %arg2[%dma_start3A_66, %dma_start3A_67] : memref<10240x128xf32, #tpu.memory_space<hbm>> -> memref<10240x128xf32, #tpu.memory_space<hbm>>
      tpu.enqueue_indirect_dma source(%dma_start3A_68 : memref<10240x128xf32, #tpu.memory_space<hbm>>) target(%dma_start3A_62 : memref<120x128xf32, #tpu.memory_space<vmem>>) offsets(%dma_start3A_65 : memref<120xi32, #tpu.memory_space<vmem>>) semaphore(%arg9 : memref<!tpu.dma_semaphore, #tpu.memory_space<semaphore_mem>>)
      %dma_start3A_69 = arith.constant 0 : i32
      %dma_start3A_70 = arith.constant 1 : i32
      %dma_start3A_71 = arith.constant 1 : i32
      %dma_start3A_72 = arith.constant 0 : i32
      %dma_start3A_73 = arith.constant 0 : i32
      %dma_start3A_74 = tpu.memref_slice %arg7[%dma_start3A_71, %dma_start3A_72, %dma_start3A_73] : memref<3x120x128xf32, #tpu.memory_space<vmem>> -> memref<1x120x128xf32, #tpu.memory_space<vmem>>
      %dma_start3A_75 = tpu.memref_squeeze %dma_start3A_74 : memref<1x120x128xf32, #tpu.memory_space<vmem>> -> memref<120x128xf32, #tpu.memory_space<vmem>>
      %dma_start3A_76 = arith.constant 0 : i32
      %dma_start3A_77 = tpu.memref_slice %arg6[%rem3A_54, %dma_start3A_69, %dma_start3A_70, %dma_start3A_76] : memref<2x2x3x120xi32, #tpu.memory_space<vmem>> -> memref<1x1x1x120xi32, #tpu.memory_space<vmem>>
      %dma_start3A_78 = tpu.memref_squeeze %dma_start3A_77 : memref<1x1x1x120xi32, #tpu.memory_space<vmem>> -> memref<120xi32, #tpu.memory_space<vmem>>
      %dma_start3A_79 = arith.constant 0 : i32
      %dma_start3A_80 = arith.constant 0 : i32
      %dma_start3A_81 = tpu.memref_slice %arg2[%dma_start3A_79, %dma_start3A_80] : memref<10240x128xf32, #tpu.memory_space<hbm>> -> memref<10240x128xf32, #tpu.memory_space<hbm>>
      tpu.enqueue_indirect_dma source(%dma_start3A_81 : memref<10240x128xf32, #tpu.memory_space<hbm>>) target(%dma_start3A_75 : memref<120x128xf32, #tpu.memory_space<vmem>>) offsets(%dma_start3A_78 : memref<120xi32, #tpu.memory_space<vmem>>) semaphore(%arg9 : memref<!tpu.dma_semaphore, #tpu.memory_space<semaphore_mem>>)
      %dma_start3A_82 = arith.constant 0 : i32
      %dma_start3A_83 = arith.constant 2 : i32
      %dma_start3A_84 = arith.constant 2 : i32
      %dma_start3A_85 = arith.constant 0 : i32
      %dma_start3A_86 = arith.constant 0 : i32
      %dma_start3A_87 = tpu.memref_slice %arg7[%dma_start3A_84, %dma_start3A_85, %dma_start3A_86] : memref<3x120x128xf32, #tpu.memory_space<vmem>> -> memref<1x120x128xf32, #tpu.memory_space<vmem>>
      %dma_start3A_88 = tpu.memref_squeeze %dma_start3A_87 : memref<1x120x128xf32, #tpu.memory_space<vmem>> -> memref<120x128xf32, #tpu.memory_space<vmem>>
      %dma_start3A_89 = arith.constant 0 : i32
      %dma_start3A_90 = tpu.memref_slice %arg6[%rem3A_54, %dma_start3A_82, %dma_start3A_83, %dma_start3A_89] : memref<2x2x3x120xi32, #tpu.memory_space<vmem>> -> memref<1x1x1x120xi32, #tpu.memory_space<vmem>>
      %dma_start3A_91 = tpu.memref_squeeze %dma_start3A_90 : memref<1x1x1x120xi32, #tpu.memory_space<vmem>> -> memref<120xi32, #tpu.memory_space<vmem>>
      %dma_start3A_92 = arith.constant 0 : i32
      %dma_start3A_93 = arith.constant 0 : i32
      %dma_start3A_94 = tpu.memref_slice %arg2[%dma_start3A_92, %dma_start3A_93] : memref<10240x128xf32, #tpu.memory_space<hbm>> -> memref<10240x128xf32, #tpu.memory_space<hbm>>
      tpu.enqueue_indirect_dma source(%dma_start3A_94 : memref<10240x128xf32, #tpu.memory_space<hbm>>) target(%dma_start3A_88 : memref<120x128xf32, #tpu.memory_space<vmem>>) offsets(%dma_start3A_91 : memref<120xi32, #tpu.memory_space<vmem>>) semaphore(%arg9 : memref<!tpu.dma_semaphore, #tpu.memory_space<semaphore_mem>>)
      %dma_wait3A_95 = arith.constant 0 : i32
      %dma_wait3A_96 = arith.constant 0 : i32
      %dma_wait3A_97 = arith.constant 0 : i32
      %dma_wait3A_98 = arith.constant 0 : i32
      %dma_wait3A_99 = arith.constant 0 : i32
      %dma_wait3A_100 = tpu.memref_slice %arg7[%dma_wait3A_97, %dma_wait3A_98, %dma_wait3A_99] : memref<3x120x128xf32, #tpu.memory_space<vmem>> -> memref<1x120x128xf32, #tpu.memory_space<vmem>>
      %dma_wait3A_101 = tpu.memref_squeeze %dma_wait3A_100 : memref<1x120x128xf32, #tpu.memory_space<vmem>> -> memref<120x128xf32, #tpu.memory_space<vmem>>
      %dma_wait3A_102 = arith.constant 0 : i32
      %dma_wait3A_103 = tpu.memref_slice %arg6[%rem3A_54, %dma_wait3A_95, %dma_wait3A_96, %dma_wait3A_102] : memref<2x2x3x120xi32, #tpu.memory_space<vmem>> -> memref<1x1x1x120xi32, #tpu.memory_space<vmem>>
      %dma_wait3A_104 = tpu.memref_squeeze %dma_wait3A_103 : memref<1x1x1x120xi32, #tpu.memory_space<vmem>> -> memref<120xi32, #tpu.memory_space<vmem>>
      %dma_wait3A_105 = arith.constant 0 : i32
      %dma_wait3A_106 = arith.constant 0 : i32
      %dma_wait3A_107 = tpu.memref_slice %arg2[%dma_wait3A_105, %dma_wait3A_106] : memref<10240x128xf32, #tpu.memory_space<hbm>> -> memref<10240x128xf32, #tpu.memory_space<hbm>>
      tpu.wait_indirect_dma semaphore(%arg9 : memref<!tpu.dma_semaphore, #tpu.memory_space<semaphore_mem>>) src(%dma_wait3A_107 : memref<10240x128xf32, #tpu.memory_space<hbm>>) dst(%dma_wait3A_101 : memref<120x128xf32, #tpu.memory_space<vmem>>)
      %dma_start3A_108 = arith.constant 0 : i32
      %dma_start3A_109 = arith.constant 1 : i32
      %dma_start3A_110 = arith.constant 0 : i32
      %dma_start3A_111 = arith.constant 0 : i32
      %dma_start3A_112 = arith.constant 0 : i32
      %dma_start3A_113 = tpu.memref_slice %arg7[%dma_start3A_108, %dma_start3A_111, %dma_start3A_112] : memref<3x120x128xf32, #tpu.memory_space<vmem>> -> memref<1x120x128xf32, #tpu.memory_space<vmem>>
      %dma_start3A_114 = tpu.memref_squeeze %dma_start3A_113 : memref<1x120x128xf32, #tpu.memory_space<vmem>> -> memref<120x128xf32, #tpu.memory_space<vmem>>
      %dma_start3A_115 = arith.constant 0 : i32
      %dma_start3A_116 = tpu.memref_slice %arg6[%rem3A_54, %dma_start3A_109, %dma_start3A_110, %dma_start3A_115] : memref<2x2x3x120xi32, #tpu.memory_space<vmem>> -> memref<1x1x1x120xi32, #tpu.memory_space<vmem>>
      %dma_start3A_117 = tpu.memref_squeeze %dma_start3A_116 : memref<1x1x1x120xi32, #tpu.memory_space<vmem>> -> memref<120xi32, #tpu.memory_space<vmem>>
      %dma_start3A_118 = arith.constant 0 : i32
      %dma_start3A_119 = arith.constant 0 : i32
      %dma_start3A_120 = tpu.memref_slice %arg8[%dma_start3A_118, %dma_start3A_119] : memref<10240x128xf32, #tpu.memory_space<vmem_shared>> -> memref<10240x128xf32, #tpu.memory_space<vmem_shared>>
      tpu.enqueue_indirect_dma source(%dma_start3A_114 : memref<120x128xf32, #tpu.memory_space<vmem>>) target(%dma_start3A_120 : memref<10240x128xf32, #tpu.memory_space<vmem_shared>>) offsets(%dma_start3A_117 : memref<120xi32, #tpu.memory_space<vmem>>) semaphore(%arg10 : memref<!tpu.dma_semaphore, #tpu.memory_space<semaphore_mem>>) {add = true}
      %dma_wait3A_121 = arith.constant 0 : i32
      %dma_wait3A_122 = arith.constant 1 : i32
      %dma_wait3A_123 = arith.constant 1 : i32
      %dma_wait3A_124 = arith.constant 0 : i32
      %dma_wait3A_125 = arith.constant 0 : i32
      %dma_wait3A_126 = tpu.memref_slice %arg7[%dma_wait3A_123, %dma_wait3A_124, %dma_wait3A_125] : memref<3x120x128xf32, #tpu.memory_space<vmem>> -> memref<1x120x128xf32, #tpu.memory_space<vmem>>
      %dma_wait3A_127 = tpu.memref_squeeze %dma_wait3A_126 : memref<1x120x128xf32, #tpu.memory_space<vmem>> -> memref<120x128xf32, #tpu.memory_space<vmem>>
      %dma_wait3A_128 = arith.constant 0 : i32
      %dma_wait3A_129 = tpu.memref_slice %arg6[%rem3A_54, %dma_wait3A_121, %dma_wait3A_122, %dma_wait3A_128] : memref<2x2x3x120xi32, #tpu.memory_space<vmem>> -> memref<1x1x1x120xi32, #tpu.memory_space<vmem>>
      %dma_wait3A_130 = tpu.memref_squeeze %dma_wait3A_129 : memref<1x1x1x120xi32, #tpu.memory_space<vmem>> -> memref<120xi32, #tpu.memory_space<vmem>>
      %dma_wait3A_131 = arith.constant 0 : i32
      %dma_wait3A_132 = arith.constant 0 : i32
      %dma_wait3A_133 = tpu.memref_slice %arg2[%dma_wait3A_131, %dma_wait3A_132] : memref<10240x128xf32, #tpu.memory_space<hbm>> -> memref<10240x128xf32, #tpu.memory_space<hbm>>
      tpu.wait_indirect_dma semaphore(%arg9 : memref<!tpu.dma_semaphore, #tpu.memory_space<semaphore_mem>>) src(%dma_wait3A_133 : memref<10240x128xf32, #tpu.memory_space<hbm>>) dst(%dma_wait3A_127 : memref<120x128xf32, #tpu.memory_space<vmem>>)
      %dma_start3A_134 = arith.constant 1 : i32
      %dma_start3A_135 = arith.constant 1 : i32
      %dma_start3A_136 = arith.constant 1 : i32
      %dma_start3A_137 = arith.constant 0 : i32
      %dma_start3A_138 = arith.constant 0 : i32
      %dma_start3A_139 = tpu.memref_slice %arg7[%dma_start3A_134, %dma_start3A_137, %dma_start3A_138] : memref<3x120x128xf32, #tpu.memory_space<vmem>> -> memref<1x120x128xf32, #tpu.memory_space<vmem>>
      %dma_start3A_140 = tpu.memref_squeeze %dma_start3A_139 : memref<1x120x128xf32, #tpu.memory_space<vmem>> -> memref<120x128xf32, #tpu.memory_space<vmem>>
      %dma_start3A_141 = arith.constant 0 : i32
      %dma_start3A_142 = tpu.memref_slice %arg6[%rem3A_54, %dma_start3A_135, %dma_start3A_136, %dma_start3A_141] : memref<2x2x3x120xi32, #tpu.memory_space<vmem>> -> memref<1x1x1x120xi32, #tpu.memory_space<vmem>>
      %dma_start3A_143 = tpu.memref_squeeze %dma_start3A_142 : memref<1x1x1x120xi32, #tpu.memory_space<vmem>> -> memref<120xi32, #tpu.memory_space<vmem>>
      %dma_start3A_144 = arith.constant 0 : i32
      %dma_start3A_145 = arith.constant 0 : i32
      %dma_start3A_146 = tpu.memref_slice %arg8[%dma_start3A_144, %dma_start3A_145] : memref<10240x128xf32, #tpu.memory_space<vmem_shared>> -> memref<10240x128xf32, #tpu.memory_space<vmem_shared>>
      tpu.enqueue_indirect_dma source(%dma_start3A_140 : memref<120x128xf32, #tpu.memory_space<vmem>>) target(%dma_start3A_146 : memref<10240x128xf32, #tpu.memory_space<vmem_shared>>) offsets(%dma_start3A_143 : memref<120xi32, #tpu.memory_space<vmem>>) semaphore(%arg10 : memref<!tpu.dma_semaphore, #tpu.memory_space<semaphore_mem>>) {add = true}
      %dma_wait3A_147 = arith.constant 0 : i32
      %dma_wait3A_148 = arith.constant 2 : i32
      %dma_wait3A_149 = arith.constant 2 : i32
      %dma_wait3A_150 = arith.constant 0 : i32
      %dma_wait3A_151 = arith.constant 0 : i32
      %dma_wait3A_152 = tpu.memref_slice %arg7[%dma_wait3A_149, %dma_wait3A_150, %dma_wait3A_151] : memref<3x120x128xf32, #tpu.memory_space<vmem>> -> memref<1x120x128xf32, #tpu.memory_space<vmem>>
      %dma_wait3A_153 = tpu.memref_squeeze %dma_wait3A_152 : memref<1x120x128xf32, #tpu.memory_space<vmem>> -> memref<120x128xf32, #tpu.memory_space<vmem>>
      %dma_wait3A_154 = arith.constant 0 : i32
      %dma_wait3A_155 = tpu.memref_slice %arg6[%rem3A_54, %dma_wait3A_147, %dma_wait3A_148, %dma_wait3A_154] : memref<2x2x3x120xi32, #tpu.memory_space<vmem>> -> memref<1x1x1x120xi32, #tpu.memory_space<vmem>>
      %dma_wait3A_156 = tpu.memref_squeeze %dma_wait3A_155 : memref<1x1x1x120xi32, #tpu.memory_space<vmem>> -> memref<120xi32, #tpu.memory_space<vmem>>
      %dma_wait3A_157 = arith.constant 0 : i32
      %dma_wait3A_158 = arith.constant 0 : i32
      %dma_wait3A_159 = tpu.memref_slice %arg2[%dma_wait3A_157, %dma_wait3A_158] : memref<10240x128xf32, #tpu.memory_space<hbm>> -> memref<10240x128xf32, #tpu.memory_space<hbm>>
      tpu.wait_indirect_dma semaphore(%arg9 : memref<!tpu.dma_semaphore, #tpu.memory_space<semaphore_mem>>) src(%dma_wait3A_159 : memref<10240x128xf32, #tpu.memory_space<hbm>>) dst(%dma_wait3A_153 : memref<120x128xf32, #tpu.memory_space<vmem>>)
      %dma_start3A_160 = arith.constant 2 : i32
      %dma_start3A_161 = arith.constant 1 : i32
      %dma_start3A_162 = arith.constant 2 : i32
      %dma_start3A_163 = arith.constant 0 : i32
      %dma_start3A_164 = arith.constant 0 : i32
      %dma_start3A_165 = tpu.memref_slice %arg7[%dma_start3A_160, %dma_start3A_163, %dma_start3A_164] : memref<3x120x128xf32, #tpu.memory_space<vmem>> -> memref<1x120x128xf32, #tpu.memory_space<vmem>>
      %dma_start3A_166 = tpu.memref_squeeze %dma_start3A_165 : memref<1x120x128xf32, #tpu.memory_space<vmem>> -> memref<120x128xf32, #tpu.memory_space<vmem>>
      %dma_start3A_167 = arith.constant 0 : i32
      %dma_start3A_168 = tpu.memref_slice %arg6[%rem3A_54, %dma_start3A_161, %dma_start3A_162, %dma_start3A_167] : memref<2x2x3x120xi32, #tpu.memory_space<vmem>> -> memref<1x1x1x120xi32, #tpu.memory_space<vmem>>
      %dma_start3A_169 = tpu.memref_squeeze %dma_start3A_168 : memref<1x1x1x120xi32, #tpu.memory_space<vmem>> -> memref<120xi32, #tpu.memory_space<vmem>>
      %dma_start3A_170 = arith.constant 0 : i32
      %dma_start3A_171 = arith.constant 0 : i32
      %dma_start3A_172 = tpu.memref_slice %arg8[%dma_start3A_170, %dma_start3A_171] : memref<10240x128xf32, #tpu.memory_space<vmem_shared>> -> memref<10240x128xf32, #tpu.memory_space<vmem_shared>>
      tpu.enqueue_indirect_dma source(%dma_start3A_166 : memref<120x128xf32, #tpu.memory_space<vmem>>) target(%dma_start3A_172 : memref<10240x128xf32, #tpu.memory_space<vmem_shared>>) offsets(%dma_start3A_169 : memref<120xi32, #tpu.memory_space<vmem>>) semaphore(%arg10 : memref<!tpu.dma_semaphore, #tpu.memory_space<semaphore_mem>>) {add = true}
    }
    %scan3A_5 = arith.constant 28 : i32
    %dma_wait3A = arith.constant 0 : i32
    %dma_wait3A_6 = arith.constant 0 : i32
    %dma_wait3A_7 = arith.constant 0 : i32
    %dma_wait3A_8 = tpu.memref_slice %arg7[%dma_wait3A, %dma_wait3A_6, %dma_wait3A_7] : memref<3x120x128xf32, #tpu.memory_space<vmem>> -> memref<1x120x128xf32, #tpu.memory_space<vmem>>
    %dma_wait3A_9 = tpu.memref_squeeze %dma_wait3A_8 : memref<1x120x128xf32, #tpu.memory_space<vmem>> -> memref<120x128xf32, #tpu.memory_space<vmem>>
    %dma_wait3A_10 = arith.constant 0 : i32
    %dma_wait3A_11 = arith.constant 0 : i32
    %dma_wait3A_12 = tpu.memref_slice %arg2[%dma_wait3A_10, %dma_wait3A_11] : memref<10240x128xf32, #tpu.memory_space<hbm>> -> memref<120x128xf32, #tpu.memory_space<hbm>>
    %dma_wait3A_13 = arith.constant 0 : i32
    %dma_wait3A_14 = arith.constant 0 : i32
    %dma_wait3A_15 = tpu.memref_slice %arg7[%dma_wait3A, %dma_wait3A_13, %dma_wait3A_14] : memref<3x120x128xf32, #tpu.memory_space<vmem>> -> memref<1x120x128xf32, #tpu.memory_space<vmem>>
    %dma_wait3A_16 = tpu.memref_squeeze %dma_wait3A_15 : memref<1x120x128xf32, #tpu.memory_space<vmem>> -> memref<120x128xf32, #tpu.memory_space<vmem>>
    %dma_wait3A_17 = arith.constant 0 : i32
    %dma_wait3A_18 = arith.constant 0 : i32
    %dma_wait3A_19 = tpu.memref_slice %arg2[%dma_wait3A_17, %dma_wait3A_18] : memref<10240x128xf32, #tpu.memory_space<hbm>> -> memref<120x128xf32, #tpu.memory_space<hbm>>
    tpu.wait_dma2 semaphore(%arg10 : memref<!tpu.dma_semaphore, #tpu.memory_space<semaphore_mem>>) src(%dma_wait3A_19 : memref<120x128xf32, #tpu.memory_space<hbm>>) dst(%dma_wait3A_16 : memref<120x128xf32, #tpu.memory_space<vmem>>)
    %dma_wait3A_20 = arith.constant 1 : i32
    %dma_wait3A_21 = arith.constant 0 : i32
    %dma_wait3A_22 = arith.constant 0 : i32
    %dma_wait3A_23 = tpu.memref_slice %arg7[%dma_wait3A_20, %dma_wait3A_21, %dma_wait3A_22] : memref<3x120x128xf32, #tpu.memory_space<vmem>> -> memref<1x120x128xf32, #tpu.memory_space<vmem>>
    %dma_wait3A_24 = tpu.memref_squeeze %dma_wait3A_23 : memref<1x120x128xf32, #tpu.memory_space<vmem>> -> memref<120x128xf32, #tpu.memory_space<vmem>>
    %dma_wait3A_25 = arith.constant 0 : i32
    %dma_wait3A_26 = arith.constant 0 : i32
    %dma_wait3A_27 = tpu.memref_slice %arg2[%dma_wait3A_25, %dma_wait3A_26] : memref<10240x128xf32, #tpu.memory_space<hbm>> -> memref<120x128xf32, #tpu.memory_space<hbm>>
    %dma_wait3A_28 = arith.constant 0 : i32
    %dma_wait3A_29 = arith.constant 0 : i32
    %dma_wait3A_30 = tpu.memref_slice %arg7[%dma_wait3A_20, %dma_wait3A_28, %dma_wait3A_29] : memref<3x120x128xf32, #tpu.memory_space<vmem>> -> memref<1x120x128xf32, #tpu.memory_space<vmem>>
    %dma_wait3A_31 = tpu.memref_squeeze %dma_wait3A_30 : memref<1x120x128xf32, #tpu.memory_space<vmem>> -> memref<120x128xf32, #tpu.memory_space<vmem>>
    %dma_wait3A_32 = arith.constant 0 : i32
    %dma_wait3A_33 = arith.constant 0 : i32
    %dma_wait3A_34 = tpu.memref_slice %arg2[%dma_wait3A_32, %dma_wait3A_33] : memref<10240x128xf32, #tpu.memory_space<hbm>> -> memref<120x128xf32, #tpu.memory_space<hbm>>
    tpu.wait_dma2 semaphore(%arg10 : memref<!tpu.dma_semaphore, #tpu.memory_space<semaphore_mem>>) src(%dma_wait3A_34 : memref<120x128xf32, #tpu.memory_space<hbm>>) dst(%dma_wait3A_31 : memref<120x128xf32, #tpu.memory_space<vmem>>)
    %dma_wait3A_35 = arith.constant 2 : i32
    %dma_wait3A_36 = arith.constant 0 : i32
    %dma_wait3A_37 = arith.constant 0 : i32
    %dma_wait3A_38 = tpu.memref_slice %arg7[%dma_wait3A_35, %dma_wait3A_36, %dma_wait3A_37] : memref<3x120x128xf32, #tpu.memory_space<vmem>> -> memref<1x120x128xf32, #tpu.memory_space<vmem>>
    %dma_wait3A_39 = tpu.memref_squeeze %dma_wait3A_38 : memref<1x120x128xf32, #tpu.memory_space<vmem>> -> memref<120x128xf32, #tpu.memory_space<vmem>>
    %dma_wait3A_40 = arith.constant 0 : i32
    %dma_wait3A_41 = arith.constant 0 : i32
    %dma_wait3A_42 = tpu.memref_slice %arg2[%dma_wait3A_40, %dma_wait3A_41] : memref<10240x128xf32, #tpu.memory_space<hbm>> -> memref<120x128xf32, #tpu.memory_space<hbm>>
    %dma_wait3A_43 = arith.constant 0 : i32
    %dma_wait3A_44 = arith.constant 0 : i32
    %dma_wait3A_45 = tpu.memref_slice %arg7[%dma_wait3A_35, %dma_wait3A_43, %dma_wait3A_44] : memref<3x120x128xf32, #tpu.memory_space<vmem>> -> memref<1x120x128xf32, #tpu.memory_space<vmem>>
    %dma_wait3A_46 = tpu.memref_squeeze %dma_wait3A_45 : memref<1x120x128xf32, #tpu.memory_space<vmem>> -> memref<120x128xf32, #tpu.memory_space<vmem>>
    %dma_wait3A_47 = arith.constant 0 : i32
    %dma_wait3A_48 = arith.constant 0 : i32
    %dma_wait3A_49 = tpu.memref_slice %arg2[%dma_wait3A_47, %dma_wait3A_48] : memref<10240x128xf32, #tpu.memory_space<hbm>> -> memref<120x128xf32, #tpu.memory_space<hbm>>
    tpu.wait_dma2 semaphore(%arg10 : memref<!tpu.dma_semaphore, #tpu.memory_space<semaphore_mem>>) src(%dma_wait3A_49 : memref<120x128xf32, #tpu.memory_space<hbm>>) dst(%dma_wait3A_46 : memref<120x128xf32, #tpu.memory_space<vmem>>)
    %barrier3A_50 = arith.constant 0 : index
    tpu.barrier barrier_id(%barrier3A_50)
    "tpu.region"() ({
      %run_scoped3A = tpu.sem_alloc : memref<!tpu.dma_semaphore, #tpu.memory_space<semaphore_mem>>
      %dma_start3A = arith.constant 0 : i32
      %dma_start3A_51 = tpu.memref_slice %arg5[%arg0, %mul3A_0, %dma_start3A] : memref<2x10240x128xf32, #tpu.memory_space<hbm>> -> memref<1x640x128xf32, #tpu.memory_space<hbm>>
      %dma_start3A_52 = tpu.memref_squeeze %dma_start3A_51 : memref<1x640x128xf32, #tpu.memory_space<hbm>> -> memref<640x128xf32, #tpu.memory_space<hbm>>
      %dma_start3A_53 = arith.constant 0 : i32
      %dma_start3A_54 = tpu.memref_slice %arg8[%mul3A_0, %dma_start3A_53] : memref<10240x128xf32, #tpu.memory_space<vmem_shared>> -> memref<640x128xf32, #tpu.memory_space<vmem_shared>>
      tpu.enqueue_dma source(%dma_start3A_54 : memref<640x128xf32, #tpu.memory_space<vmem_shared>>) target(%dma_start3A_52 : memref<640x128xf32, #tpu.memory_space<hbm>>) target_semaphore(%run_scoped3A : memref<!tpu.dma_semaphore, #tpu.memory_space<semaphore_mem>>)
      %dma_wait3A_55 = arith.constant 0 : i32
      %dma_wait3A_56 = tpu.memref_slice %arg5[%arg0, %mul3A_0, %dma_wait3A_55] : memref<2x10240x128xf32, #tpu.memory_space<hbm>> -> memref<1x640x128xf32, #tpu.memory_space<hbm>>
      %dma_wait3A_57 = tpu.memref_squeeze %dma_wait3A_56 : memref<1x640x128xf32, #tpu.memory_space<hbm>> -> memref<640x128xf32, #tpu.memory_space<hbm>>
      %dma_wait3A_58 = arith.constant 0 : i32
      %dma_wait3A_59 = tpu.memref_slice %arg8[%mul3A_0, %dma_wait3A_58] : memref<10240x128xf32, #tpu.memory_space<vmem_shared>> -> memref<640x128xf32, #tpu.memory_space<vmem_shared>>
      tpu.wait_dma2 semaphore(%run_scoped3A : memref<!tpu.dma_semaphore, #tpu.memory_space<semaphore_mem>>) src(%dma_wait3A_59 : memref<640x128xf32, #tpu.memory_space<vmem_shared>>) dst(%dma_wait3A_57 : memref<640x128xf32, #tpu.memory_space<hbm>>)
      tpu.yield
    }) : () -> ()
    return
  }
}

module attributes {stable_mosaic.version = 14 : i64} {
  func.func @_tc1_body(%arg0: i32, %arg1: memref<2x1024x128xf32, #tpu.memory_space<vmem>>, %arg2: memref<2x16x8x128xf32, #tpu.memory_space<vmem>>, %arg3: memref<1024x128xf32, #tpu.memory_space<vmem>>, %arg4: memref<128x256xf32, #tpu.memory_space<vmem>>, %arg5: memref<128x256xf32, #tpu.memory_space<vmem>>, %arg6: memref<1x256xf32, #tpu.memory_space<vmem>>, %arg7: memref<2x1024x128xf32, #tpu.memory_space<vmem>>, %arg8: memref<8x128xf32, #tpu.memory_space<vmem>>) attributes {dimension_semantics = [#tpu.dimension_semantics<arbitrary>], iteration_bounds = array<i64: 10>, scalar_prefetch = 0 : i64, scratch_operands = 0 : i64, tpu.core_type = #tpu.core_type<tc>, window_params = [{transform_indices = @transform_0, window_bounds = array<i64: 2, 1024, 128>}, {transform_indices = @transform_1, window_bounds = array<i64: 2, 16, 8, 128>}, {transform_indices = @transform_2, window_bounds = array<i64: 1024, 128>}, {pipeline_mode = #tpu.pipeline_mode<synchronous>, transform_indices = @transform_3, window_bounds = array<i64: 128, 256>}, {pipeline_mode = #tpu.pipeline_mode<synchronous>, transform_indices = @transform_4, window_bounds = array<i64: 128, 256>}, {pipeline_mode = #tpu.pipeline_mode<synchronous>, transform_indices = @transform_5, window_bounds = array<i64: 1, 256>}, {transform_indices = @transform_6, window_bounds = array<i64: 2, 1024, 128>}, {transform_indices = @transform_7, window_bounds = array<i64: 8, 128>}]} {
    %get3A = arith.constant 0 : index
    %get3A_0 = arith.constant 0 : index
    %get3A_1 = arith.constant 0 : index
    %get3A_2 = arith.constant 0 : index
    %get3A_3 = vector.load %arg2[%get3A, %get3A_0, %get3A_1, %get3A_2] : memref<2x16x8x128xf32, #tpu.memory_space<vmem>>, vector<2x16x8x128xf32>
    %reduce_sum3A = arith.constant dense<0.000000e+00> : vector<8x128xf32>
    %reduce_sum3A_4 = vector.multi_reduction <add>, %get3A_3, %reduce_sum3A [0, 1] : vector<2x16x8x128xf32> to vector<8x128xf32>
    %max3A = arith.constant 1.000000e+00 : f32
    %max3A_5 = vector.broadcast %max3A : f32 to vector<8x128xf32>
    %max3A_6 = arith.maximumf %reduce_sum3A_4, %max3A_5 : vector<8x128xf32>
    %div3A = arith.constant 1.000000e+00 : f32
    %div3A_7 = vector.broadcast %div3A : f32 to vector<8x128xf32>
    %div3A_8 = arith.divf %div3A_7, %max3A_6 : vector<8x128xf32>
    %get3A_9 = arith.constant 0 : index
    %get3A_10 = arith.constant 0 : index
    %get3A_11 = arith.constant 0 : index
    %get3A_12 = vector.load %arg1[%get3A_9, %get3A_10, %get3A_11] : memref<2x1024x128xf32, #tpu.memory_space<vmem>>, vector<1x1024x128xf32>
    %get3A_13 = vector.shape_cast %get3A_12 : vector<1x1024x128xf32> to vector<1024x128xf32>
    %get3A_14 = arith.constant 1 : index
    %get3A_15 = arith.constant 0 : index
    %get3A_16 = arith.constant 0 : index
    %get3A_17 = vector.load %arg1[%get3A_14, %get3A_15, %get3A_16] : memref<2x1024x128xf32, #tpu.memory_space<vmem>>, vector<1x1024x128xf32>
    %get3A_18 = vector.shape_cast %get3A_17 : vector<1x1024x128xf32> to vector<1024x128xf32>
    %add3A = arith.addf %get3A_13, %get3A_18 : vector<1024x128xf32>
    %slice3A = vector.extract_strided_slice %div3A_8 {offsets = [0, 0], sizes = [1, 128], strides = [1, 1]} : vector<8x128xf32> to vector<1x128xf32>
    %broadcast_in_dim3A = vector.shape_cast %slice3A : vector<1x128xf32> to vector<1x128xf32>
    %broadcast_in_dim3A_19 = vector.broadcast %broadcast_in_dim3A : vector<1x128xf32> to vector<128x128xf32>
    %transpose3A = tpu.transpose %broadcast_in_dim3A_19, [1, 0] : vector<128x128xf32> -> vector<128x128xf32>
    %slice3A_20 = vector.extract_strided_slice %div3A_8 {offsets = [1, 0], sizes = [1, 128], strides = [1, 1]} : vector<8x128xf32> to vector<1x128xf32>
    %broadcast_in_dim3A_21 = vector.shape_cast %slice3A_20 : vector<1x128xf32> to vector<1x128xf32>
    %broadcast_in_dim3A_22 = vector.broadcast %broadcast_in_dim3A_21 : vector<1x128xf32> to vector<128x128xf32>
    %transpose3A_23 = tpu.transpose %broadcast_in_dim3A_22, [1, 0] : vector<128x128xf32> -> vector<128x128xf32>
    %slice3A_24 = vector.extract_strided_slice %div3A_8 {offsets = [2, 0], sizes = [1, 128], strides = [1, 1]} : vector<8x128xf32> to vector<1x128xf32>
    %broadcast_in_dim3A_25 = vector.shape_cast %slice3A_24 : vector<1x128xf32> to vector<1x128xf32>
    %broadcast_in_dim3A_26 = vector.broadcast %broadcast_in_dim3A_25 : vector<1x128xf32> to vector<128x128xf32>
    %transpose3A_27 = tpu.transpose %broadcast_in_dim3A_26, [1, 0] : vector<128x128xf32> -> vector<128x128xf32>
    %slice3A_28 = vector.extract_strided_slice %div3A_8 {offsets = [3, 0], sizes = [1, 128], strides = [1, 1]} : vector<8x128xf32> to vector<1x128xf32>
    %broadcast_in_dim3A_29 = vector.shape_cast %slice3A_28 : vector<1x128xf32> to vector<1x128xf32>
    %broadcast_in_dim3A_30 = vector.broadcast %broadcast_in_dim3A_29 : vector<1x128xf32> to vector<128x128xf32>
    %transpose3A_31 = tpu.transpose %broadcast_in_dim3A_30, [1, 0] : vector<128x128xf32> -> vector<128x128xf32>
    %slice3A_32 = vector.extract_strided_slice %div3A_8 {offsets = [4, 0], sizes = [1, 128], strides = [1, 1]} : vector<8x128xf32> to vector<1x128xf32>
    %broadcast_in_dim3A_33 = vector.shape_cast %slice3A_32 : vector<1x128xf32> to vector<1x128xf32>
    %broadcast_in_dim3A_34 = vector.broadcast %broadcast_in_dim3A_33 : vector<1x128xf32> to vector<128x128xf32>
    %transpose3A_35 = tpu.transpose %broadcast_in_dim3A_34, [1, 0] : vector<128x128xf32> -> vector<128x128xf32>
    %slice3A_36 = vector.extract_strided_slice %div3A_8 {offsets = [5, 0], sizes = [1, 128], strides = [1, 1]} : vector<8x128xf32> to vector<1x128xf32>
    %broadcast_in_dim3A_37 = vector.shape_cast %slice3A_36 : vector<1x128xf32> to vector<1x128xf32>
    %broadcast_in_dim3A_38 = vector.broadcast %broadcast_in_dim3A_37 : vector<1x128xf32> to vector<128x128xf32>
    %transpose3A_39 = tpu.transpose %broadcast_in_dim3A_38, [1, 0] : vector<128x128xf32> -> vector<128x128xf32>
    %slice3A_40 = vector.extract_strided_slice %div3A_8 {offsets = [6, 0], sizes = [1, 128], strides = [1, 1]} : vector<8x128xf32> to vector<1x128xf32>
    %broadcast_in_dim3A_41 = vector.shape_cast %slice3A_40 : vector<1x128xf32> to vector<1x128xf32>
    %broadcast_in_dim3A_42 = vector.broadcast %broadcast_in_dim3A_41 : vector<1x128xf32> to vector<128x128xf32>
    %transpose3A_43 = tpu.transpose %broadcast_in_dim3A_42, [1, 0] : vector<128x128xf32> -> vector<128x128xf32>
    %slice3A_44 = vector.extract_strided_slice %div3A_8 {offsets = [7, 0], sizes = [1, 128], strides = [1, 1]} : vector<8x128xf32> to vector<1x128xf32>
    %broadcast_in_dim3A_45 = vector.shape_cast %slice3A_44 : vector<1x128xf32> to vector<1x128xf32>
    %broadcast_in_dim3A_46 = vector.broadcast %broadcast_in_dim3A_45 : vector<1x128xf32> to vector<128x128xf32>
    %transpose3A_47 = tpu.transpose %broadcast_in_dim3A_46, [1, 0] : vector<128x128xf32> -> vector<128x128xf32>
    %concatenate3A = tpu.concatenate %transpose3A, %transpose3A_23, %transpose3A_27, %transpose3A_31, %transpose3A_35, %transpose3A_39, %transpose3A_43, %transpose3A_47 in 0 : vector<128x128xf32>, vector<128x128xf32>, vector<128x128xf32>, vector<128x128xf32>, vector<128x128xf32>, vector<128x128xf32>, vector<128x128xf32>, vector<128x128xf32> -> vector<1024x128xf32>
    %mul3A = arith.mulf %add3A, %concatenate3A : vector<1024x128xf32>
    %get3A_48 = arith.constant 0 : index
    %get3A_49 = arith.constant 0 : index
    %get3A_50 = vector.load %arg4[%get3A_48, %get3A_49] : memref<128x256xf32, #tpu.memory_space<vmem>>, vector<128x256xf32>
    %dot_general3A = arith.constant dense<0.000000e+00> : vector<1024x256xf32>
    %dot_general3A_51 = tpu.matmul %mul3A, %get3A_50, %dot_general3A {dimension_numbers = #tpu.dot_dimension_numbers<[1], [0], [0], [1], [0, 0, 1, 1], [], []>, transpose_lhs_hint = false} : vector<1024x128xf32>, vector<128x256xf32>, vector<1024x256xf32> -> vector<1024x256xf32>
    %get3A_52 = arith.constant 0 : index
    %get3A_53 = arith.constant 0 : index
    %get3A_54 = vector.load %arg3[%get3A_52, %get3A_53] : memref<1024x128xf32, #tpu.memory_space<vmem>>, vector<1024x128xf32>
    %get3A_55 = arith.constant 0 : index
    %get3A_56 = arith.constant 0 : index
    %get3A_57 = vector.load %arg5[%get3A_55, %get3A_56] : memref<128x256xf32, #tpu.memory_space<vmem>>, vector<128x256xf32>
    %dot_general3A_58 = arith.constant dense<0.000000e+00> : vector<1024x256xf32>
    %dot_general3A_59 = tpu.matmul %get3A_54, %get3A_57, %dot_general3A_58 {dimension_numbers = #tpu.dot_dimension_numbers<[1], [0], [0], [1], [0, 0, 1, 1], [], []>, transpose_lhs_hint = false} : vector<1024x128xf32>, vector<128x256xf32>, vector<1024x256xf32> -> vector<1024x256xf32>
    %add3A_60 = arith.addf %dot_general3A_51, %dot_general3A_59 : vector<1024x256xf32>
    %get3A_61 = arith.constant 0 : index
    %get3A_62 = arith.constant 0 : index
    %get3A_63 = vector.load %arg6[%get3A_61, %get3A_62] : memref<1x256xf32, #tpu.memory_space<vmem>>, vector<1x256xf32>
    %add3A_64 = vector.broadcast %get3A_63 : vector<1x256xf32> to vector<1024x256xf32>
    %add3A_65 = arith.addf %add3A_60, %add3A_64 : vector<1024x256xf32>
    %max3A_66 = arith.constant 0.000000e+00 : f32
    %max3A_67 = vector.broadcast %max3A_66 : f32 to vector<1024x256xf32>
    %max3A_68 = arith.maximumf %add3A_65, %max3A_67 : vector<1024x256xf32>
    %slice3A_69 = vector.extract_strided_slice %max3A_68 {offsets = [0, 0], sizes = [1024, 128], strides = [1, 1]} : vector<1024x256xf32> to vector<1024x128xf32>
    %swap3A = arith.constant 0 : index
    %swap3A_70 = arith.constant 0 : index
    %swap3A_71 = arith.constant 0 : index
    %swap3A_72 = vector.load %arg7[%swap3A, %swap3A_70, %swap3A_71] : memref<2x1024x128xf32, #tpu.memory_space<vmem>>, vector<1x1024x128xf32>
    %swap3A_73 = vector.shape_cast %swap3A_72 : vector<1x1024x128xf32> to vector<1024x128xf32>
    %swap3A_74 = vector.shape_cast %slice3A_69 : vector<1024x128xf32> to vector<1x1024x128xf32>
    tpu.vector_store %arg7[%swap3A, %swap3A_70, %swap3A_71], %swap3A_74 {strides = array<i32>} : memref<2x1024x128xf32, #tpu.memory_space<vmem>>, vector<1x1024x128xf32>,
    %slice3A_75 = vector.extract_strided_slice %max3A_68 {offsets = [0, 128], sizes = [1024, 128], strides = [1, 1]} : vector<1024x256xf32> to vector<1024x128xf32>
    %swap3A_76 = arith.constant 1 : index
    %swap3A_77 = arith.constant 0 : index
    %swap3A_78 = arith.constant 0 : index
    %swap3A_79 = vector.load %arg7[%swap3A_76, %swap3A_77, %swap3A_78] : memref<2x1024x128xf32, #tpu.memory_space<vmem>>, vector<1x1024x128xf32>
    %swap3A_80 = vector.shape_cast %swap3A_79 : vector<1x1024x128xf32> to vector<1024x128xf32>
    %swap3A_81 = vector.shape_cast %slice3A_75 : vector<1024x128xf32> to vector<1x1024x128xf32>
    tpu.vector_store %arg7[%swap3A_76, %swap3A_77, %swap3A_78], %swap3A_81 {strides = array<i32>} : memref<2x1024x128xf32, #tpu.memory_space<vmem>>, vector<1x1024x128xf32>,
    %swap3A_82 = arith.constant 0 : index
    %swap3A_83 = arith.constant 0 : index
    %swap3A_84 = vector.load %arg8[%swap3A_82, %swap3A_83] : memref<8x128xf32, #tpu.memory_space<vmem>>, vector<8x128xf32>
    tpu.vector_store %arg8[%swap3A_82, %swap3A_83], %div3A_8 {strides = array<i32>} : memref<8x128xf32, #tpu.memory_space<vmem>>, vector<8x128xf32>,
    return
  }
  func.func @transform_0(%arg0: i32) -> (i32, i32, i32) {
    %c0_i32 = arith.constant 0 : i32
    %c0_i32_0 = arith.constant 0 : i32
    %c0_i32_1 = arith.constant 0 : i32
    return %c0_i32, %arg0, %c0_i32_0 : i32, i32, i32
  }
  func.func @transform_1(%arg0: i32) -> (i32, i32, i32, i32) {
    %c0_i32 = arith.constant 0 : i32
    %c0_i32_0 = arith.constant 0 : i32
    %c0_i32_1 = arith.constant 0 : i32
    %c0_i32_2 = arith.constant 0 : i32
    return %c0_i32, %c0_i32_0, %arg0, %c0_i32_1 : i32, i32, i32, i32
  }
  func.func @transform_2(%arg0: i32) -> (i32, i32) {
    %c0_i32 = arith.constant 0 : i32
    %c0_i32_0 = arith.constant 0 : i32
    return %arg0, %c0_i32 : i32, i32
  }
  func.func @transform_3(%arg0: i32) -> (i32, i32) {
    %c0_i32 = arith.constant 0 : i32
    %c0_i32_0 = arith.constant 0 : i32
    %c0_i32_1 = arith.constant 0 : i32
    return %c0_i32, %c0_i32_0 : i32, i32
  }
  func.func @transform_4(%arg0: i32) -> (i32, i32) {
    %c0_i32 = arith.constant 0 : i32
    %c0_i32_0 = arith.constant 0 : i32
    %c0_i32_1 = arith.constant 0 : i32
    return %c0_i32, %c0_i32_0 : i32, i32
  }
  func.func @transform_5(%arg0: i32) -> (i32, i32) {
    %c0_i32 = arith.constant 0 : i32
    %c0_i32_0 = arith.constant 0 : i32
    %c0_i32_1 = arith.constant 0 : i32
    return %c0_i32, %c0_i32_0 : i32, i32
  }
  func.func @transform_6(%arg0: i32) -> (i32, i32, i32) {
    %c0_i32 = arith.constant 0 : i32
    %c0_i32_0 = arith.constant 0 : i32
    %c0_i32_1 = arith.constant 0 : i32
    return %c0_i32, %arg0, %c0_i32_0 : i32, i32, i32
  }
  func.func @transform_7(%arg0: i32) -> (i32, i32) {
    %c0_i32 = arith.constant 0 : i32
    %c0_i32_0 = arith.constant 0 : i32
    return %arg0, %c0_i32 : i32, i32
  }
}

module attributes {stable_mosaic.version = 14 : i64} {
  func.func @_tc2_body(%arg0: i32, %arg1: memref<2x1024x128xf32, #tpu.memory_space<vmem>>, %arg2: memref<8x128xf32, #tpu.memory_space<vmem>>, %arg3: memref<2x1024x128xf32, #tpu.memory_space<vmem>>, %arg4: memref<128x256xf32, #tpu.memory_space<vmem>>, %arg5: memref<128x256xf32, #tpu.memory_space<vmem>>, %arg6: memref<128x256xf32, #tpu.memory_space<vmem>>, %arg7: memref<128x256xf32, #tpu.memory_space<vmem>>, %arg8: memref<1x256xf32, #tpu.memory_space<vmem>>, %arg9: memref<256x128xf32, #tpu.memory_space<vmem>>, %arg10: memref<1024x256xf32, #tpu.memory_space<vmem>>, %arg11: memref<1024x128xf32, #tpu.memory_space<vmem>>) attributes {dimension_semantics = [#tpu.dimension_semantics<arbitrary>], iteration_bounds = array<i64: 10>, scalar_prefetch = 0 : i64, scratch_operands = 0 : i64, tpu.core_type = #tpu.core_type<tc>, window_params = [{transform_indices = @transform_0, window_bounds = array<i64: 2, 1024, 128>}, {transform_indices = @transform_1, window_bounds = array<i64: 8, 128>}, {transform_indices = @transform_2, window_bounds = array<i64: 2, 1024, 128>}, {pipeline_mode = #tpu.pipeline_mode<synchronous>, transform_indices = @transform_3, window_bounds = array<i64: 128, 256>}, {pipeline_mode = #tpu.pipeline_mode<synchronous>, transform_indices = @transform_4, window_bounds = array<i64: 128, 256>}, {pipeline_mode = #tpu.pipeline_mode<synchronous>, transform_indices = @transform_5, window_bounds = array<i64: 128, 256>}, {pipeline_mode = #tpu.pipeline_mode<synchronous>, transform_indices = @transform_6, window_bounds = array<i64: 128, 256>}, {pipeline_mode = #tpu.pipeline_mode<synchronous>, transform_indices = @transform_7, window_bounds = array<i64: 1, 256>}, {pipeline_mode = #tpu.pipeline_mode<synchronous>, transform_indices = @transform_8, window_bounds = array<i64: 256, 128>}, {transform_indices = @transform_9, window_bounds = array<i64: 1024, 256>}, {transform_indices = @transform_10, window_bounds = array<i64: 1024, 128>}]} {
    %get3A = arith.constant 0 : index
    %get3A_0 = arith.constant 0 : index
    %get3A_1 = vector.load %arg2[%get3A, %get3A_0] : memref<8x128xf32, #tpu.memory_space<vmem>>, vector<8x128xf32>
    %slice3A = vector.extract_strided_slice %get3A_1 {offsets = [0, 0], sizes = [1, 128], strides = [1, 1]} : vector<8x128xf32> to vector<1x128xf32>
    %broadcast_in_dim3A = vector.shape_cast %slice3A : vector<1x128xf32> to vector<1x128xf32>
    %broadcast_in_dim3A_2 = vector.broadcast %broadcast_in_dim3A : vector<1x128xf32> to vector<128x128xf32>
    %transpose3A = tpu.transpose %broadcast_in_dim3A_2, [1, 0] : vector<128x128xf32> -> vector<128x128xf32>
    %slice3A_3 = vector.extract_strided_slice %get3A_1 {offsets = [1, 0], sizes = [1, 128], strides = [1, 1]} : vector<8x128xf32> to vector<1x128xf32>
    %broadcast_in_dim3A_4 = vector.shape_cast %slice3A_3 : vector<1x128xf32> to vector<1x128xf32>
    %broadcast_in_dim3A_5 = vector.broadcast %broadcast_in_dim3A_4 : vector<1x128xf32> to vector<128x128xf32>
    %transpose3A_6 = tpu.transpose %broadcast_in_dim3A_5, [1, 0] : vector<128x128xf32> -> vector<128x128xf32>
    %slice3A_7 = vector.extract_strided_slice %get3A_1 {offsets = [2, 0], sizes = [1, 128], strides = [1, 1]} : vector<8x128xf32> to vector<1x128xf32>
    %broadcast_in_dim3A_8 = vector.shape_cast %slice3A_7 : vector<1x128xf32> to vector<1x128xf32>
    %broadcast_in_dim3A_9 = vector.broadcast %broadcast_in_dim3A_8 : vector<1x128xf32> to vector<128x128xf32>
    %transpose3A_10 = tpu.transpose %broadcast_in_dim3A_9, [1, 0] : vector<128x128xf32> -> vector<128x128xf32>
    %slice3A_11 = vector.extract_strided_slice %get3A_1 {offsets = [3, 0], sizes = [1, 128], strides = [1, 1]} : vector<8x128xf32> to vector<1x128xf32>
    %broadcast_in_dim3A_12 = vector.shape_cast %slice3A_11 : vector<1x128xf32> to vector<1x128xf32>
    %broadcast_in_dim3A_13 = vector.broadcast %broadcast_in_dim3A_12 : vector<1x128xf32> to vector<128x128xf32>
    %transpose3A_14 = tpu.transpose %broadcast_in_dim3A_13, [1, 0] : vector<128x128xf32> -> vector<128x128xf32>
    %slice3A_15 = vector.extract_strided_slice %get3A_1 {offsets = [4, 0], sizes = [1, 128], strides = [1, 1]} : vector<8x128xf32> to vector<1x128xf32>
    %broadcast_in_dim3A_16 = vector.shape_cast %slice3A_15 : vector<1x128xf32> to vector<1x128xf32>
    %broadcast_in_dim3A_17 = vector.broadcast %broadcast_in_dim3A_16 : vector<1x128xf32> to vector<128x128xf32>
    %transpose3A_18 = tpu.transpose %broadcast_in_dim3A_17, [1, 0] : vector<128x128xf32> -> vector<128x128xf32>
    %slice3A_19 = vector.extract_strided_slice %get3A_1 {offsets = [5, 0], sizes = [1, 128], strides = [1, 1]} : vector<8x128xf32> to vector<1x128xf32>
    %broadcast_in_dim3A_20 = vector.shape_cast %slice3A_19 : vector<1x128xf32> to vector<1x128xf32>
    %broadcast_in_dim3A_21 = vector.broadcast %broadcast_in_dim3A_20 : vector<1x128xf32> to vector<128x128xf32>
    %transpose3A_22 = tpu.transpose %broadcast_in_dim3A_21, [1, 0] : vector<128x128xf32> -> vector<128x128xf32>
    %slice3A_23 = vector.extract_strided_slice %get3A_1 {offsets = [6, 0], sizes = [1, 128], strides = [1, 1]} : vector<8x128xf32> to vector<1x128xf32>
    %broadcast_in_dim3A_24 = vector.shape_cast %slice3A_23 : vector<1x128xf32> to vector<1x128xf32>
    %broadcast_in_dim3A_25 = vector.broadcast %broadcast_in_dim3A_24 : vector<1x128xf32> to vector<128x128xf32>
    %transpose3A_26 = tpu.transpose %broadcast_in_dim3A_25, [1, 0] : vector<128x128xf32> -> vector<128x128xf32>
    %slice3A_27 = vector.extract_strided_slice %get3A_1 {offsets = [7, 0], sizes = [1, 128], strides = [1, 1]} : vector<8x128xf32> to vector<1x128xf32>
    %broadcast_in_dim3A_28 = vector.shape_cast %slice3A_27 : vector<1x128xf32> to vector<1x128xf32>
    %broadcast_in_dim3A_29 = vector.broadcast %broadcast_in_dim3A_28 : vector<1x128xf32> to vector<128x128xf32>
    %transpose3A_30 = tpu.transpose %broadcast_in_dim3A_29, [1, 0] : vector<128x128xf32> -> vector<128x128xf32>
    %concatenate3A = tpu.concatenate %transpose3A, %transpose3A_6, %transpose3A_10, %transpose3A_14, %transpose3A_18, %transpose3A_22, %transpose3A_26, %transpose3A_30 in 0 : vector<128x128xf32>, vector<128x128xf32>, vector<128x128xf32>, vector<128x128xf32>, vector<128x128xf32>, vector<128x128xf32>, vector<128x128xf32>, vector<128x128xf32> -> vector<1024x128xf32>
    %get3A_31 = arith.constant 0 : index
    %get3A_32 = arith.constant 0 : index
    %get3A_33 = arith.constant 0 : index
    %get3A_34 = vector.load %arg1[%get3A_31, %get3A_32, %get3A_33] : memref<2x1024x128xf32, #tpu.memory_space<vmem>>, vector<1x1024x128xf32>
    %get3A_35 = vector.shape_cast %get3A_34 : vector<1x1024x128xf32> to vector<1024x128xf32>
    %mul3A = arith.mulf %get3A_35, %concatenate3A : vector<1024x128xf32>
    %get3A_36 = arith.constant 0 : index
    %get3A_37 = arith.constant 0 : index
    %get3A_38 = vector.load %arg4[%get3A_36, %get3A_37] : memref<128x256xf32, #tpu.memory_space<vmem>>, vector<128x256xf32>
    %dot_general3A = arith.constant dense<0.000000e+00> : vector<1024x256xf32>
    %dot_general3A_39 = tpu.matmul %mul3A, %get3A_38, %dot_general3A {dimension_numbers = #tpu.dot_dimension_numbers<[1], [0], [0], [1], [0, 0, 1, 1], [], []>, transpose_lhs_hint = false} : vector<1024x128xf32>, vector<128x256xf32>, vector<1024x256xf32> -> vector<1024x256xf32>
    %get3A_40 = arith.constant 1 : index
    %get3A_41 = arith.constant 0 : index
    %get3A_42 = arith.constant 0 : index
    %get3A_43 = vector.load %arg1[%get3A_40, %get3A_41, %get3A_42] : memref<2x1024x128xf32, #tpu.memory_space<vmem>>, vector<1x1024x128xf32>
    %get3A_44 = vector.shape_cast %get3A_43 : vector<1x1024x128xf32> to vector<1024x128xf32>
    %mul3A_45 = arith.mulf %get3A_44, %concatenate3A : vector<1024x128xf32>
    %get3A_46 = arith.constant 0 : index
    %get3A_47 = arith.constant 0 : index
    %get3A_48 = vector.load %arg5[%get3A_46, %get3A_47] : memref<128x256xf32, #tpu.memory_space<vmem>>, vector<128x256xf32>
    %dot_general3A_49 = arith.constant dense<0.000000e+00> : vector<1024x256xf32>
    %dot_general3A_50 = tpu.matmul %mul3A_45, %get3A_48, %dot_general3A_49 {dimension_numbers = #tpu.dot_dimension_numbers<[1], [0], [0], [1], [0, 0, 1, 1], [], []>, transpose_lhs_hint = false} : vector<1024x128xf32>, vector<128x256xf32>, vector<1024x256xf32> -> vector<1024x256xf32>
    %add3A = arith.addf %dot_general3A_39, %dot_general3A_50 : vector<1024x256xf32>
    %get3A_51 = arith.constant 0 : index
    %get3A_52 = arith.constant 0 : index
    %get3A_53 = arith.constant 0 : index
    %get3A_54 = vector.load %arg3[%get3A_51, %get3A_52, %get3A_53] : memref<2x1024x128xf32, #tpu.memory_space<vmem>>, vector<1x1024x128xf32>
    %get3A_55 = vector.shape_cast %get3A_54 : vector<1x1024x128xf32> to vector<1024x128xf32>
    %get3A_56 = arith.constant 0 : index
    %get3A_57 = arith.constant 0 : index
    %get3A_58 = vector.load %arg6[%get3A_56, %get3A_57] : memref<128x256xf32, #tpu.memory_space<vmem>>, vector<128x256xf32>
    %dot_general3A_59 = arith.constant dense<0.000000e+00> : vector<1024x256xf32>
    %dot_general3A_60 = tpu.matmul %get3A_55, %get3A_58, %dot_general3A_59 {dimension_numbers = #tpu.dot_dimension_numbers<[1], [0], [0], [1], [0, 0, 1, 1], [], []>, transpose_lhs_hint = false} : vector<1024x128xf32>, vector<128x256xf32>, vector<1024x256xf32> -> vector<1024x256xf32>
    %add3A_61 = arith.addf %add3A, %dot_general3A_60 : vector<1024x256xf32>
    %get3A_62 = arith.constant 1 : index
    %get3A_63 = arith.constant 0 : index
    %get3A_64 = arith.constant 0 : index
    %get3A_65 = vector.load %arg3[%get3A_62, %get3A_63, %get3A_64] : memref<2x1024x128xf32, #tpu.memory_space<vmem>>, vector<1x1024x128xf32>
    %get3A_66 = vector.shape_cast %get3A_65 : vector<1x1024x128xf32> to vector<1024x128xf32>
    %get3A_67 = arith.constant 0 : index
    %get3A_68 = arith.constant 0 : index
    %get3A_69 = vector.load %arg7[%get3A_67, %get3A_68] : memref<128x256xf32, #tpu.memory_space<vmem>>, vector<128x256xf32>
    %dot_general3A_70 = arith.constant dense<0.000000e+00> : vector<1024x256xf32>
    %dot_general3A_71 = tpu.matmul %get3A_66, %get3A_69, %dot_general3A_70 {dimension_numbers = #tpu.dot_dimension_numbers<[1], [0], [0], [1], [0, 0, 1, 1], [], []>, transpose_lhs_hint = false} : vector<1024x128xf32>, vector<128x256xf32>, vector<1024x256xf32> -> vector<1024x256xf32>
    %add3A_72 = arith.addf %add3A_61, %dot_general3A_71 : vector<1024x256xf32>
    %get3A_73 = arith.constant 0 : index
    %get3A_74 = arith.constant 0 : index
    %get3A_75 = vector.load %arg8[%get3A_73, %get3A_74] : memref<1x256xf32, #tpu.memory_space<vmem>>, vector<1x256xf32>
    %add3A_76 = vector.broadcast %get3A_75 : vector<1x256xf32> to vector<1024x256xf32>
    %add3A_77 = arith.addf %add3A_72, %add3A_76 : vector<1024x256xf32>
    %max3A = arith.constant 0.000000e+00 : f32
    %max3A_78 = vector.broadcast %max3A : f32 to vector<1024x256xf32>
    %max3A_79 = arith.maximumf %add3A_77, %max3A_78 : vector<1024x256xf32>
    %swap3A = arith.constant 0 : index
    %swap3A_80 = arith.constant 0 : index
    %swap3A_81 = vector.load %arg10[%swap3A, %swap3A_80] : memref<1024x256xf32, #tpu.memory_space<vmem>>, vector<1024x256xf32>
    tpu.vector_store %arg10[%swap3A, %swap3A_80], %max3A_79 {strides = array<i32>} : memref<1024x256xf32, #tpu.memory_space<vmem>>, vector<1024x256xf32>,
    %get3A_82 = arith.constant 0 : index
    %get3A_83 = arith.constant 0 : index
    %get3A_84 = vector.load %arg9[%get3A_82, %get3A_83] : memref<256x128xf32, #tpu.memory_space<vmem>>, vector<256x128xf32>
    %dot_general3A_85 = arith.constant dense<0.000000e+00> : vector<1024x128xf32>
    %dot_general3A_86 = tpu.matmul %max3A_79, %get3A_84, %dot_general3A_85 {dimension_numbers = #tpu.dot_dimension_numbers<[1], [0], [0], [1], [0, 0, 1, 1], [], []>, transpose_lhs_hint = false} : vector<1024x256xf32>, vector<256x128xf32>, vector<1024x128xf32> -> vector<1024x128xf32>
    %swap3A_87 = arith.constant 0 : index
    %swap3A_88 = arith.constant 0 : index
    %swap3A_89 = vector.load %arg11[%swap3A_87, %swap3A_88] : memref<1024x128xf32, #tpu.memory_space<vmem>>, vector<1024x128xf32>
    tpu.vector_store %arg11[%swap3A_87, %swap3A_88], %dot_general3A_86 {strides = array<i32>} : memref<1024x128xf32, #tpu.memory_space<vmem>>, vector<1024x128xf32>,
    return
  }
  func.func @transform_0(%arg0: i32) -> (i32, i32, i32) {
    %c0_i32 = arith.constant 0 : i32
    %c0_i32_0 = arith.constant 0 : i32
    %c0_i32_1 = arith.constant 0 : i32
    return %c0_i32, %arg0, %c0_i32_0 : i32, i32, i32
  }
  func.func @transform_1(%arg0: i32) -> (i32, i32) {
    %c0_i32 = arith.constant 0 : i32
    %c0_i32_0 = arith.constant 0 : i32
    return %arg0, %c0_i32 : i32, i32
  }
  func.func @transform_2(%arg0: i32) -> (i32, i32, i32) {
    %c0_i32 = arith.constant 0 : i32
    %c0_i32_0 = arith.constant 0 : i32
    %c0_i32_1 = arith.constant 0 : i32
    return %c0_i32, %arg0, %c0_i32_0 : i32, i32, i32
  }
  func.func @transform_3(%arg0: i32) -> (i32, i32) {
    %c0_i32 = arith.constant 0 : i32
    %c0_i32_0 = arith.constant 0 : i32
    %c0_i32_1 = arith.constant 0 : i32
    return %c0_i32, %c0_i32_0 : i32, i32
  }
  func.func @transform_4(%arg0: i32) -> (i32, i32) {
    %c0_i32 = arith.constant 0 : i32
    %c0_i32_0 = arith.constant 0 : i32
    %c0_i32_1 = arith.constant 0 : i32
    return %c0_i32, %c0_i32_0 : i32, i32
  }
  func.func @transform_5(%arg0: i32) -> (i32, i32) {
    %c0_i32 = arith.constant 0 : i32
    %c0_i32_0 = arith.constant 0 : i32
    %c0_i32_1 = arith.constant 0 : i32
    return %c0_i32, %c0_i32_0 : i32, i32
  }
  func.func @transform_6(%arg0: i32) -> (i32, i32) {
    %c0_i32 = arith.constant 0 : i32
    %c0_i32_0 = arith.constant 0 : i32
    %c0_i32_1 = arith.constant 0 : i32
    return %c0_i32, %c0_i32_0 : i32, i32
  }
  func.func @transform_7(%arg0: i32) -> (i32, i32) {
    %c0_i32 = arith.constant 0 : i32
    %c0_i32_0 = arith.constant 0 : i32
    %c0_i32_1 = arith.constant 0 : i32
    return %c0_i32, %c0_i32_0 : i32, i32
  }
  func.func @transform_8(%arg0: i32) -> (i32, i32) {
    %c0_i32 = arith.constant 0 : i32
    %c0_i32_0 = arith.constant 0 : i32
    %c0_i32_1 = arith.constant 0 : i32
    return %c0_i32, %c0_i32_0 : i32, i32
  }
  func.func @transform_9(%arg0: i32) -> (i32, i32) {
    %c0_i32 = arith.constant 0 : i32
    %c0_i32_0 = arith.constant 0 : i32
    return %arg0, %c0_i32 : i32, i32
  }
  func.func @transform_10(%arg0: i32) -> (i32, i32) {
    %c0_i32 = arith.constant 0 : i32
    %c0_i32_0 = arith.constant 0 : i32
    return %arg0, %c0_i32 : i32, i32
  }
}

module attributes {stable_mosaic.version = 14 : i64} {
  func.func @_tc3_body(%arg0: i32, %arg1: memref<2x1024x128xf32, #tpu.memory_space<vmem>>, %arg2: memref<8x128xf32, #tpu.memory_space<vmem>>, %arg3: memref<1024x256xf32, #tpu.memory_space<vmem>>, %arg4: memref<256x128xf32, #tpu.memory_space<vmem>>, %arg5: memref<1x128xf32, #tpu.memory_space<vmem>>, %arg6: memref<1024x128xf32, #tpu.memory_space<vmem>>) attributes {dimension_semantics = [#tpu.dimension_semantics<arbitrary>], iteration_bounds = array<i64: 10>, scalar_prefetch = 0 : i64, scratch_operands = 0 : i64, tpu.core_type = #tpu.core_type<tc>, window_params = [{transform_indices = @transform_0, window_bounds = array<i64: 2, 1024, 128>}, {transform_indices = @transform_1, window_bounds = array<i64: 8, 128>}, {transform_indices = @transform_2, window_bounds = array<i64: 1024, 256>}, {pipeline_mode = #tpu.pipeline_mode<synchronous>, transform_indices = @transform_3, window_bounds = array<i64: 256, 128>}, {pipeline_mode = #tpu.pipeline_mode<synchronous>, transform_indices = @transform_4, window_bounds = array<i64: 1, 128>}, {transform_indices = @transform_5, window_bounds = array<i64: 1024, 128>}]} {
    %get3A = arith.constant 0 : index
    %get3A_0 = arith.constant 0 : index
    %get3A_1 = arith.constant 0 : index
    %get3A_2 = vector.load %arg1[%get3A, %get3A_0, %get3A_1] : memref<2x1024x128xf32, #tpu.memory_space<vmem>>, vector<1x1024x128xf32>
    %get3A_3 = vector.shape_cast %get3A_2 : vector<1x1024x128xf32> to vector<1024x128xf32>
    %get3A_4 = arith.constant 1 : index
    %get3A_5 = arith.constant 0 : index
    %get3A_6 = arith.constant 0 : index
    %get3A_7 = vector.load %arg1[%get3A_4, %get3A_5, %get3A_6] : memref<2x1024x128xf32, #tpu.memory_space<vmem>>, vector<1x1024x128xf32>
    %get3A_8 = vector.shape_cast %get3A_7 : vector<1x1024x128xf32> to vector<1024x128xf32>
    %add3A = arith.addf %get3A_3, %get3A_8 : vector<1024x128xf32>
    %get3A_9 = arith.constant 0 : index
    %get3A_10 = arith.constant 0 : index
    %get3A_11 = vector.load %arg2[%get3A_9, %get3A_10] : memref<8x128xf32, #tpu.memory_space<vmem>>, vector<8x128xf32>
    %slice3A = vector.extract_strided_slice %get3A_11 {offsets = [0, 0], sizes = [1, 128], strides = [1, 1]} : vector<8x128xf32> to vector<1x128xf32>
    %broadcast_in_dim3A = vector.shape_cast %slice3A : vector<1x128xf32> to vector<1x128xf32>
    %broadcast_in_dim3A_12 = vector.broadcast %broadcast_in_dim3A : vector<1x128xf32> to vector<128x128xf32>
    %transpose3A = tpu.transpose %broadcast_in_dim3A_12, [1, 0] : vector<128x128xf32> -> vector<128x128xf32>
    %slice3A_13 = vector.extract_strided_slice %get3A_11 {offsets = [1, 0], sizes = [1, 128], strides = [1, 1]} : vector<8x128xf32> to vector<1x128xf32>
    %broadcast_in_dim3A_14 = vector.shape_cast %slice3A_13 : vector<1x128xf32> to vector<1x128xf32>
    %broadcast_in_dim3A_15 = vector.broadcast %broadcast_in_dim3A_14 : vector<1x128xf32> to vector<128x128xf32>
    %transpose3A_16 = tpu.transpose %broadcast_in_dim3A_15, [1, 0] : vector<128x128xf32> -> vector<128x128xf32>
    %slice3A_17 = vector.extract_strided_slice %get3A_11 {offsets = [2, 0], sizes = [1, 128], strides = [1, 1]} : vector<8x128xf32> to vector<1x128xf32>
    %broadcast_in_dim3A_18 = vector.shape_cast %slice3A_17 : vector<1x128xf32> to vector<1x128xf32>
    %broadcast_in_dim3A_19 = vector.broadcast %broadcast_in_dim3A_18 : vector<1x128xf32> to vector<128x128xf32>
    %transpose3A_20 = tpu.transpose %broadcast_in_dim3A_19, [1, 0] : vector<128x128xf32> -> vector<128x128xf32>
    %slice3A_21 = vector.extract_strided_slice %get3A_11 {offsets = [3, 0], sizes = [1, 128], strides = [1, 1]} : vector<8x128xf32> to vector<1x128xf32>
    %broadcast_in_dim3A_22 = vector.shape_cast %slice3A_21 : vector<1x128xf32> to vector<1x128xf32>
    %broadcast_in_dim3A_23 = vector.broadcast %broadcast_in_dim3A_22 : vector<1x128xf32> to vector<128x128xf32>
    %transpose3A_24 = tpu.transpose %broadcast_in_dim3A_23, [1, 0] : vector<128x128xf32> -> vector<128x128xf32>
    %slice3A_25 = vector.extract_strided_slice %get3A_11 {offsets = [4, 0], sizes = [1, 128], strides = [1, 1]} : vector<8x128xf32> to vector<1x128xf32>
    %broadcast_in_dim3A_26 = vector.shape_cast %slice3A_25 : vector<1x128xf32> to vector<1x128xf32>
    %broadcast_in_dim3A_27 = vector.broadcast %broadcast_in_dim3A_26 : vector<1x128xf32> to vector<128x128xf32>
    %transpose3A_28 = tpu.transpose %broadcast_in_dim3A_27, [1, 0] : vector<128x128xf32> -> vector<128x128xf32>
    %slice3A_29 = vector.extract_strided_slice %get3A_11 {offsets = [5, 0], sizes = [1, 128], strides = [1, 1]} : vector<8x128xf32> to vector<1x128xf32>
    %broadcast_in_dim3A_30 = vector.shape_cast %slice3A_29 : vector<1x128xf32> to vector<1x128xf32>
    %broadcast_in_dim3A_31 = vector.broadcast %broadcast_in_dim3A_30 : vector<1x128xf32> to vector<128x128xf32>
    %transpose3A_32 = tpu.transpose %broadcast_in_dim3A_31, [1, 0] : vector<128x128xf32> -> vector<128x128xf32>
    %slice3A_33 = vector.extract_strided_slice %get3A_11 {offsets = [6, 0], sizes = [1, 128], strides = [1, 1]} : vector<8x128xf32> to vector<1x128xf32>
    %broadcast_in_dim3A_34 = vector.shape_cast %slice3A_33 : vector<1x128xf32> to vector<1x128xf32>
    %broadcast_in_dim3A_35 = vector.broadcast %broadcast_in_dim3A_34 : vector<1x128xf32> to vector<128x128xf32>
    %transpose3A_36 = tpu.transpose %broadcast_in_dim3A_35, [1, 0] : vector<128x128xf32> -> vector<128x128xf32>
    %slice3A_37 = vector.extract_strided_slice %get3A_11 {offsets = [7, 0], sizes = [1, 128], strides = [1, 1]} : vector<8x128xf32> to vector<1x128xf32>
    %broadcast_in_dim3A_38 = vector.shape_cast %slice3A_37 : vector<1x128xf32> to vector<1x128xf32>
    %broadcast_in_dim3A_39 = vector.broadcast %broadcast_in_dim3A_38 : vector<1x128xf32> to vector<128x128xf32>
    %transpose3A_40 = tpu.transpose %broadcast_in_dim3A_39, [1, 0] : vector<128x128xf32> -> vector<128x128xf32>
    %concatenate3A = tpu.concatenate %transpose3A, %transpose3A_16, %transpose3A_20, %transpose3A_24, %transpose3A_28, %transpose3A_32, %transpose3A_36, %transpose3A_40 in 0 : vector<128x128xf32>, vector<128x128xf32>, vector<128x128xf32>, vector<128x128xf32>, vector<128x128xf32>, vector<128x128xf32>, vector<128x128xf32>, vector<128x128xf32> -> vector<1024x128xf32>
    %mul3A = arith.mulf %add3A, %concatenate3A : vector<1024x128xf32>
    %get3A_41 = arith.constant 0 : index
    %get3A_42 = arith.constant 0 : index
    %get3A_43 = vector.load %arg3[%get3A_41, %get3A_42] : memref<1024x256xf32, #tpu.memory_space<vmem>>, vector<1024x256xf32>
    %get3A_44 = arith.constant 0 : index
    %get3A_45 = arith.constant 0 : index
    %get3A_46 = vector.load %arg4[%get3A_44, %get3A_45] : memref<256x128xf32, #tpu.memory_space<vmem>>, vector<256x128xf32>
    %dot_general3A = arith.constant dense<0.000000e+00> : vector<1024x128xf32>
    %dot_general3A_47 = tpu.matmul %get3A_43, %get3A_46, %dot_general3A {dimension_numbers = #tpu.dot_dimension_numbers<[1], [0], [0], [1], [0, 0, 1, 1], [], []>, transpose_lhs_hint = false} : vector<1024x256xf32>, vector<256x128xf32>, vector<1024x128xf32> -> vector<1024x128xf32>
    %add3A_48 = arith.addf %mul3A, %dot_general3A_47 : vector<1024x128xf32>
    %get3A_49 = arith.constant 0 : index
    %get3A_50 = arith.constant 0 : index
    %get3A_51 = vector.load %arg5[%get3A_49, %get3A_50] : memref<1x128xf32, #tpu.memory_space<vmem>>, vector<1x128xf32>
    %add3A_52 = vector.broadcast %get3A_51 : vector<1x128xf32> to vector<1024x128xf32>
    %add3A_53 = arith.addf %add3A_48, %add3A_52 : vector<1024x128xf32>
    %max3A = arith.constant 0.000000e+00 : f32
    %max3A_54 = vector.broadcast %max3A : f32 to vector<1024x128xf32>
    %max3A_55 = arith.maximumf %add3A_53, %max3A_54 : vector<1024x128xf32>
    %swap3A = arith.constant 0 : index
    %swap3A_56 = arith.constant 0 : index
    %swap3A_57 = vector.load %arg6[%swap3A, %swap3A_56] : memref<1024x128xf32, #tpu.memory_space<vmem>>, vector<1024x128xf32>
    tpu.vector_store %arg6[%swap3A, %swap3A_56], %max3A_55 {strides = array<i32>} : memref<1024x128xf32, #tpu.memory_space<vmem>>, vector<1024x128xf32>,
    return
  }
  func.func @transform_0(%arg0: i32) -> (i32, i32, i32) {
    %c0_i32 = arith.constant 0 : i32
    %c0_i32_0 = arith.constant 0 : i32
    %c0_i32_1 = arith.constant 0 : i32
    return %c0_i32, %arg0, %c0_i32_0 : i32, i32, i32
  }
  func.func @transform_1(%arg0: i32) -> (i32, i32) {
    %c0_i32 = arith.constant 0 : i32
    %c0_i32_0 = arith.constant 0 : i32
    return %arg0, %c0_i32 : i32, i32
  }
  func.func @transform_2(%arg0: i32) -> (i32, i32) {
    %c0_i32 = arith.constant 0 : i32
    %c0_i32_0 = arith.constant 0 : i32
    return %arg0, %c0_i32 : i32, i32
  }
  func.func @transform_3(%arg0: i32) -> (i32, i32) {
    %c0_i32 = arith.constant 0 : i32
    %c0_i32_0 = arith.constant 0 : i32
    %c0_i32_1 = arith.constant 0 : i32
    return %c0_i32, %c0_i32_0 : i32, i32
  }
  func.func @transform_4(%arg0: i32) -> (i32, i32) {
    %c0_i32 = arith.constant 0 : i32
    %c0_i32_0 = arith.constant 0 : i32
    %c0_i32_1 = arith.constant 0 : i32
    return %c0_i32, %c0_i32_0 : i32, i32
  }
  func.func @transform_5(%arg0: i32) -> (i32, i32) {
    %c0_i32 = arith.constant 0 : i32
    %c0_i32_0 = arith.constant 0 : i32
    return %arg0, %c0_i32 : i32, i32
  }
}

</mosaic_0001>

<sc_bundles>
// kernel: kernel.12.cloned.1.call-start
scs
__scs_entry_jumppad:
0x0: {  	(pc) =	sbr.rel $0x88, $3  }
0x1: {  	(tag) =	ssettag $0x0;
	lr =	simm.s32 $0x1  }
0x2: {  	[smem:$0x3F96] =	sst lr;
	_ =	strace $0xD0000000  }
0x3: {  	_ = 	snop  }
0x4: {  	_ = 	snop  }
0x5: {  	_ = 	snop  }
0x6: {  	_ = 	snop  }
0x7: {  	_ = 	snop  }
__scs_overlays_trampoline_lowered:
0x8: {  	[smem:$0x3FA5] =	sst s0  }
0x9: {  	[smem:$0x3FA6] =	sst s1  }
0xa: {  	[smem:$0x3FA7] =	sst s2  }
0xb: {  	[smem:$0x3FA8] =	sst s3  }
0xc: {  	[smem:$0x3FA9] =	sst s4  }
0xd: {  	[smem:$0x3FAA] =	sst s5  }
0xe: {  	[smem:$0x3FAB] =	sst s6  }
0xf: {  	[smem:$0x3FAC] =	sst s7  }
0x10: {  	[smem:$0x3FAD] =	sst s8  }
0x11: {  	[smem:$0x3FAE] =	sst s9;
	s0 =	simm.s32 @!p0 $0x0  }
0x12: {  	s1 =	sld [smem:$0x3F94];
	s0 =	simm.s32 @p0 $0x1  }
0x13: {  	[smem:$0x3FAF] =	sst s0;
	s0 =	simm.s32 @!p1 $0x0  }
0x14: {  	s2 =	sld [smem:$0x3F93];
	s0 =	simm.s32 @p1 $0x1  }
0x15: {  	[smem:$0x3FB0] =	sst s0;
	s0 =	simm.s32 @!p2 $0x0  }
0x16: {  	s3 =	sld [smem:$0x3FDB];
	s0 =	simm.s32 @p2 $0x1  }
0x17: {  	s4 =	simm.s32 $0x1BF5;
	[smem:$0x3FB2] =	sst s0  }
0x18: {  	s0 =	sld [smem:$0x3F95];
	_ =	swait.ge [sflag:s4], $0x0  }
0x19: {  	s7 =	sld [smem:$0x3F96]  }
0x1a: {  	s8 =	sadd.s32 $0xFFFFE003, lr  }
0x1b: {  	s9 =	sadd.s32 $0xFFFFFEF7, lr;
	s5 =	simm.s32 $0xFFFFFFFF;
	p2 =	slt.u32 s8, $0xFFFFF086  }
0x1c: {  	p1 =	slt.u32 s9, $0xF7A;
	s5 =	simm.s32 @!p2 $0x0  }
0x1d: {  	s5 =	simm.s32 @p1 $0x1;
	p0 =	seq.s32 s7, s2  }
0x1e: {  	s7 =	smul.u32 @!p0 $0xF7A, s2;
	p2 =	seq.s32 @!p0 s5, $0x0  }
0x1f: {  	s9 =	smul.u32 $0xF7A, s1;
	s8 =	simm.s32 @!p0 $0x1BF5;
	p2 =	por !p2, p0  }
0x20: {  	[sflag:s8] =	ssyncset.s32 @!p0 $0xFFFFF086;
	s6 =	sadd.s32 @!p0 s3, s7;
	s7 =	simm.s32 @!p0 $0x108  }
0x21: {  	s3 =	sadd.s32 s3, s9;
	s6 =	sadd.s32 @!p0 $0x88, s6;
	s7 =	simm.s32 @p2 $0x1082  }
0x22: {  	[simem:s7], [sflag:s8] =	dma.local @!p0 [hbm:s6], $0xF7A  }
0x23: {  	s9 =	sor.u32 $0xD0000000, s2;
	s6 =	simm.s32 $0x108;
	_ =	swait.ge @!p0 [sflag:s8], $0x0  }
0x24: {  	s3 =	sadd.s32 $0x88, s3;
	s6 =	simm.s32 @!p1 $0x1082;
	[sflag:s4] =	ssyncset.s32 $0xFFFFF086  }
0x25: {  	[simem:s6], [sflag:s4] =	dma.local [hbm:s3], $0xF7A  }
0x26: {  	[smem:$0x3F96] =	sst s1;
	(tag) =	ssettag s2;
	_ =	strace s9  }
0x27: {  	s1 =	sld [smem:$0x3FA6]  }
0x28: {  	s2 =	sld [smem:$0x3FA7]  }
0x29: {  	s4 =	sld [smem:$0x3FA9]  }
0x2a: {  	p0 =	seq.s32 s5, $0x0;
	s5 =	sld [smem:$0x3FAA]  }
0x2b: {  	s6 =	sld [smem:$0x3FAB]  }
0x2c: {  	s7 =	sld [smem:$0x3FAC]  }
0x2d: {  	s3 =	simm.s32 $0x108;
	s8 =	sld [smem:$0x3FAD]  }
0x2e: {  	s3 =	simm.s32 @!p0 $0x1082;
	s9 =	sld [smem:$0x3FAE]  }
0x2f: {  	lr =	sadd.s32 s0, s3;
	s0 =	sld [smem:$0x3FA5]  }
0x30: {  	s3 =	sld [smem:$0x3FA8]  }
0x31: {  	[smem:$0x3FB1] =	sst s10  }
0x32: {  	s10 =	sld [smem:$0x3FAF];
	_ =	sdelay $0x3  }
0x33: {  	p0 =	seq.s32 s10, $0x1;
	s10 =	sld [smem:$0x3FB1];
	_ =	sdelay $0x3  }
0x34: {  	[smem:$0x3FB1] =	sst s10  }
0x35: {  	s10 =	sld [smem:$0x3FB0];
	_ =	sdelay $0x3  }
0x36: {  	p1 =	seq.s32 s10, $0x1;
	s10 =	sld [smem:$0x3FB1];
	_ =	sdelay $0x3  }
0x37: {  	[smem:$0x3FB1] =	sst s10  }
0x38: {  	s10 =	sld [smem:$0x3FB2]  }
0x39: {  	_ = 	snop;
	(pc) =	sbr.ind lr, $3  }
0x3a: {  	_ = 	snop  }
0x3b: {  	_ = 	snop  }
0x3c: {  	p2 =	seq.s32 s10, $0x1;
	s10 =	sld [smem:$0x3FB1]  }
0x3d: {  	_ =	shalt  }
0x3e: {  	_ =	shalt  }
0x3f: {  	_ =	shalt  }
0x40: {  	_ =	shalt  }
0x41: {  	_ =	shalt  }
0x42: {  	_ =	shalt  }
0x43: {  	_ =	shalt  }
0x44: {  	_ =	shalt  }
0x45: {  	_ =	shalt  }
0x46: {  	_ =	shalt  }
0x47: {  	_ =	shalt  }
0x48: {  	_ =	shalt  }
0x49: {  	_ =	shalt  }
0x4a: {  	_ =	shalt  }
0x4b: {  	_ =	shalt  }
0x4c: {  	_ =	shalt  }
0x4d: {  	_ =	shalt  }
0x4e: {  	_ =	shalt  }
0x4f: {  	_ =	shalt  }
0x50: {  	_ =	shalt  }
0x51: {  	_ =	shalt  }
0x52: {  	_ =	shalt  }
0x53: {  	_ =	shalt  }
0x54: {  	_ =	shalt  }
0x55: {  	_ =	shalt  }
0x56: {  	_ =	shalt  }
0x57: {  	_ =	shalt  }
0x58: {  	_ =	shalt  }
0x59: {  	_ =	shalt  }
0x5a: {  	_ =	shalt  }
0x5b: {  	_ =	shalt  }
0x5c: {  	_ =	shalt  }
0x5d: {  	_ =	shalt  }
0x5e: {  	_ =	shalt  }
0x5f: {  	_ =	shalt  }
0x60: {  	_ =	shalt  }
0x61: {  	_ =	shalt  }
0x62: {  	_ =	shalt  }
0x63: {  	_ =	shalt  }
0x64: {  	_ =	shalt  }
0x65: {  	_ =	shalt  }
0x66: {  	_ =	shalt  }
0x67: {  	_ =	shalt  }
0x68: {  	_ =	shalt  }
0x69: {  	_ =	shalt  }
0x6a: {  	_ =	shalt  }
0x6b: {  	_ =	shalt  }
0x6c: {  	_ =	shalt  }
0x6d: {  	_ =	shalt  }
0x6e: {  	_ =	shalt  }
0x6f: {  	_ =	shalt  }
0x70: {  	_ =	shalt  }
0x71: {  	_ =	shalt  }
0x72: {  	_ =	shalt  }
0x73: {  	_ =	shalt  }
0x74: {  	_ =	shalt  }
0x75: {  	_ =	shalt  }
0x76: {  	_ =	shalt  }
0x77: {  	_ =	shalt  }
0x78: {  	_ =	shalt  }
0x79: {  	_ =	shalt  }
0x7a: {  	_ =	shalt  }
0x7b: {  	_ =	shalt  }
0x7c: {  	_ =	shalt  }
0x7d: {  	_ =	shalt  }
0x7e: {  	_ =	shalt  }
0x7f: {  	_ =	shalt  }
0x80: {  	_ =	shalt  }
0x81: {  	_ =	shalt  }
0x82: {  	_ =	shalt  }
0x83: {  	_ =	shalt  }
0x84: {  	_ =	shalt  }
0x85: {  	_ =	shalt  }
0x86: {  	_ =	shalt  }
0x87: {  	_ =	shalt  }
.Lfunc_end0:
.L_simem_size_0:
called_computation.1_lowered:
.L_overlay_start_0:
0x88: {  	s2 =	sld [smem:$0x3FD9]  }
0x89: {  	s3 =	sld [smem:$0x3FFE];
	_ =	sdelay $0x1  }
0x8a: {  	s1 =	srdreg.scid  }
0x8b: {  	s0 =	sand.u32 $0x1, s1  }
0x8c: {  	s17 =	sshll.u32 s0, $0xA;
	s2 =	sadd.s32 s3, s2  }
0x8d: {  	s2 =	sadd.s32 s2, s17  }
0x8e: {  	[smem:$0x3FBD] =	sst s2  }
0x8f: {  	_ = 	snop  }
0x90: {  	s2 =	sld [smem:$0x3FD0];
	(tm) =	ssettm $0x1  }
0x91: {  	s18 =	sld [smem:$0x3FFB];
	_ =	sdelay $0x3  }
0x92: {  	_ =	strace s18  }
0x93: {  	s3 =	sld [smem:$0x3FFC];
	_ =	sdelay $0x3  }
0x94: {  	_ =	strace s3  }
0x95: {  	s3 =	sld [smem:$0x3FFD];
	_ =	sdelay $0x3  }
0x96: {  	_ =	strace s3  }
0x97: {  	_ =	strace $0x8FFFFFFF  }
0x98: {  	s19 =	sld [smem:$0x3FDB];
	_ =	sdelay $0x1  }
0x99: {  	s4 =	simm.s32 $_scs_section_size  }
0x9a: {  	s5 =	simm.s32 $_size__tile_overlayer_lowered;
	s6 =	simm.s32 $_tile_overlayer_lowered  }
0x9b: {  	s22 =	simm.s32 $0x1BFF;
	s21 =	sshll.u32 s6, $0x1;
	s3 =	sadd.s32 s4, s19  }
0x9c: {  	s7 =	simm.s32 $0x0;
	s20 =	sshll.u32 s5, $0x1;
	s5 =	sadd.s32 s21, s3  }
0x9d: {  	[timem:s7], [sflag:s22] =	dma.local [hbm:s5], s20  }
0x9e: {  	_ =	swait.ge [sflag:s22], s20  }
0x9f: {  	s4 =	ssub.s32 $0x0, s20;
	[sflag:s22] =	ssyncset.done $0x0  }
0xa0: {  	[sflag:s22] =	ssyncadd.s32 s4;
	_ =	sdelay $0x1  }
0xa1: {  	s23 =	simm.s32 $0x1B8B  }
0xa2: {  	_ =	swait.ge [sflag:s23], $0x1  }
0xa3: {  	[sflag:s23] =	ssyncset.done $0x0  }
0xa4: {  	s25 =	simm.s32 $0x1B8E;
	s24 =	sld [smem:$0x3FFE];
	[sflag:s23] =	ssyncadd.s32 $0xFFFFFFFF  }
0xa5: {  	s26 =	simm.s32 $execute0_lowered;
	[smem:$0x3FD2] =	sst s25  }
0xa6: {  	s5 =	sshll.u32 s26, $0x1;
	_ =	strace $0x80000046;
	[dreg:$0x1] =	wrdreg $0xFFFFFFFF  }
0xa7: {  	s28 =	simm.s32 $_size_execute0_lowered;
	s3 =	sadd.s32 s3, s5;
	[dreg:$0x0] =	wrdreg $0x0  }
0xa8: {  	s5 =	sshll.u32 s28, $0x1;
	[dreg:$0x2] =	wrdreg s3  }
0xa9: {  	[dreg:$0x3] =	wrdreg s5  }
0xaa: {  	[dreg:$0x4] =	wrdreg $0xC0  }
0xab: {  	_ =	task [dreg:s7], $0x5FFFF  }
0xac: {  	[dreg:$0x1] =	wrdreg $0xFFFFFFFF  }
0xad: {  	[dreg:$0x0] =	wrdreg $0x60  }
0xae: {  	[dreg:$0x2] =	wrdreg s24  }
0xaf: {  	[dreg:$0x3] =	wrdreg s2  }
0xb0: {  	[dreg:$0x4] =	wrdreg $0xBC000  }
0xb1: {  	[dreg:$0x5] =	wrdreg $0xA  }
0xb2: {  	_ =	task.clear_ibuf [dreg:s7], $0x6FFFF;
	_ =	strace $0x90000046  }
0xb3: {  	s29 =	simm.s32 $0xA;
	_ =	strace $0x80000048  }
0xb4: {  	_ =	swait.ge [sflag:s29], $0x1  }
0xb5: {  	[sflag:s29] =	ssyncadd.s32 $0xFFFFFFFF  }
0xb6: {  	_ =	strace $0x90000048  }
0xb7: {  	_ =	sfence  }
0xb8: {  	s30 =	sld [smem:$0x0];
	_ =	sdelay $0x2  }
0xb9: {  	s31 =	sshll.u32 s1, $0xD;
	s1 =	sshrl.u32 s1, $0x2  }
0xba: {  	s3 =	sand.u32 $0x4000, s31;
	s1 =	sadd.s32 s1, s30  }
0xbb: {  	s0 =	sor.u32 s3, s0;
	s1 =	sshll.u32 s1, $0x11  }
0xbc: {  	s0 =	sor.u32 s1, s0  }
0xbd: {  	s0 =	sadd.s32 $0x8F2B, s0  }
0xbe: {  	[sflag:s0] =	ssyncadd.remote.s32 $0x1  }
0xbf: {  	_ =	sfence.sel $0xFFFF  }
0xc0: {  	[dreg:$0x0] =	wrdreg $0xFFFFFFFF;
	(pc) =	sbr.abs _section_cstart, $3  }
0xc1: {  	[dreg:$0x1] =	wrdreg $0xFFFFFFFF  }
0xc2: {  	_ =	task.clear_ibuf [dreg:s7], $0x2FFFF;
	_ =	strace $0x9FFFFFFF  }
0xc3: {  	(tm) =	ssettm $0x7FFFFFFF  }
tec
execute0_lowered:
.L_overlay_start_1:
0x0: {  	(tag) =	ssettag $0x1  }
0x1: {  	s5 =	rddreg [dreg:$0x0]  }
0x2: {  	s10 =	rddreg [dreg:$0x1]  }
0x3: {  	s2 =	rddreg [dreg:$0x2]  }
0x4: {  	s0 =	rddreg [dreg:$0x3]  }
0x5: {  	s1 =	stileid.u32;
	s3 =	simm.s32 $0x0;
	s4 =	srdreg.scid  }
0x6: {  	s15 =	simm.s32 $0x78;
	s16 =	simm.s32 $0x800;
	s17 =	simm.s32 $0x80  }
0x7: {  	s18 =	simm.s32 $0x4400;
	s19 =	simm.s32 $0x100;
	s20 =	simm.s32 $0x8000  }
0x8: {  	s21 =	simm.s32 $0x1;
	s22 =	simm.s32 $0x280;
	s6 =	smul.u32 $0x14000, s1  }
0x9: {  	s23 =	simm.s32 $0x300;
	s24 =	simm.s32 $0x2;
	s11 =	smul.u32 $0x50000, s1  }
0xa: {  	[smem:$0x7FF] =	sst s3;
	s7 =	sand.u32 $0x1, s4;
	s13 =	smul.u32 $0x7000, s1  }
0xb: {  	s4 =	sadd.s32 $0x3A00, s5;
	s28 =	sshll.u32 s1, $0x6;
	s9 =	smul.u32 $0x140000, s7  }
0xc: {  	_ =	strace $0x80000047;
	s25 =	ssub.s32 $0x2, s7;
	s7 =	smul.u32 $0x70000, s7  }
0xd: {  	s8 =	sshrl.u32 s6, $0x3;
	s12 =	sshrl.u32 s25, $0x1;
	s26 =	sshrl.u32 s11, $0x2  }
0xe: {  	s8 =	sadd.s32 s8, s5;
	s6 =	sadd.s32 s6, s9;
	s9 =	ssub.s32 s25, s12  }
0xf: {  	s11 =	sadd.s32 s26, s2;
	s29 =	sadd.s32 s7, s13;
	s25 =	simm.s32 $0x0  }
0x10: {  	s6 =	sshrl.u32 s6, $0x3;
	s30 =	sor.u32 $0x400, s29;
	s12 =	sshrl.u32 s29, $0x3  }
0x11: {  	s11 =	sshrl.u32 s11, $0x3;
	s14 =	sadd.s32 s6, s5;
	s5 =	sadd.s32 $0x2BA00, s8  }
0x12: {  	s6 =	sor.u32 $0x1C03, s28;
	s31 =	sshrl.u32 s30, $0x3;
	s8 =	smax.u32 s9, $0x1  }
0x13: {  	s9 =	sadd.s32 s10, s12;
	s12 =	simm.s32 $0x3;
	s7 =	sadd.s32 $0x53A00, s14  }
0x14: {  	s10 =	sadd.s32 s31, s10;
	s13 =	sadd.s32 $0x40, s9;
	s14 =	simm.s32 $0x200  }
.LBB2_1:
0x15: {  	[spmem:s11], [sflag:s6] =	dma.local [hbm:s5], $0x2800  }
0x16: {  	_ =	swait.ge [sflag:s12], $0x2800  }
0x17: {  	[sflag:s12] =	ssyncset.done $0x0  }
0x18: {  	[sflag:s12] =	ssyncadd.s32 $0xFFFFD800  }
0x19: {  	[bflag:$0x0] =	sbarrier.arrive $0xFFFF  }
0x1a: {  	[tilespmem:s3], [sflag:$0x3] =	stream.linear.gather [hbm4b:s9+s3], $0x180, $0x38;
	[tilespmem:$0x1FC00] =	vst v63  }
0x1b: {  	_ = 	snop  }
0x1c: {  	[tilespmem:s14], [sflag:$0x3] =	stream.linear.gather [hbm4b:s13+s3], $0x180, $0x38;
	[tilespmem:$0x1FC00] =	vst v63  }
0x1d: {  	_ =	swait.ge [sflag:s12], $0x300  }
0x1e: {  	[sflag:s12] =	ssyncset.done $0x0  }
0x1f: {  	[sflag:s12] =	ssyncadd.s32 $0xFFFFFD00  }
0x20: {  	[tilespmem:s16], [sflag:$0x1] =	stream.indirect.gather [hbm4b:s4+s15], $0x80, s3, s15, $0xb8;
	[tilespmem:$0x1FC00] =	vst v63  }
0x21: {  	_ = 	snop  }
0x22: {  	[tilespmem:s18], [sflag:$0x1] =	stream.indirect.gather [hbm4b:s4+s15], $0x80, s17, s15, $0xb8;
	[tilespmem:$0x1FC00] =	vst v63  }
0x23: {  	_ = 	snop  }
0x24: {  	[tilespmem:s20], [sflag:$0x1] =	stream.indirect.gather [hbm4b:s4+s15], $0x80, s19, s15, $0xb8;
	[tilespmem:$0x1FC00] =	vst v63  }
0x25: {  	_ =	swait.ge [sflag:s21], $0x3C00  }
0x26: {  	[sflag:s21] =	ssyncset.done $0x0  }
0x27: {  	[sflag:s21] =	ssyncadd.s32 $0xFFFFC400  }
0x28: {  	[spmem:s2] =	stream.indirect.scatter.add.f32 [tilespmem:s16], [sflag:$0x2], $0x80, s14, s15, $0xb8;
	[tilespmem:$0x1FC00] =	vst v63  }
0x29: {  	_ =	swait.ge [sflag:s21], $0x3C00  }
0x2a: {  	[sflag:s21] =	ssyncset.done $0x0  }
0x2b: {  	[sflag:s21] =	ssyncadd.s32 $0xFFFFC400  }
0x2c: {  	[spmem:s2] =	stream.indirect.scatter.add.f32 [tilespmem:s18], [sflag:$0x2], $0x80, s22, s15, $0xb8;
	[tilespmem:$0x1FC00] =	vst v63  }
0x2d: {  	_ =	swait.ge [sflag:s21], $0x3C00  }
0x2e: {  	[sflag:s21] =	ssyncset.done $0x0  }
0x2f: {  	s26 =	simm.s32 $0x400;
	[sflag:s21] =	ssyncadd.s32 $0xFFFFC400  }
0x30: {  	[spmem:s2] =	stream.indirect.scatter.add.f32 [tilespmem:s20], [sflag:$0x2], $0x80, s23, s15, $0xb8;
	[tilespmem:$0x1FC00] =	vst v63  }
0x31: {  	s28 =	sand.u32 $0x400, s26  }
0x32: {  	[tilespmem:s28], [sflag:$0x3] =	stream.linear.gather [hbm4b:s10+s3], $0x180, $0x38;
	[tilespmem:$0x1FC00] =	vst v63  }
0x33: {  	s30 =	sadd.s32 $0x40, s10;
	s29 =	sor.u32 $0x200, s28  }
0x34: {  	[tilespmem:s29], [sflag:$0x3] =	stream.linear.gather [hbm4b:s30+s3], $0x180, $0x38;
	[tilespmem:$0x1FC00] =	vst v63  }
0x35: {  	_ =	swait.ge [sflag:s12], $0x300  }
0x36: {  	[sflag:s12] =	ssyncset.done $0x0  }
0x37: {  	[sflag:s12] =	ssyncadd.s32 $0xFFFFFD00  }
0x38: {  	_ =	swait.ge [sflag:s24], $0x3C00  }
0x39: {  	[sflag:s24] =	ssyncset.done $0x0  }
0x3a: {  	[sflag:s24] =	ssyncadd.s32 $0xFFFFC400  }
0x3b: {  	_ =	swait.ge [sflag:s24], $0x3C00  }
0x3c: {  	[sflag:s24] =	ssyncset.done $0x0  }
0x3d: {  	[sflag:s24] =	ssyncadd.s32 $0xFFFFC400  }
0x3e: {  	_ =	swait.ge [sflag:s24], $0x3C00  }
0x3f: {  	[sflag:s24] =	ssyncset.done $0x0  }
0x40: {  	[sflag:s24] =	ssyncadd.s32 $0xFFFFC400  }
0x41: {  	[tilespmem:s16], [sflag:$0x1] =	stream.indirect.gather [hbm4b:s4+s15], $0x80, s28, s15, $0xb8;
	[tilespmem:$0x1FC00] =	vst v63  }
0x42: {  	s31 =	sor.u32 $0x80, s28  }
0x43: {  	[tilespmem:s18], [sflag:$0x1] =	stream.indirect.gather [hbm4b:s4+s15], $0x80, s31, s15, $0xb8;
	[tilespmem:$0x1FC00] =	vst v63  }
0x44: {  	s30 =	sor.u32 $0x100, s28  }
0x45: {  	[tilespmem:s20], [sflag:$0x1] =	stream.indirect.gather [hbm4b:s4+s15], $0x80, s30, s15, $0xb8;
	[tilespmem:$0x1FC00] =	vst v63  }
0x46: {  	_ =	swait.ge [sflag:s21], $0x3C00  }
0x47: {  	[sflag:s21] =	ssyncset.done $0x0  }
0x48: {  	[sflag:s21] =	ssyncadd.s32 $0xFFFFC400  }
0x49: {  	[spmem:s2] =	stream.indirect.scatter.add.f32 [tilespmem:s16], [sflag:$0x2], $0x80, s29, s15, $0xb8;
	[tilespmem:$0x1FC00] =	vst v63  }
0x4a: {  	_ =	swait.ge [sflag:s21], $0x3C00  }
0x4b: {  	[sflag:s21] =	ssyncset.done $0x0  }
0x4c: {  	s31 =	sor.u32 $0x280, s28;
	[sflag:s21] =	ssyncadd.s32 $0xFFFFC400  }
0x4d: {  	[spmem:s2] =	stream.indirect.scatter.add.f32 [tilespmem:s18], [sflag:$0x2], $0x80, s31, s15, $0xb8;
	[tilespmem:$0x1FC00] =	vst v63  }
0x4e: {  	_ =	swait.ge [sflag:s21], $0x3C00  }
0x4f: {  	s26 =	simm.s32 $0x800;
	[sflag:s21] =	ssyncset.done $0x0  }
0x50: {  	s29 =	sor.u32 $0x300, s28;
	s28 =	sadd.s32 $0x80, s10;
	[sflag:s21] =	ssyncadd.s32 $0xFFFFC400  }
.LBB2_2:
0x51: {  	[spmem:s2] =	stream.indirect.scatter.add.f32 [tilespmem:s20], [sflag:$0x2], $0x80, s29, s15, $0xb8;
	[tilespmem:$0x1FC00] =	vst v63  }
0x52: {  	s29 =	sand.u32 $0x400, s26;
	p0 =	sne.s32 s26, $0x6C00;
	s26 =	sadd.s32 $0x400, s26  }
0x53: {  	[tilespmem:s29], [sflag:$0x3] =	stream.linear.gather [hbm4b:s28+s3], $0x180, $0x38;
	[tilespmem:$0x1FC00] =	vst v63  }
0x54: {  	s30 =	sadd.s32 $0x40, s28;
	s31 =	sor.u32 $0x200, s29  }
0x55: {  	[tilespmem:s31], [sflag:$0x3] =	stream.linear.gather [hbm4b:s30+s3], $0x180, $0x38;
	[tilespmem:$0x1FC00] =	vst v63  }
0x56: {  	_ =	swait.ge [sflag:s12], $0x300  }
0x57: {  	[sflag:s12] =	ssyncset.done $0x0  }
0x58: {  	[sflag:s12] =	ssyncadd.s32 $0xFFFFFD00  }
0x59: {  	_ =	swait.ge [sflag:s24], $0x3C00  }
0x5a: {  	[sflag:s24] =	ssyncset.done $0x0  }
0x5b: {  	[sflag:s24] =	ssyncadd.s32 $0xFFFFC400  }
0x5c: {  	_ =	swait.ge [sflag:s24], $0x3C00  }
0x5d: {  	[sflag:s24] =	ssyncset.done $0x0  }
0x5e: {  	[sflag:s24] =	ssyncadd.s32 $0xFFFFC400  }
0x5f: {  	_ =	swait.ge [sflag:s24], $0x3C00  }
0x60: {  	[sflag:s24] =	ssyncset.done $0x0  }
0x61: {  	[sflag:s24] =	ssyncadd.s32 $0xFFFFC400  }
0x62: {  	[tilespmem:s16], [sflag:$0x1] =	stream.indirect.gather [hbm4b:s4+s15], $0x80, s29, s15, $0xb8;
	[tilespmem:$0x1FC00] =	vst v63  }
0x63: {  	s30 =	sor.u32 $0x80, s29  }
0x64: {  	[tilespmem:s18], [sflag:$0x1] =	stream.indirect.gather [hbm4b:s4+s15], $0x80, s30, s15, $0xb8;
	[tilespmem:$0x1FC00] =	vst v63  }
0x65: {  	s30 =	sor.u32 $0x100, s29  }
0x66: {  	[tilespmem:s20], [sflag:$0x1] =	stream.indirect.gather [hbm4b:s4+s15], $0x80, s30, s15, $0xb8;
	[tilespmem:$0x1FC00] =	vst v63  }
0x67: {  	_ =	swait.ge [sflag:s21], $0x3C00  }
0x68: {  	[sflag:s21] =	ssyncset.done $0x0  }
0x69: {  	[sflag:s21] =	ssyncadd.s32 $0xFFFFC400  }
0x6a: {  	[spmem:s2] =	stream.indirect.scatter.add.f32 [tilespmem:s16], [sflag:$0x2], $0x80, s31, s15, $0xb8;
	[tilespmem:$0x1FC00] =	vst v63  }
0x6b: {  	_ =	swait.ge [sflag:s21], $0x3C00  }
0x6c: {  	[sflag:s21] =	ssyncset.done $0x0  }
.Ltmp0:
0x6d: {  	s30 =	sor.u32 $0x280, s29;
	[sflag:s21] =	ssyncadd.s32 $0xFFFFC400;
	(pc) =	sbr.rel @p0 .LBB2_2-.Ltmp0, $4  }
0x6e: {  	[spmem:s2] =	stream.indirect.scatter.add.f32 [tilespmem:s18], [sflag:$0x2], $0x80, s30, s15, $0xb8;
	[tilespmem:$0x1FC00] =	vst v63  }
0x6f: {  	_ =	swait.ge [sflag:s21], $0x3C00  }
0x70: {  	[sflag:s21] =	ssyncset.done $0x0  }
0x71: {  	s28 =	sadd.s32 $0x80, s28;
	s29 =	sor.u32 $0x300, s29;
	[sflag:s21] =	ssyncadd.s32 $0xFFFFC400  }
0x72: {  	[spmem:s2] =	stream.indirect.scatter.add.f32 [tilespmem:s20], [sflag:$0x2], $0x80, s29, s15, $0xb8;
	[tilespmem:$0x1FC00] =	vst v63  }
0x73: {  	_ =	swait.ge [sflag:s24], $0x3C00  }
0x74: {  	[sflag:s24] =	ssyncset.done $0x0  }
0x75: {  	[sflag:s24] =	ssyncadd.s32 $0xFFFFC400  }
0x76: {  	_ =	swait.ge [sflag:s24], $0x3C00  }
0x77: {  	[sflag:s24] =	ssyncset.done $0x0  }
0x78: {  	[sflag:s24] =	ssyncadd.s32 $0xFFFFC400  }
0x79: {  	_ =	swait.ge [sflag:s24], $0x3C00  }
0x7a: {  	s25 =	sadd.s32 $0x1, s25;
	[sflag:s24] =	ssyncset.done $0x0  }
0x7b: {  	p0 =	sne.s32 s25, s8;
	[sflag:s24] =	ssyncadd.s32 $0xFFFFC400  }
.Ltmp1:
0x7c: {  	[bflag:$0x0] =	sbarrier.arrive $0xFFFF;
	(pc) =	sbr.rel @p0 .LBB2_1-.Ltmp1, $4  }
0x7d: {  	[hbm:s7], [sflag:s6] =	dma.local [spmem:s11], $0x2800  }
0x7e: {  	_ =	swait.ge [sflag:s12], $0x2800  }
0x7f: {  	[sflag:s12] =	ssyncset.done $0x0  }
0x80: {  	[sflag:s12] =	ssyncadd.s32 $0xFFFFD800  }
0x81: {  	_ =	sfence.sel $0x180000  }
0x82: {  	[bflag:$0x0] =	sbarrier.arrive $0xFFFF  }
0x83: {  	p0 =	sne.s32 s1, $0x0;
	_ =	strace $0x90000047  }
0x84: {  	s0 =	sadd.s32 @!p0 $0x100000, s0;
	[bflag:$0x2] =	sbarrier.arrive $0xFFFF  }
0x85: {  	[sflag:s0] =	ssyncadd.tile.s32 @!p0 $0x1;
	_ =	shalt  }
.Lfunc_end2:
_tile_overlayer_lowered:
.L_overlay_start_2:
0x86: {  	(tag) =	ssettag $0x2  }
0x87: {  	s0 =	rddreg [dreg:$0x0];
	s2 =	stileid.u32  }
0x88: {  	s1 =	rddreg [dreg:$0x1];
	p0 =	sne.s32 s2, $0x0  }
0x89: {  	s3 =	rddreg [dreg:$0x2];
	[bflag:$0x3] =	sbarrier.arrive $0xFFFF;
	s2 =	simm.s32 @!p0 $0x1C03  }
0x8a: {  	[timem:s3], [sflag:s2] =	dma.local @!p0 [hbm:s0], s1  }
0x8b: {  	s0 =	simm.s32 @!p0 $0x3  }
0x8c: {  	_ =	swait.ge @!p0 [sflag:s0], s1  }
0x8d: {  	s1 =	ssub.s32 @!p0 $0x0, s1;
	[sflag:s0] =	ssyncset.done @!p0 $0x0  }
0x8e: {  	[sflag:s0] =	ssyncadd.s32 @!p0 s1  }
0x8f: {  	[bflag:$0x3] =	sbarrier.arrive $0xFFFF  }
0x90: {  	_ =	shalt  }

// kernel: kernel.15.cloned.1.call-start
scs
__scs_entry_jumppad:
0x0: {  	(pc) =	sbr.rel $0x88, $3  }
0x1: {  	(tag) =	ssettag $0x0;
	lr =	simm.s32 $0x1  }
0x2: {  	[smem:$0x3F96] =	sst lr;
	_ =	strace $0xD0000000  }
0x3: {  	_ = 	snop  }
0x4: {  	_ = 	snop  }
0x5: {  	_ = 	snop  }
0x6: {  	_ = 	snop  }
0x7: {  	_ = 	snop  }
__scs_overlays_trampoline_lowered:
0x8: {  	[smem:$0x3FA5] =	sst s0  }
0x9: {  	[smem:$0x3FA6] =	sst s1  }
0xa: {  	[smem:$0x3FA7] =	sst s2  }
0xb: {  	[smem:$0x3FA8] =	sst s3  }
0xc: {  	[smem:$0x3FA9] =	sst s4  }
0xd: {  	[smem:$0x3FAA] =	sst s5  }
0xe: {  	[smem:$0x3FAB] =	sst s6  }
0xf: {  	[smem:$0x3FAC] =	sst s7  }
0x10: {  	[smem:$0x3FAD] =	sst s8  }
0x11: {  	[smem:$0x3FAE] =	sst s9;
	s0 =	simm.s32 @!p0 $0x0  }
0x12: {  	s1 =	sld [smem:$0x3F94];
	s0 =	simm.s32 @p0 $0x1  }
0x13: {  	[smem:$0x3FAF] =	sst s0;
	s0 =	simm.s32 @!p1 $0x0  }
0x14: {  	s2 =	sld [smem:$0x3F93];
	s0 =	simm.s32 @p1 $0x1  }
0x15: {  	[smem:$0x3FB0] =	sst s0;
	s0 =	simm.s32 @!p2 $0x0  }
0x16: {  	s3 =	sld [smem:$0x3FDB];
	s0 =	simm.s32 @p2 $0x1  }
0x17: {  	s4 =	simm.s32 $0x1BF5;
	[smem:$0x3FB2] =	sst s0  }
0x18: {  	s0 =	sld [smem:$0x3F95];
	_ =	swait.ge [sflag:s4], $0x0  }
0x19: {  	s7 =	sld [smem:$0x3F96]  }
0x1a: {  	s8 =	sadd.s32 $0xFFFFE003, lr  }
0x1b: {  	s9 =	sadd.s32 $0xFFFFFEF7, lr;
	s5 =	simm.s32 $0xFFFFFFFF;
	p2 =	slt.u32 s8, $0xFFFFF086  }
0x1c: {  	p1 =	slt.u32 s9, $0xF7A;
	s5 =	simm.s32 @!p2 $0x0  }
0x1d: {  	s5 =	simm.s32 @p1 $0x1;
	p0 =	seq.s32 s7, s2  }
0x1e: {  	s7 =	smul.u32 @!p0 $0xF7A, s2;
	p2 =	seq.s32 @!p0 s5, $0x0  }
0x1f: {  	s9 =	smul.u32 $0xF7A, s1;
	s8 =	simm.s32 @!p0 $0x1BF5;
	p2 =	por !p2, p0  }
0x20: {  	[sflag:s8] =	ssyncset.s32 @!p0 $0xFFFFF086;
	s6 =	sadd.s32 @!p0 s3, s7;
	s7 =	simm.s32 @!p0 $0x108  }
0x21: {  	s3 =	sadd.s32 s3, s9;
	s6 =	sadd.s32 @!p0 $0x88, s6;
	s7 =	simm.s32 @p2 $0x1082  }
0x22: {  	[simem:s7], [sflag:s8] =	dma.local @!p0 [hbm:s6], $0xF7A  }
0x23: {  	s9 =	sor.u32 $0xD0000000, s2;
	s6 =	simm.s32 $0x108;
	_ =	swait.ge @!p0 [sflag:s8], $0x0  }
0x24: {  	s3 =	sadd.s32 $0x88, s3;
	s6 =	simm.s32 @!p1 $0x1082;
	[sflag:s4] =	ssyncset.s32 $0xFFFFF086  }
0x25: {  	[simem:s6], [sflag:s4] =	dma.local [hbm:s3], $0xF7A  }
0x26: {  	[smem:$0x3F96] =	sst s1;
	(tag) =	ssettag s2;
	_ =	strace s9  }
0x27: {  	s1 =	sld [smem:$0x3FA6]  }
0x28: {  	s2 =	sld [smem:$0x3FA7]  }
0x29: {  	s4 =	sld [smem:$0x3FA9]  }
0x2a: {  	p0 =	seq.s32 s5, $0x0;
	s5 =	sld [smem:$0x3FAA]  }
0x2b: {  	s6 =	sld [smem:$0x3FAB]  }
0x2c: {  	s7 =	sld [smem:$0x3FAC]  }
0x2d: {  	s3 =	simm.s32 $0x108;
	s8 =	sld [smem:$0x3FAD]  }
0x2e: {  	s3 =	simm.s32 @!p0 $0x1082;
	s9 =	sld [smem:$0x3FAE]  }
0x2f: {  	lr =	sadd.s32 s0, s3;
	s0 =	sld [smem:$0x3FA5]  }
0x30: {  	s3 =	sld [smem:$0x3FA8]  }
0x31: {  	[smem:$0x3FB1] =	sst s10  }
0x32: {  	s10 =	sld [smem:$0x3FAF];
	_ =	sdelay $0x3  }
0x33: {  	p0 =	seq.s32 s10, $0x1;
	s10 =	sld [smem:$0x3FB1];
	_ =	sdelay $0x3  }
0x34: {  	[smem:$0x3FB1] =	sst s10  }
0x35: {  	s10 =	sld [smem:$0x3FB0];
	_ =	sdelay $0x3  }
0x36: {  	p1 =	seq.s32 s10, $0x1;
	s10 =	sld [smem:$0x3FB1];
	_ =	sdelay $0x3  }
0x37: {  	[smem:$0x3FB1] =	sst s10  }
0x38: {  	s10 =	sld [smem:$0x3FB2]  }
0x39: {  	_ = 	snop;
	(pc) =	sbr.ind lr, $3  }
0x3a: {  	_ = 	snop  }
0x3b: {  	_ = 	snop  }
0x3c: {  	p2 =	seq.s32 s10, $0x1;
	s10 =	sld [smem:$0x3FB1]  }
0x3d: {  	_ =	shalt  }
0x3e: {  	_ =	shalt  }
0x3f: {  	_ =	shalt  }
0x40: {  	_ =	shalt  }
0x41: {  	_ =	shalt  }
0x42: {  	_ =	shalt  }
0x43: {  	_ =	shalt  }
0x44: {  	_ =	shalt  }
0x45: {  	_ =	shalt  }
0x46: {  	_ =	shalt  }
0x47: {  	_ =	shalt  }
0x48: {  	_ =	shalt  }
0x49: {  	_ =	shalt  }
0x4a: {  	_ =	shalt  }
0x4b: {  	_ =	shalt  }
0x4c: {  	_ =	shalt  }
0x4d: {  	_ =	shalt  }
0x4e: {  	_ =	shalt  }
0x4f: {  	_ =	shalt  }
0x50: {  	_ =	shalt  }
0x51: {  	_ =	shalt  }
0x52: {  	_ =	shalt  }
0x53: {  	_ =	shalt  }
0x54: {  	_ =	shalt  }
0x55: {  	_ =	shalt  }
0x56: {  	_ =	shalt  }
0x57: {  	_ =	shalt  }
0x58: {  	_ =	shalt  }
0x59: {  	_ =	shalt  }
0x5a: {  	_ =	shalt  }
0x5b: {  	_ =	shalt  }
0x5c: {  	_ =	shalt  }
0x5d: {  	_ =	shalt  }
0x5e: {  	_ =	shalt  }
0x5f: {  	_ =	shalt  }
0x60: {  	_ =	shalt  }
0x61: {  	_ =	shalt  }
0x62: {  	_ =	shalt  }
0x63: {  	_ =	shalt  }
0x64: {  	_ =	shalt  }
0x65: {  	_ =	shalt  }
0x66: {  	_ =	shalt  }
0x67: {  	_ =	shalt  }
0x68: {  	_ =	shalt  }
0x69: {  	_ =	shalt  }
0x6a: {  	_ =	shalt  }
0x6b: {  	_ =	shalt  }
0x6c: {  	_ =	shalt  }
0x6d: {  	_ =	shalt  }
0x6e: {  	_ =	shalt  }
0x6f: {  	_ =	shalt  }
0x70: {  	_ =	shalt  }
0x71: {  	_ =	shalt  }
0x72: {  	_ =	shalt  }
0x73: {  	_ =	shalt  }
0x74: {  	_ =	shalt  }
0x75: {  	_ =	shalt  }
0x76: {  	_ =	shalt  }
0x77: {  	_ =	shalt  }
0x78: {  	_ =	shalt  }
0x79: {  	_ =	shalt  }
0x7a: {  	_ =	shalt  }
0x7b: {  	_ =	shalt  }
0x7c: {  	_ =	shalt  }
0x7d: {  	_ =	shalt  }
0x7e: {  	_ =	shalt  }
0x7f: {  	_ =	shalt  }
0x80: {  	_ =	shalt  }
0x81: {  	_ =	shalt  }
0x82: {  	_ =	shalt  }
0x83: {  	_ =	shalt  }
0x84: {  	_ =	shalt  }
0x85: {  	_ =	shalt  }
0x86: {  	_ =	shalt  }
0x87: {  	_ =	shalt  }
.Lfunc_end0:
.L_simem_size_0:
called_computation.2_lowered:
.L_overlay_start_0:
0x88: {  	s2 =	sld [smem:$0x3FD9]  }
0x89: {  	s3 =	sld [smem:$0x3FFE];
	_ =	sdelay $0x1  }
0x8a: {  	s1 =	srdreg.scid  }
0x8b: {  	s0 =	sand.u32 $0x1, s1  }
0x8c: {  	s16 =	sshll.u32 s0, $0xA;
	s2 =	sadd.s32 s3, s2  }
0x8d: {  	s2 =	sadd.s32 s2, s16  }
0x8e: {  	[smem:$0x3FBD] =	sst s2  }
0x8f: {  	_ = 	snop  }
0x90: {  	(tm) =	ssettm $0x1  }
0x91: {  	s17 =	sld [smem:$0x3FFB];
	_ =	sdelay $0x3  }
0x92: {  	_ =	strace s17  }
0x93: {  	s2 =	sld [smem:$0x3FFC];
	_ =	sdelay $0x3  }
0x94: {  	_ =	strace s2  }
0x95: {  	s2 =	sld [smem:$0x3FFD];
	_ =	sdelay $0x3  }
0x96: {  	_ =	strace s2  }
0x97: {  	_ =	strace $0x8FFFFFFF  }
0x98: {  	s18 =	sld [smem:$0x3FDB];
	_ =	sdelay $0x1  }
0x99: {  	s19 =	simm.s32 $_scs_section_size  }
0x9a: {  	s4 =	simm.s32 $_size__tile_overlayer_lowered;
	s5 =	simm.s32 $_tile_overlayer_lowered  }
0x9b: {  	s22 =	simm.s32 $0x1BFF;
	s21 =	sshll.u32 s5, $0x1;
	s2 =	sadd.s32 s19, s18  }
0x9c: {  	s6 =	simm.s32 $0x0;
	s20 =	sshll.u32 s4, $0x1;
	s4 =	sadd.s32 s21, s2  }
0x9d: {  	[timem:s6], [sflag:s22] =	dma.local [hbm:s4], s20  }
0x9e: {  	_ =	swait.ge [sflag:s22], s20  }
0x9f: {  	s3 =	ssub.s32 $0x0, s20;
	[sflag:s22] =	ssyncset.done $0x0  }
0xa0: {  	[sflag:s22] =	ssyncadd.s32 s3;
	_ =	sdelay $0x1  }
0xa1: {  	s23 =	simm.s32 $0x1B8B  }
0xa2: {  	_ =	swait.ge [sflag:s23], $0x1  }
0xa3: {  	[sflag:s23] =	ssyncset.done $0x0  }
0xa4: {  	s25 =	simm.s32 $0x1B8E;
	s24 =	sld [smem:$0x3FFE];
	[sflag:s23] =	ssyncadd.s32 $0xFFFFFFFF  }
0xa5: {  	s26 =	simm.s32 $execute0_lowered;
	[smem:$0x3FD2] =	sst s25  }
0xa6: {  	s4 =	sshll.u32 s26, $0x1;
	_ =	strace $0x8000004C;
	[dreg:$0x1] =	wrdreg $0xFFFFFFFF  }
0xa7: {  	s28 =	simm.s32 $_size_execute0_lowered;
	s2 =	sadd.s32 s2, s4;
	[dreg:$0x0] =	wrdreg $0x0  }
0xa8: {  	s4 =	sshll.u32 s28, $0x1;
	[dreg:$0x2] =	wrdreg s2  }
0xa9: {  	[dreg:$0x3] =	wrdreg s4  }
0xaa: {  	[dreg:$0x4] =	wrdreg $0xC0  }
0xab: {  	_ =	task [dreg:s6], $0x5FFFF  }
0xac: {  	[dreg:$0x1] =	wrdreg $0xFFFFFFFF  }
0xad: {  	[dreg:$0x0] =	wrdreg $0x60  }
0xae: {  	[dreg:$0x2] =	wrdreg s24  }
0xaf: {  	[dreg:$0x3] =	wrdreg $0xBC000  }
0xb0: {  	[dreg:$0x4] =	wrdreg $0x9  }
0xb1: {  	_ =	task.clear_ibuf [dreg:s6], $0x5FFFF;
	_ =	strace $0x9000004C  }
0xb2: {  	s29 =	simm.s32 $0x9;
	_ =	strace $0x8000004E  }
0xb3: {  	_ =	swait.ge [sflag:s29], $0x1  }
0xb4: {  	[sflag:s29] =	ssyncadd.s32 $0xFFFFFFFF  }
0xb5: {  	_ =	strace $0x9000004E  }
0xb6: {  	_ =	sfence  }
0xb7: {  	s30 =	sld [smem:$0x0];
	_ =	sdelay $0x2  }
0xb8: {  	s31 =	sshll.u32 s1, $0xD;
	s1 =	sshrl.u32 s1, $0x2  }
0xb9: {  	s3 =	sand.u32 $0x4000, s31;
	s1 =	sadd.s32 s1, s30  }
0xba: {  	s0 =	sor.u32 s3, s0;
	s1 =	sshll.u32 s1, $0x11  }
0xbb: {  	s0 =	sor.u32 s1, s0  }
0xbc: {  	s0 =	sadd.s32 $0x8F2B, s0  }
0xbd: {  	[sflag:s0] =	ssyncadd.remote.s32 $0x1  }
0xbe: {  	_ =	sfence.sel $0xFFFF  }
0xbf: {  	[dreg:$0x0] =	wrdreg $0xFFFFFFFF;
	(pc) =	sbr.abs _section_cstart, $3  }
0xc0: {  	[dreg:$0x1] =	wrdreg $0xFFFFFFFF  }
0xc1: {  	_ =	task.clear_ibuf [dreg:s6], $0x2FFFF;
	_ =	strace $0x9FFFFFFF  }
0xc2: {  	(tm) =	ssettm $0x7FFFFFFF  }
0xc3: {  	_ =	shalt  }
tec
execute0_lowered:
.L_overlay_start_1:
0x0: {  	(tag) =	ssettag $0x1  }
0x1: {  	s5 =	rddreg [dreg:$0x0]  }
0x2: {  	s2 =	rddreg [dreg:$0x1]  }
0x3: {  	s0 =	rddreg [dreg:$0x2];
	s3 =	simm.s32 $0x0  }
0x4: {  	s1 =	stileid.u32;
	s4 =	srdreg.scid;
	s15 =	simm.s32 $0x78  }
0x5: {  	s16 =	simm.s32 $0x800;
	s17 =	simm.s32 $0x80;
	s18 =	simm.s32 $0x4400  }
0x6: {  	s19 =	simm.s32 $0x100;
	s20 =	simm.s32 $0x8000;
	s21 =	simm.s32 $0x1  }
0x7: {  	s22 =	simm.s32 $0x280;
	s23 =	simm.s32 $0x300;
	s6 =	smul.u32 $0x14000, s1  }
0x8: {  	s24 =	simm.s32 $0x2;
	[smem:$0x7FF] =	sst s3;
	s11 =	smul.u32 $0x50000, s1  }
0x9: {  	s7 =	sand.u32 $0x1, s4;
	s4 =	sadd.s32 $0x53A00, s5;
	s13 =	smul.u32 $0xE000, s1  }
0xa: {  	s10 =	sadd.s32 $0xB7A00, s5;
	s28 =	sshll.u32 s1, $0x6;
	s9 =	smul.u32 $0x140000, s7  }
0xb: {  	_ =	strace $0x8000004D;
	s25 =	ssub.s32 $0x2, s7;
	s7 =	smul.u32 $0xE0000, s7  }
0xc: {  	s8 =	sshrl.u32 s6, $0x3;
	s12 =	sshrl.u32 s25, $0x1;
	s26 =	sshrl.u32 s11, $0x2  }
0xd: {  	s8 =	sadd.s32 s8, s5;
	s6 =	sadd.s32 s6, s9;
	s9 =	ssub.s32 s25, s12  }
0xe: {  	s11 =	sadd.s32 s26, s2;
	s29 =	sadd.s32 s7, s13;
	s25 =	simm.s32 $0x0  }
0xf: {  	s6 =	sshrl.u32 s6, $0x3;
	s30 =	sor.u32 $0x400, s29;
	s12 =	sshrl.u32 s29, $0x3  }
0x10: {  	s11 =	sshrl.u32 s11, $0x3;
	s14 =	sadd.s32 s6, s5;
	s5 =	sadd.s32 $0x2BA00, s8  }
0x11: {  	s6 =	sor.u32 $0x1C03, s28;
	s31 =	sshrl.u32 s30, $0x3;
	s8 =	smax.u32 s9, $0x1  }
0x12: {  	s9 =	sadd.s32 s10, s12;
	s12 =	simm.s32 $0x3;
	s7 =	sadd.s32 $0xEFA00, s14  }
0x13: {  	s10 =	sadd.s32 s31, s10;
	s13 =	sadd.s32 $0x40, s9;
	s14 =	simm.s32 $0x200  }
.LBB2_1:
0x14: {  	[spmem:s11], [sflag:s6] =	dma.local [hbm:s5], $0x2800  }
0x15: {  	_ =	swait.ge [sflag:s12], $0x2800  }
0x16: {  	[sflag:s12] =	ssyncset.done $0x0  }
0x17: {  	[sflag:s12] =	ssyncadd.s32 $0xFFFFD800  }
0x18: {  	[bflag:$0x0] =	sbarrier.arrive $0xFFFF  }
0x19: {  	[tilespmem:s3], [sflag:$0x3] =	stream.linear.gather [hbm4b:s9+s3], $0x180, $0x38;
	[tilespmem:$0x1FC00] =	vst v63  }
0x1a: {  	_ = 	snop  }
0x1b: {  	[tilespmem:s14], [sflag:$0x3] =	stream.linear.gather [hbm4b:s13+s3], $0x180, $0x38;
	[tilespmem:$0x1FC00] =	vst v63  }
0x1c: {  	_ =	swait.ge [sflag:s12], $0x300  }
0x1d: {  	[sflag:s12] =	ssyncset.done $0x0  }
0x1e: {  	[sflag:s12] =	ssyncadd.s32 $0xFFFFFD00  }
0x1f: {  	[tilespmem:s16], [sflag:$0x1] =	stream.indirect.gather [hbm4b:s4+s15], $0x80, s3, s15, $0xb8;
	[tilespmem:$0x1FC00] =	vst v63  }
0x20: {  	_ = 	snop  }
0x21: {  	[tilespmem:s18], [sflag:$0x1] =	stream.indirect.gather [hbm4b:s4+s15], $0x80, s17, s15, $0xb8;
	[tilespmem:$0x1FC00] =	vst v63  }
0x22: {  	_ = 	snop  }
0x23: {  	[tilespmem:s20], [sflag:$0x1] =	stream.indirect.gather [hbm4b:s4+s15], $0x80, s19, s15, $0xb8;
	[tilespmem:$0x1FC00] =	vst v63  }
0x24: {  	_ =	swait.ge [sflag:s21], $0x3C00  }
0x25: {  	[sflag:s21] =	ssyncset.done $0x0  }
0x26: {  	[sflag:s21] =	ssyncadd.s32 $0xFFFFC400  }
0x27: {  	[spmem:s2] =	stream.indirect.scatter.add.f32 [tilespmem:s16], [sflag:$0x2], $0x80, s14, s15, $0xb8;
	[tilespmem:$0x1FC00] =	vst v63  }
0x28: {  	_ =	swait.ge [sflag:s21], $0x3C00  }
0x29: {  	[sflag:s21] =	ssyncset.done $0x0  }
0x2a: {  	[sflag:s21] =	ssyncadd.s32 $0xFFFFC400  }
0x2b: {  	[spmem:s2] =	stream.indirect.scatter.add.f32 [tilespmem:s18], [sflag:$0x2], $0x80, s22, s15, $0xb8;
	[tilespmem:$0x1FC00] =	vst v63  }
0x2c: {  	_ =	swait.ge [sflag:s21], $0x3C00  }
0x2d: {  	[sflag:s21] =	ssyncset.done $0x0  }
0x2e: {  	s26 =	simm.s32 $0x400;
	[sflag:s21] =	ssyncadd.s32 $0xFFFFC400  }
0x2f: {  	[spmem:s2] =	stream.indirect.scatter.add.f32 [tilespmem:s20], [sflag:$0x2], $0x80, s23, s15, $0xb8;
	[tilespmem:$0x1FC00] =	vst v63  }
0x30: {  	s28 =	sand.u32 $0x400, s26  }
0x31: {  	[tilespmem:s28], [sflag:$0x3] =	stream.linear.gather [hbm4b:s10+s3], $0x180, $0x38;
	[tilespmem:$0x1FC00] =	vst v63  }
0x32: {  	s30 =	sadd.s32 $0x40, s10;
	s29 =	sor.u32 $0x200, s28  }
0x33: {  	[tilespmem:s29], [sflag:$0x3] =	stream.linear.gather [hbm4b:s30+s3], $0x180, $0x38;
	[tilespmem:$0x1FC00] =	vst v63  }
0x34: {  	_ =	swait.ge [sflag:s12], $0x300  }
0x35: {  	[sflag:s12] =	ssyncset.done $0x0  }
0x36: {  	[sflag:s12] =	ssyncadd.s32 $0xFFFFFD00  }
0x37: {  	_ =	swait.ge [sflag:s24], $0x3C00  }
0x38: {  	[sflag:s24] =	ssyncset.done $0x0  }
0x39: {  	[sflag:s24] =	ssyncadd.s32 $0xFFFFC400  }
0x3a: {  	_ =	swait.ge [sflag:s24], $0x3C00  }
0x3b: {  	[sflag:s24] =	ssyncset.done $0x0  }
0x3c: {  	[sflag:s24] =	ssyncadd.s32 $0xFFFFC400  }
0x3d: {  	_ =	swait.ge [sflag:s24], $0x3C00  }
0x3e: {  	[sflag:s24] =	ssyncset.done $0x0  }
0x3f: {  	[sflag:s24] =	ssyncadd.s32 $0xFFFFC400  }
0x40: {  	[tilespmem:s16], [sflag:$0x1] =	stream.indirect.gather [hbm4b:s4+s15], $0x80, s28, s15, $0xb8;
	[tilespmem:$0x1FC00] =	vst v63  }
0x41: {  	s31 =	sor.u32 $0x80, s28  }
0x42: {  	[tilespmem:s18], [sflag:$0x1] =	stream.indirect.gather [hbm4b:s4+s15], $0x80, s31, s15, $0xb8;
	[tilespmem:$0x1FC00] =	vst v63  }
0x43: {  	s30 =	sor.u32 $0x100, s28  }
0x44: {  	[tilespmem:s20], [sflag:$0x1] =	stream.indirect.gather [hbm4b:s4+s15], $0x80, s30, s15, $0xb8;
	[tilespmem:$0x1FC00] =	vst v63  }
0x45: {  	_ =	swait.ge [sflag:s21], $0x3C00  }
0x46: {  	[sflag:s21] =	ssyncset.done $0x0  }
0x47: {  	[sflag:s21] =	ssyncadd.s32 $0xFFFFC400  }
0x48: {  	[spmem:s2] =	stream.indirect.scatter.add.f32 [tilespmem:s16], [sflag:$0x2], $0x80, s29, s15, $0xb8;
	[tilespmem:$0x1FC00] =	vst v63  }
0x49: {  	_ =	swait.ge [sflag:s21], $0x3C00  }
0x4a: {  	[sflag:s21] =	ssyncset.done $0x0  }
0x4b: {  	s31 =	sor.u32 $0x280, s28;
	[sflag:s21] =	ssyncadd.s32 $0xFFFFC400  }
0x4c: {  	[spmem:s2] =	stream.indirect.scatter.add.f32 [tilespmem:s18], [sflag:$0x2], $0x80, s31, s15, $0xb8;
	[tilespmem:$0x1FC00] =	vst v63  }
0x4d: {  	_ =	swait.ge [sflag:s21], $0x3C00  }
0x4e: {  	s26 =	simm.s32 $0x800;
	[sflag:s21] =	ssyncset.done $0x0  }
0x4f: {  	s29 =	sor.u32 $0x300, s28;
	s28 =	sadd.s32 $0x80, s10;
	[sflag:s21] =	ssyncadd.s32 $0xFFFFC400  }
.LBB2_2:
0x50: {  	[spmem:s2] =	stream.indirect.scatter.add.f32 [tilespmem:s20], [sflag:$0x2], $0x80, s29, s15, $0xb8;
	[tilespmem:$0x1FC00] =	vst v63  }
0x51: {  	s29 =	sand.u32 $0x400, s26;
	p0 =	sne.s32 s26, $0xDC00;
	s26 =	sadd.s32 $0x400, s26  }
0x52: {  	[tilespmem:s29], [sflag:$0x3] =	stream.linear.gather [hbm4b:s28+s3], $0x180, $0x38;
	[tilespmem:$0x1FC00] =	vst v63  }
0x53: {  	s30 =	sadd.s32 $0x40, s28;
	s31 =	sor.u32 $0x200, s29  }
0x54: {  	[tilespmem:s31], [sflag:$0x3] =	stream.linear.gather [hbm4b:s30+s3], $0x180, $0x38;
	[tilespmem:$0x1FC00] =	vst v63  }
0x55: {  	_ =	swait.ge [sflag:s12], $0x300  }
0x56: {  	[sflag:s12] =	ssyncset.done $0x0  }
0x57: {  	[sflag:s12] =	ssyncadd.s32 $0xFFFFFD00  }
0x58: {  	_ =	swait.ge [sflag:s24], $0x3C00  }
0x59: {  	[sflag:s24] =	ssyncset.done $0x0  }
0x5a: {  	[sflag:s24] =	ssyncadd.s32 $0xFFFFC400  }
0x5b: {  	_ =	swait.ge [sflag:s24], $0x3C00  }
0x5c: {  	[sflag:s24] =	ssyncset.done $0x0  }
0x5d: {  	[sflag:s24] =	ssyncadd.s32 $0xFFFFC400  }
0x5e: {  	_ =	swait.ge [sflag:s24], $0x3C00  }
0x5f: {  	[sflag:s24] =	ssyncset.done $0x0  }
0x60: {  	[sflag:s24] =	ssyncadd.s32 $0xFFFFC400  }
0x61: {  	[tilespmem:s16], [sflag:$0x1] =	stream.indirect.gather [hbm4b:s4+s15], $0x80, s29, s15, $0xb8;
	[tilespmem:$0x1FC00] =	vst v63  }
0x62: {  	s30 =	sor.u32 $0x80, s29  }
0x63: {  	[tilespmem:s18], [sflag:$0x1] =	stream.indirect.gather [hbm4b:s4+s15], $0x80, s30, s15, $0xb8;
	[tilespmem:$0x1FC00] =	vst v63  }
0x64: {  	s30 =	sor.u32 $0x100, s29  }
0x65: {  	[tilespmem:s20], [sflag:$0x1] =	stream.indirect.gather [hbm4b:s4+s15], $0x80, s30, s15, $0xb8;
	[tilespmem:$0x1FC00] =	vst v63  }
0x66: {  	_ =	swait.ge [sflag:s21], $0x3C00  }
0x67: {  	[sflag:s21] =	ssyncset.done $0x0  }
0x68: {  	[sflag:s21] =	ssyncadd.s32 $0xFFFFC400  }
0x69: {  	[spmem:s2] =	stream.indirect.scatter.add.f32 [tilespmem:s16], [sflag:$0x2], $0x80, s31, s15, $0xb8;
	[tilespmem:$0x1FC00] =	vst v63  }
0x6a: {  	_ =	swait.ge [sflag:s21], $0x3C00  }
0x6b: {  	[sflag:s21] =	ssyncset.done $0x0  }
.Ltmp0:
0x6c: {  	s30 =	sor.u32 $0x280, s29;
	[sflag:s21] =	ssyncadd.s32 $0xFFFFC400;
	(pc) =	sbr.rel @p0 .LBB2_2-.Ltmp0, $4  }
0x6d: {  	[spmem:s2] =	stream.indirect.scatter.add.f32 [tilespmem:s18], [sflag:$0x2], $0x80, s30, s15, $0xb8;
	[tilespmem:$0x1FC00] =	vst v63  }
0x6e: {  	_ =	swait.ge [sflag:s21], $0x3C00  }
0x6f: {  	[sflag:s21] =	ssyncset.done $0x0  }
0x70: {  	s28 =	sadd.s32 $0x80, s28;
	s29 =	sor.u32 $0x300, s29;
	[sflag:s21] =	ssyncadd.s32 $0xFFFFC400  }
0x71: {  	[spmem:s2] =	stream.indirect.scatter.add.f32 [tilespmem:s20], [sflag:$0x2], $0x80, s29, s15, $0xb8;
	[tilespmem:$0x1FC00] =	vst v63  }
0x72: {  	_ =	swait.ge [sflag:s24], $0x3C00  }
0x73: {  	[sflag:s24] =	ssyncset.done $0x0  }
0x74: {  	[sflag:s24] =	ssyncadd.s32 $0xFFFFC400  }
0x75: {  	_ =	swait.ge [sflag:s24], $0x3C00  }
0x76: {  	[sflag:s24] =	ssyncset.done $0x0  }
0x77: {  	[sflag:s24] =	ssyncadd.s32 $0xFFFFC400  }
0x78: {  	_ =	swait.ge [sflag:s24], $0x3C00  }
0x79: {  	s25 =	sadd.s32 $0x1, s25;
	[sflag:s24] =	ssyncset.done $0x0  }
0x7a: {  	p0 =	sne.s32 s25, s8;
	[sflag:s24] =	ssyncadd.s32 $0xFFFFC400  }
.Ltmp1:
0x7b: {  	[bflag:$0x0] =	sbarrier.arrive $0xFFFF;
	(pc) =	sbr.rel @p0 .LBB2_1-.Ltmp1, $4  }
0x7c: {  	[hbm:s7], [sflag:s6] =	dma.local [spmem:s11], $0x2800  }
0x7d: {  	_ =	swait.ge [sflag:s12], $0x2800  }
0x7e: {  	[sflag:s12] =	ssyncset.done $0x0  }
0x7f: {  	[sflag:s12] =	ssyncadd.s32 $0xFFFFD800  }
0x80: {  	_ =	sfence.sel $0x180000  }
0x81: {  	[bflag:$0x0] =	sbarrier.arrive $0xFFFF  }
0x82: {  	p0 =	sne.s32 s1, $0x0;
	_ =	strace $0x9000004D  }
0x83: {  	s0 =	sadd.s32 @!p0 $0x100000, s0;
	[bflag:$0x2] =	sbarrier.arrive $0xFFFF  }
0x84: {  	[sflag:s0] =	ssyncadd.tile.s32 @!p0 $0x1;
	_ =	shalt  }
.Lfunc_end2:
_tile_overlayer_lowered:
.L_overlay_start_2:
0x85: {  	(tag) =	ssettag $0x2  }
0x86: {  	s0 =	rddreg [dreg:$0x0];
	s2 =	stileid.u32  }
0x87: {  	s1 =	rddreg [dreg:$0x1];
	p0 =	sne.s32 s2, $0x0  }
0x88: {  	s3 =	rddreg [dreg:$0x2];
	[bflag:$0x3] =	sbarrier.arrive $0xFFFF;
	s2 =	simm.s32 @!p0 $0x1C03  }
0x89: {  	[timem:s3], [sflag:s2] =	dma.local @!p0 [hbm:s0], s1  }
0x8a: {  	s0 =	simm.s32 @!p0 $0x3  }
0x8b: {  	_ =	swait.ge @!p0 [sflag:s0], s1  }
0x8c: {  	s1 =	ssub.s32 @!p0 $0x0, s1;
	[sflag:s0] =	ssyncset.done @!p0 $0x0  }
0x8d: {  	[sflag:s0] =	ssyncadd.s32 @!p0 s1  }
0x8e: {  	[bflag:$0x3] =	sbarrier.arrive $0xFFFF  }
0x8f: {  	_ =	shalt  }

// kernel: kernel.18.cloned.1.call-start
scs
__scs_entry_jumppad:
0x0: {  	(pc) =	sbr.rel $0x88, $3  }
0x1: {  	(tag) =	ssettag $0x0;
	lr =	simm.s32 $0x1  }
0x2: {  	[smem:$0x3F96] =	sst lr;
	_ =	strace $0xD0000000  }
0x3: {  	_ = 	snop  }
0x4: {  	_ = 	snop  }
0x5: {  	_ = 	snop  }
0x6: {  	_ = 	snop  }
0x7: {  	_ = 	snop  }
__scs_overlays_trampoline_lowered:
0x8: {  	[smem:$0x3FA5] =	sst s0  }
0x9: {  	[smem:$0x3FA6] =	sst s1  }
0xa: {  	[smem:$0x3FA7] =	sst s2  }
0xb: {  	[smem:$0x3FA8] =	sst s3  }
0xc: {  	[smem:$0x3FA9] =	sst s4  }
0xd: {  	[smem:$0x3FAA] =	sst s5  }
0xe: {  	[smem:$0x3FAB] =	sst s6  }
0xf: {  	[smem:$0x3FAC] =	sst s7  }
0x10: {  	[smem:$0x3FAD] =	sst s8  }
0x11: {  	[smem:$0x3FAE] =	sst s9;
	s0 =	simm.s32 @!p0 $0x0  }
0x12: {  	s1 =	sld [smem:$0x3F94];
	s0 =	simm.s32 @p0 $0x1  }
0x13: {  	[smem:$0x3FAF] =	sst s0;
	s0 =	simm.s32 @!p1 $0x0  }
0x14: {  	s2 =	sld [smem:$0x3F93];
	s0 =	simm.s32 @p1 $0x1  }
0x15: {  	[smem:$0x3FB0] =	sst s0;
	s0 =	simm.s32 @!p2 $0x0  }
0x16: {  	s3 =	sld [smem:$0x3FDB];
	s0 =	simm.s32 @p2 $0x1  }
0x17: {  	s4 =	simm.s32 $0x1BF5;
	[smem:$0x3FB2] =	sst s0  }
0x18: {  	s0 =	sld [smem:$0x3F95];
	_ =	swait.ge [sflag:s4], $0x0  }
0x19: {  	s7 =	sld [smem:$0x3F96]  }
0x1a: {  	s8 =	sadd.s32 $0xFFFFE003, lr  }
0x1b: {  	s9 =	sadd.s32 $0xFFFFFEF7, lr;
	s5 =	simm.s32 $0xFFFFFFFF;
	p2 =	slt.u32 s8, $0xFFFFF086  }
0x1c: {  	p1 =	slt.u32 s9, $0xF7A;
	s5 =	simm.s32 @!p2 $0x0  }
0x1d: {  	s5 =	simm.s32 @p1 $0x1;
	p0 =	seq.s32 s7, s2  }
0x1e: {  	s7 =	smul.u32 @!p0 $0xF7A, s2;
	p2 =	seq.s32 @!p0 s5, $0x0  }
0x1f: {  	s9 =	smul.u32 $0xF7A, s1;
	s8 =	simm.s32 @!p0 $0x1BF5;
	p2 =	por !p2, p0  }
0x20: {  	[sflag:s8] =	ssyncset.s32 @!p0 $0xFFFFF086;
	s6 =	sadd.s32 @!p0 s3, s7;
	s7 =	simm.s32 @!p0 $0x108  }
0x21: {  	s3 =	sadd.s32 s3, s9;
	s6 =	sadd.s32 @!p0 $0x88, s6;
	s7 =	simm.s32 @p2 $0x1082  }
0x22: {  	[simem:s7], [sflag:s8] =	dma.local @!p0 [hbm:s6], $0xF7A  }
0x23: {  	s9 =	sor.u32 $0xD0000000, s2;
	s6 =	simm.s32 $0x108;
	_ =	swait.ge @!p0 [sflag:s8], $0x0  }
0x24: {  	s3 =	sadd.s32 $0x88, s3;
	s6 =	simm.s32 @!p1 $0x1082;
	[sflag:s4] =	ssyncset.s32 $0xFFFFF086  }
0x25: {  	[simem:s6], [sflag:s4] =	dma.local [hbm:s3], $0xF7A  }
0x26: {  	[smem:$0x3F96] =	sst s1;
	(tag) =	ssettag s2;
	_ =	strace s9  }
0x27: {  	s1 =	sld [smem:$0x3FA6]  }
0x28: {  	s2 =	sld [smem:$0x3FA7]  }
0x29: {  	s4 =	sld [smem:$0x3FA9]  }
0x2a: {  	p0 =	seq.s32 s5, $0x0;
	s5 =	sld [smem:$0x3FAA]  }
0x2b: {  	s6 =	sld [smem:$0x3FAB]  }
0x2c: {  	s7 =	sld [smem:$0x3FAC]  }
0x2d: {  	s3 =	simm.s32 $0x108;
	s8 =	sld [smem:$0x3FAD]  }
0x2e: {  	s3 =	simm.s32 @!p0 $0x1082;
	s9 =	sld [smem:$0x3FAE]  }
0x2f: {  	lr =	sadd.s32 s0, s3;
	s0 =	sld [smem:$0x3FA5]  }
0x30: {  	s3 =	sld [smem:$0x3FA8]  }
0x31: {  	[smem:$0x3FB1] =	sst s10  }
0x32: {  	s10 =	sld [smem:$0x3FAF];
	_ =	sdelay $0x3  }
0x33: {  	p0 =	seq.s32 s10, $0x1;
	s10 =	sld [smem:$0x3FB1];
	_ =	sdelay $0x3  }
0x34: {  	[smem:$0x3FB1] =	sst s10  }
0x35: {  	s10 =	sld [smem:$0x3FB0];
	_ =	sdelay $0x3  }
0x36: {  	p1 =	seq.s32 s10, $0x1;
	s10 =	sld [smem:$0x3FB1];
	_ =	sdelay $0x3  }
0x37: {  	[smem:$0x3FB1] =	sst s10  }
0x38: {  	s10 =	sld [smem:$0x3FB2]  }
0x39: {  	_ = 	snop;
	(pc) =	sbr.ind lr, $3  }
0x3a: {  	_ = 	snop  }
0x3b: {  	_ = 	snop  }
0x3c: {  	p2 =	seq.s32 s10, $0x1;
	s10 =	sld [smem:$0x3FB1]  }
0x3d: {  	_ =	shalt  }
0x3e: {  	_ =	shalt  }
0x3f: {  	_ =	shalt  }
0x40: {  	_ =	shalt  }
0x41: {  	_ =	shalt  }
0x42: {  	_ =	shalt  }
0x43: {  	_ =	shalt  }
0x44: {  	_ =	shalt  }
0x45: {  	_ =	shalt  }
0x46: {  	_ =	shalt  }
0x47: {  	_ =	shalt  }
0x48: {  	_ =	shalt  }
0x49: {  	_ =	shalt  }
0x4a: {  	_ =	shalt  }
0x4b: {  	_ =	shalt  }
0x4c: {  	_ =	shalt  }
0x4d: {  	_ =	shalt  }
0x4e: {  	_ =	shalt  }
0x4f: {  	_ =	shalt  }
0x50: {  	_ =	shalt  }
0x51: {  	_ =	shalt  }
0x52: {  	_ =	shalt  }
0x53: {  	_ =	shalt  }
0x54: {  	_ =	shalt  }
0x55: {  	_ =	shalt  }
0x56: {  	_ =	shalt  }
0x57: {  	_ =	shalt  }
0x58: {  	_ =	shalt  }
0x59: {  	_ =	shalt  }
0x5a: {  	_ =	shalt  }
0x5b: {  	_ =	shalt  }
0x5c: {  	_ =	shalt  }
0x5d: {  	_ =	shalt  }
0x5e: {  	_ =	shalt  }
0x5f: {  	_ =	shalt  }
0x60: {  	_ =	shalt  }
0x61: {  	_ =	shalt  }
0x62: {  	_ =	shalt  }
0x63: {  	_ =	shalt  }
0x64: {  	_ =	shalt  }
0x65: {  	_ =	shalt  }
0x66: {  	_ =	shalt  }
0x67: {  	_ =	shalt  }
0x68: {  	_ =	shalt  }
0x69: {  	_ =	shalt  }
0x6a: {  	_ =	shalt  }
0x6b: {  	_ =	shalt  }
0x6c: {  	_ =	shalt  }
0x6d: {  	_ =	shalt  }
0x6e: {  	_ =	shalt  }
0x6f: {  	_ =	shalt  }
0x70: {  	_ =	shalt  }
0x71: {  	_ =	shalt  }
0x72: {  	_ =	shalt  }
0x73: {  	_ =	shalt  }
0x74: {  	_ =	shalt  }
0x75: {  	_ =	shalt  }
0x76: {  	_ =	shalt  }
0x77: {  	_ =	shalt  }
0x78: {  	_ =	shalt  }
0x79: {  	_ =	shalt  }
0x7a: {  	_ =	shalt  }
0x7b: {  	_ =	shalt  }
0x7c: {  	_ =	shalt  }
0x7d: {  	_ =	shalt  }
0x7e: {  	_ =	shalt  }
0x7f: {  	_ =	shalt  }
0x80: {  	_ =	shalt  }
0x81: {  	_ =	shalt  }
0x82: {  	_ =	shalt  }
0x83: {  	_ =	shalt  }
0x84: {  	_ =	shalt  }
0x85: {  	_ =	shalt  }
0x86: {  	_ =	shalt  }
0x87: {  	_ =	shalt  }
.Lfunc_end0:
.L_simem_size_0:
called_computation.3_lowered:
.L_overlay_start_0:
0x88: {  	s2 =	sld [smem:$0x3FD9]  }
0x89: {  	s3 =	sld [smem:$0x3FFE];
	_ =	sdelay $0x1  }
0x8a: {  	s1 =	srdreg.scid  }
0x8b: {  	s0 =	sand.u32 $0x1, s1  }
0x8c: {  	s17 =	sshll.u32 s0, $0xA;
	s2 =	sadd.s32 s3, s2  }
0x8d: {  	s2 =	sadd.s32 s2, s17  }
0x8e: {  	[smem:$0x3FBD] =	sst s2  }
0x8f: {  	_ = 	snop  }
0x90: {  	s2 =	sld [smem:$0x3FD0];
	(tm) =	ssettm $0x1  }
0x91: {  	s18 =	sld [smem:$0x3FFB];
	_ =	sdelay $0x3  }
0x92: {  	_ =	strace s18  }
0x93: {  	s3 =	sld [smem:$0x3FFC];
	_ =	sdelay $0x3  }
0x94: {  	_ =	strace s3  }
0x95: {  	s3 =	sld [smem:$0x3FFD];
	_ =	sdelay $0x3  }
0x96: {  	_ =	strace s3  }
0x97: {  	_ =	strace $0x8FFFFFFF  }
0x98: {  	s19 =	sld [smem:$0x3FDB];
	_ =	sdelay $0x1  }
0x99: {  	s4 =	simm.s32 $_scs_section_size  }
0x9a: {  	s5 =	simm.s32 $_size__tile_overlayer_lowered;
	s6 =	simm.s32 $_tile_overlayer_lowered  }
0x9b: {  	s22 =	simm.s32 $0x1BFF;
	s21 =	sshll.u32 s6, $0x1;
	s3 =	sadd.s32 s4, s19  }
0x9c: {  	s7 =	simm.s32 $0x0;
	s20 =	sshll.u32 s5, $0x1;
	s5 =	sadd.s32 s21, s3  }
0x9d: {  	[timem:s7], [sflag:s22] =	dma.local [hbm:s5], s20  }
0x9e: {  	_ =	swait.ge [sflag:s22], s20  }
0x9f: {  	s4 =	ssub.s32 $0x0, s20;
	[sflag:s22] =	ssyncset.done $0x0  }
0xa0: {  	[sflag:s22] =	ssyncadd.s32 s4;
	_ =	sdelay $0x1  }
0xa1: {  	s23 =	simm.s32 $0x1B8B  }
0xa2: {  	_ =	swait.ge [sflag:s23], $0x1  }
0xa3: {  	[sflag:s23] =	ssyncset.done $0x0  }
0xa4: {  	s25 =	simm.s32 $0x1B8E;
	s24 =	sld [smem:$0x3FFE];
	[sflag:s23] =	ssyncadd.s32 $0xFFFFFFFF  }
0xa5: {  	s26 =	simm.s32 $execute0_lowered;
	[smem:$0x3FD2] =	sst s25  }
0xa6: {  	s5 =	sshll.u32 s26, $0x1;
	_ =	strace $0x8000004F;
	[dreg:$0x1] =	wrdreg $0xFFFFFFFF  }
0xa7: {  	s28 =	simm.s32 $_size_execute0_lowered;
	s3 =	sadd.s32 s3, s5;
	[dreg:$0x0] =	wrdreg $0x0  }
0xa8: {  	s5 =	sshll.u32 s28, $0x1;
	[dreg:$0x2] =	wrdreg s3  }
0xa9: {  	[dreg:$0x3] =	wrdreg s5  }
0xaa: {  	[dreg:$0x4] =	wrdreg $0xC0  }
0xab: {  	_ =	task [dreg:s7], $0x5FFFF  }
0xac: {  	[dreg:$0x1] =	wrdreg $0xFFFFFFFF  }
0xad: {  	[dreg:$0x0] =	wrdreg $0x60  }
0xae: {  	[dreg:$0x2] =	wrdreg s24  }
0xaf: {  	[dreg:$0x3] =	wrdreg s2  }
0xb0: {  	[dreg:$0x4] =	wrdreg $0xBC000  }
0xb1: {  	[dreg:$0x5] =	wrdreg $0x9  }
0xb2: {  	_ =	task.clear_ibuf [dreg:s7], $0x6FFFF;
	_ =	strace $0x9000004F  }
0xb3: {  	s29 =	simm.s32 $0x9;
	_ =	strace $0x80000051  }
0xb4: {  	_ =	swait.ge [sflag:s29], $0x1  }
0xb5: {  	[sflag:s29] =	ssyncadd.s32 $0xFFFFFFFF  }
0xb6: {  	_ =	strace $0x90000051  }
0xb7: {  	_ =	sfence  }
0xb8: {  	s30 =	sld [smem:$0x0];
	_ =	sdelay $0x2  }
0xb9: {  	s31 =	sshll.u32 s1, $0xD;
	s1 =	sshrl.u32 s1, $0x2  }
0xba: {  	s3 =	sand.u32 $0x4000, s31;
	s1 =	sadd.s32 s1, s30  }
0xbb: {  	s0 =	sor.u32 s3, s0;
	s1 =	sshll.u32 s1, $0x11  }
0xbc: {  	s0 =	sor.u32 s1, s0  }
0xbd: {  	s0 =	sadd.s32 $0x8F2B, s0  }
0xbe: {  	[sflag:s0] =	ssyncadd.remote.s32 $0x1  }
0xbf: {  	_ =	sfence.sel $0xFFFF  }
0xc0: {  	[dreg:$0x0] =	wrdreg $0xFFFFFFFF;
	(pc) =	sbr.abs _section_cstart, $3  }
0xc1: {  	[dreg:$0x1] =	wrdreg $0xFFFFFFFF  }
0xc2: {  	_ =	task.clear_ibuf [dreg:s7], $0x2FFFF;
	_ =	strace $0x9FFFFFFF  }
0xc3: {  	(tm) =	ssettm $0x7FFFFFFF  }
tec
execute0_lowered:
.L_overlay_start_1:
0x0: {  	(tag) =	ssettag $0x1  }
0x1: {  	s5 =	rddreg [dreg:$0x0]  }
0x2: {  	s10 =	rddreg [dreg:$0x1]  }
0x3: {  	s2 =	rddreg [dreg:$0x2]  }
0x4: {  	s0 =	rddreg [dreg:$0x3]  }
0x5: {  	s1 =	stileid.u32;
	s3 =	simm.s32 $0x0;
	s4 =	srdreg.scid  }
0x6: {  	s15 =	simm.s32 $0x78;
	s16 =	simm.s32 $0x800;
	s17 =	simm.s32 $0x80  }
0x7: {  	s18 =	simm.s32 $0x4400;
	s19 =	simm.s32 $0x100;
	s20 =	simm.s32 $0x8000  }
0x8: {  	s21 =	simm.s32 $0x1;
	s22 =	simm.s32 $0x280;
	s6 =	smul.u32 $0x14000, s1  }
0x9: {  	s23 =	simm.s32 $0x300;
	s24 =	simm.s32 $0x2;
	s11 =	smul.u32 $0x50000, s1  }
0xa: {  	[smem:$0x7FF] =	sst s3;
	s7 =	sand.u32 $0x1, s4;
	s13 =	smul.u32 $0x7000, s1  }
0xb: {  	s4 =	sadd.s32 $0x3A00, s5;
	s28 =	sshll.u32 s1, $0x6;
	s9 =	smul.u32 $0x140000, s7  }
0xc: {  	_ =	strace $0x80000050;
	s25 =	ssub.s32 $0x2, s7;
	s7 =	smul.u32 $0x70000, s7  }
0xd: {  	s8 =	sshrl.u32 s6, $0x3;
	s12 =	sshrl.u32 s25, $0x1;
	s26 =	sshrl.u32 s11, $0x2  }
0xe: {  	s8 =	sadd.s32 s8, s5;
	s6 =	sadd.s32 s6, s9;
	s9 =	ssub.s32 s25, s12  }
0xf: {  	s11 =	sadd.s32 s26, s2;
	s29 =	sadd.s32 s7, s13;
	s25 =	simm.s32 $0x0  }
0x10: {  	s6 =	sshrl.u32 s6, $0x3;
	s30 =	sor.u32 $0x400, s29;
	s12 =	sshrl.u32 s29, $0x3  }
0x11: {  	s11 =	sshrl.u32 s11, $0x3;
	s14 =	sadd.s32 s6, s5;
	s5 =	sadd.s32 $0x2BA00, s8  }
0x12: {  	s6 =	sor.u32 $0x1C03, s28;
	s31 =	sshrl.u32 s30, $0x3;
	s8 =	smax.u32 s9, $0x1  }
0x13: {  	s9 =	sadd.s32 s10, s12;
	s12 =	simm.s32 $0x3;
	s7 =	sadd.s32 $0xA3A00, s14  }
0x14: {  	s10 =	sadd.s32 s31, s10;
	s13 =	sadd.s32 $0x40, s9;
	s14 =	simm.s32 $0x200  }
.LBB2_1:
0x15: {  	[spmem:s11], [sflag:s6] =	dma.local [hbm:s5], $0x2800  }
0x16: {  	_ =	swait.ge [sflag:s12], $0x2800  }
0x17: {  	[sflag:s12] =	ssyncset.done $0x0  }
0x18: {  	[sflag:s12] =	ssyncadd.s32 $0xFFFFD800  }
0x19: {  	[bflag:$0x0] =	sbarrier.arrive $0xFFFF  }
0x1a: {  	[tilespmem:s3], [sflag:$0x3] =	stream.linear.gather [hbm4b:s9+s3], $0x180, $0x38;
	[tilespmem:$0x1FC00] =	vst v63  }
0x1b: {  	_ = 	snop  }
0x1c: {  	[tilespmem:s14], [sflag:$0x3] =	stream.linear.gather [hbm4b:s13+s3], $0x180, $0x38;
	[tilespmem:$0x1FC00] =	vst v63  }
0x1d: {  	_ =	swait.ge [sflag:s12], $0x300  }
0x1e: {  	[sflag:s12] =	ssyncset.done $0x0  }
0x1f: {  	[sflag:s12] =	ssyncadd.s32 $0xFFFFFD00  }
0x20: {  	[tilespmem:s16], [sflag:$0x1] =	stream.indirect.gather [hbm4b:s4+s15], $0x80, s3, s15, $0xb8;
	[tilespmem:$0x1FC00] =	vst v63  }
0x21: {  	_ = 	snop  }
0x22: {  	[tilespmem:s18], [sflag:$0x1] =	stream.indirect.gather [hbm4b:s4+s15], $0x80, s17, s15, $0xb8;
	[tilespmem:$0x1FC00] =	vst v63  }
0x23: {  	_ = 	snop  }
0x24: {  	[tilespmem:s20], [sflag:$0x1] =	stream.indirect.gather [hbm4b:s4+s15], $0x80, s19, s15, $0xb8;
	[tilespmem:$0x1FC00] =	vst v63  }
0x25: {  	_ =	swait.ge [sflag:s21], $0x3C00  }
0x26: {  	[sflag:s21] =	ssyncset.done $0x0  }
0x27: {  	[sflag:s21] =	ssyncadd.s32 $0xFFFFC400  }
0x28: {  	[spmem:s2] =	stream.indirect.scatter.add.f32 [tilespmem:s16], [sflag:$0x2], $0x80, s14, s15, $0xb8;
	[tilespmem:$0x1FC00] =	vst v63  }
0x29: {  	_ =	swait.ge [sflag:s21], $0x3C00  }
0x2a: {  	[sflag:s21] =	ssyncset.done $0x0  }
0x2b: {  	[sflag:s21] =	ssyncadd.s32 $0xFFFFC400  }
0x2c: {  	[spmem:s2] =	stream.indirect.scatter.add.f32 [tilespmem:s18], [sflag:$0x2], $0x80, s22, s15, $0xb8;
	[tilespmem:$0x1FC00] =	vst v63  }
0x2d: {  	_ =	swait.ge [sflag:s21], $0x3C00  }
0x2e: {  	[sflag:s21] =	ssyncset.done $0x0  }
0x2f: {  	s26 =	simm.s32 $0x400;
	[sflag:s21] =	ssyncadd.s32 $0xFFFFC400  }
0x30: {  	[spmem:s2] =	stream.indirect.scatter.add.f32 [tilespmem:s20], [sflag:$0x2], $0x80, s23, s15, $0xb8;
	[tilespmem:$0x1FC00] =	vst v63  }
0x31: {  	s28 =	sand.u32 $0x400, s26  }
0x32: {  	[tilespmem:s28], [sflag:$0x3] =	stream.linear.gather [hbm4b:s10+s3], $0x180, $0x38;
	[tilespmem:$0x1FC00] =	vst v63  }
0x33: {  	s30 =	sadd.s32 $0x40, s10;
	s29 =	sor.u32 $0x200, s28  }
0x34: {  	[tilespmem:s29], [sflag:$0x3] =	stream.linear.gather [hbm4b:s30+s3], $0x180, $0x38;
	[tilespmem:$0x1FC00] =	vst v63  }
0x35: {  	_ =	swait.ge [sflag:s12], $0x300  }
0x36: {  	[sflag:s12] =	ssyncset.done $0x0  }
0x37: {  	[sflag:s12] =	ssyncadd.s32 $0xFFFFFD00  }
0x38: {  	_ =	swait.ge [sflag:s24], $0x3C00  }
0x39: {  	[sflag:s24] =	ssyncset.done $0x0  }
0x3a: {  	[sflag:s24] =	ssyncadd.s32 $0xFFFFC400  }
0x3b: {  	_ =	swait.ge [sflag:s24], $0x3C00  }
0x3c: {  	[sflag:s24] =	ssyncset.done $0x0  }
0x3d: {  	[sflag:s24] =	ssyncadd.s32 $0xFFFFC400  }
0x3e: {  	_ =	swait.ge [sflag:s24], $0x3C00  }
0x3f: {  	[sflag:s24] =	ssyncset.done $0x0  }
0x40: {  	[sflag:s24] =	ssyncadd.s32 $0xFFFFC400  }
0x41: {  	[tilespmem:s16], [sflag:$0x1] =	stream.indirect.gather [hbm4b:s4+s15], $0x80, s28, s15, $0xb8;
	[tilespmem:$0x1FC00] =	vst v63  }
0x42: {  	s31 =	sor.u32 $0x80, s28  }
0x43: {  	[tilespmem:s18], [sflag:$0x1] =	stream.indirect.gather [hbm4b:s4+s15], $0x80, s31, s15, $0xb8;
	[tilespmem:$0x1FC00] =	vst v63  }
0x44: {  	s30 =	sor.u32 $0x100, s28  }
0x45: {  	[tilespmem:s20], [sflag:$0x1] =	stream.indirect.gather [hbm4b:s4+s15], $0x80, s30, s15, $0xb8;
	[tilespmem:$0x1FC00] =	vst v63  }
0x46: {  	_ =	swait.ge [sflag:s21], $0x3C00  }
0x47: {  	[sflag:s21] =	ssyncset.done $0x0  }
0x48: {  	[sflag:s21] =	ssyncadd.s32 $0xFFFFC400  }
0x49: {  	[spmem:s2] =	stream.indirect.scatter.add.f32 [tilespmem:s16], [sflag:$0x2], $0x80, s29, s15, $0xb8;
	[tilespmem:$0x1FC00] =	vst v63  }
0x4a: {  	_ =	swait.ge [sflag:s21], $0x3C00  }
0x4b: {  	[sflag:s21] =	ssyncset.done $0x0  }
0x4c: {  	s31 =	sor.u32 $0x280, s28;
	[sflag:s21] =	ssyncadd.s32 $0xFFFFC400  }
0x4d: {  	[spmem:s2] =	stream.indirect.scatter.add.f32 [tilespmem:s18], [sflag:$0x2], $0x80, s31, s15, $0xb8;
	[tilespmem:$0x1FC00] =	vst v63  }
0x4e: {  	_ =	swait.ge [sflag:s21], $0x3C00  }
0x4f: {  	s26 =	simm.s32 $0x800;
	[sflag:s21] =	ssyncset.done $0x0  }
0x50: {  	s29 =	sor.u32 $0x300, s28;
	s28 =	sadd.s32 $0x80, s10;
	[sflag:s21] =	ssyncadd.s32 $0xFFFFC400  }
.LBB2_2:
0x51: {  	[spmem:s2] =	stream.indirect.scatter.add.f32 [tilespmem:s20], [sflag:$0x2], $0x80, s29, s15, $0xb8;
	[tilespmem:$0x1FC00] =	vst v63  }
0x52: {  	s29 =	sand.u32 $0x400, s26;
	p0 =	sne.s32 s26, $0x6C00;
	s26 =	sadd.s32 $0x400, s26  }
0x53: {  	[tilespmem:s29], [sflag:$0x3] =	stream.linear.gather [hbm4b:s28+s3], $0x180, $0x38;
	[tilespmem:$0x1FC00] =	vst v63  }
0x54: {  	s30 =	sadd.s32 $0x40, s28;
	s31 =	sor.u32 $0x200, s29  }
0x55: {  	[tilespmem:s31], [sflag:$0x3] =	stream.linear.gather [hbm4b:s30+s3], $0x180, $0x38;
	[tilespmem:$0x1FC00] =	vst v63  }
0x56: {  	_ =	swait.ge [sflag:s12], $0x300  }
0x57: {  	[sflag:s12] =	ssyncset.done $0x0  }
0x58: {  	[sflag:s12] =	ssyncadd.s32 $0xFFFFFD00  }
0x59: {  	_ =	swait.ge [sflag:s24], $0x3C00  }
0x5a: {  	[sflag:s24] =	ssyncset.done $0x0  }
0x5b: {  	[sflag:s24] =	ssyncadd.s32 $0xFFFFC400  }
0x5c: {  	_ =	swait.ge [sflag:s24], $0x3C00  }
0x5d: {  	[sflag:s24] =	ssyncset.done $0x0  }
0x5e: {  	[sflag:s24] =	ssyncadd.s32 $0xFFFFC400  }
0x5f: {  	_ =	swait.ge [sflag:s24], $0x3C00  }
0x60: {  	[sflag:s24] =	ssyncset.done $0x0  }
0x61: {  	[sflag:s24] =	ssyncadd.s32 $0xFFFFC400  }
0x62: {  	[tilespmem:s16], [sflag:$0x1] =	stream.indirect.gather [hbm4b:s4+s15], $0x80, s29, s15, $0xb8;
	[tilespmem:$0x1FC00] =	vst v63  }
0x63: {  	s30 =	sor.u32 $0x80, s29  }
0x64: {  	[tilespmem:s18], [sflag:$0x1] =	stream.indirect.gather [hbm4b:s4+s15], $0x80, s30, s15, $0xb8;
	[tilespmem:$0x1FC00] =	vst v63  }
0x65: {  	s30 =	sor.u32 $0x100, s29  }
0x66: {  	[tilespmem:s20], [sflag:$0x1] =	stream.indirect.gather [hbm4b:s4+s15], $0x80, s30, s15, $0xb8;
	[tilespmem:$0x1FC00] =	vst v63  }
0x67: {  	_ =	swait.ge [sflag:s21], $0x3C00  }
0x68: {  	[sflag:s21] =	ssyncset.done $0x0  }
0x69: {  	[sflag:s21] =	ssyncadd.s32 $0xFFFFC400  }
0x6a: {  	[spmem:s2] =	stream.indirect.scatter.add.f32 [tilespmem:s16], [sflag:$0x2], $0x80, s31, s15, $0xb8;
	[tilespmem:$0x1FC00] =	vst v63  }
0x6b: {  	_ =	swait.ge [sflag:s21], $0x3C00  }
0x6c: {  	[sflag:s21] =	ssyncset.done $0x0  }
.Ltmp0:
0x6d: {  	s30 =	sor.u32 $0x280, s29;
	[sflag:s21] =	ssyncadd.s32 $0xFFFFC400;
	(pc) =	sbr.rel @p0 .LBB2_2-.Ltmp0, $4  }
0x6e: {  	[spmem:s2] =	stream.indirect.scatter.add.f32 [tilespmem:s18], [sflag:$0x2], $0x80, s30, s15, $0xb8;
	[tilespmem:$0x1FC00] =	vst v63  }
0x6f: {  	_ =	swait.ge [sflag:s21], $0x3C00  }
0x70: {  	[sflag:s21] =	ssyncset.done $0x0  }
0x71: {  	s28 =	sadd.s32 $0x80, s28;
	s29 =	sor.u32 $0x300, s29;
	[sflag:s21] =	ssyncadd.s32 $0xFFFFC400  }
0x72: {  	[spmem:s2] =	stream.indirect.scatter.add.f32 [tilespmem:s20], [sflag:$0x2], $0x80, s29, s15, $0xb8;
	[tilespmem:$0x1FC00] =	vst v63  }
0x73: {  	_ =	swait.ge [sflag:s24], $0x3C00  }
0x74: {  	[sflag:s24] =	ssyncset.done $0x0  }
0x75: {  	[sflag:s24] =	ssyncadd.s32 $0xFFFFC400  }
0x76: {  	_ =	swait.ge [sflag:s24], $0x3C00  }
0x77: {  	[sflag:s24] =	ssyncset.done $0x0  }
0x78: {  	[sflag:s24] =	ssyncadd.s32 $0xFFFFC400  }
0x79: {  	_ =	swait.ge [sflag:s24], $0x3C00  }
0x7a: {  	s25 =	sadd.s32 $0x1, s25;
	[sflag:s24] =	ssyncset.done $0x0  }
0x7b: {  	p0 =	sne.s32 s25, s8;
	[sflag:s24] =	ssyncadd.s32 $0xFFFFC400  }
.Ltmp1:
0x7c: {  	[bflag:$0x0] =	sbarrier.arrive $0xFFFF;
	(pc) =	sbr.rel @p0 .LBB2_1-.Ltmp1, $4  }
0x7d: {  	[hbm:s7], [sflag:s6] =	dma.local [spmem:s11], $0x2800  }
0x7e: {  	_ =	swait.ge [sflag:s12], $0x2800  }
0x7f: {  	[sflag:s12] =	ssyncset.done $0x0  }
0x80: {  	[sflag:s12] =	ssyncadd.s32 $0xFFFFD800  }
0x81: {  	_ =	sfence.sel $0x180000  }
0x82: {  	[bflag:$0x0] =	sbarrier.arrive $0xFFFF  }
0x83: {  	p0 =	sne.s32 s1, $0x0;
	_ =	strace $0x90000050  }
0x84: {  	s0 =	sadd.s32 @!p0 $0x100000, s0;
	[bflag:$0x2] =	sbarrier.arrive $0xFFFF  }
0x85: {  	[sflag:s0] =	ssyncadd.tile.s32 @!p0 $0x1;
	_ =	shalt  }
.Lfunc_end2:
_tile_overlayer_lowered:
.L_overlay_start_2:
0x86: {  	(tag) =	ssettag $0x2  }
0x87: {  	s0 =	rddreg [dreg:$0x0];
	s2 =	stileid.u32  }
0x88: {  	s1 =	rddreg [dreg:$0x1];
	p0 =	sne.s32 s2, $0x0  }
0x89: {  	s3 =	rddreg [dreg:$0x2];
	[bflag:$0x3] =	sbarrier.arrive $0xFFFF;
	s2 =	simm.s32 @!p0 $0x1C03  }
0x8a: {  	[timem:s3], [sflag:s2] =	dma.local @!p0 [hbm:s0], s1  }
0x8b: {  	s0 =	simm.s32 @!p0 $0x3  }
0x8c: {  	_ =	swait.ge @!p0 [sflag:s0], s1  }
0x8d: {  	s1 =	ssub.s32 @!p0 $0x0, s1;
	[sflag:s0] =	ssyncset.done @!p0 $0x0  }
0x8e: {  	[sflag:s0] =	ssyncadd.s32 @!p0 s1  }
0x8f: {  	[bflag:$0x3] =	sbarrier.arrive $0xFFFF  }
0x90: {  	_ =	shalt  }

// kernel: kernel.9.cloned.1.call-start
scs
__scs_entry_jumppad:
0x0: {  	(pc) =	sbr.rel $0x88, $3  }
0x1: {  	(tag) =	ssettag $0x0;
	lr =	simm.s32 $0x1  }
0x2: {  	[smem:$0x3F96] =	sst lr;
	_ =	strace $0xD0000000  }
0x3: {  	_ = 	snop  }
0x4: {  	_ = 	snop  }
0x5: {  	_ = 	snop  }
0x6: {  	_ = 	snop  }
0x7: {  	_ = 	snop  }
__scs_overlays_trampoline_lowered:
0x8: {  	[smem:$0x3FA5] =	sst s0  }
0x9: {  	[smem:$0x3FA6] =	sst s1  }
0xa: {  	[smem:$0x3FA7] =	sst s2  }
0xb: {  	[smem:$0x3FA8] =	sst s3  }
0xc: {  	[smem:$0x3FA9] =	sst s4  }
0xd: {  	[smem:$0x3FAA] =	sst s5  }
0xe: {  	[smem:$0x3FAB] =	sst s6  }
0xf: {  	[smem:$0x3FAC] =	sst s7  }
0x10: {  	[smem:$0x3FAD] =	sst s8  }
0x11: {  	[smem:$0x3FAE] =	sst s9;
	s0 =	simm.s32 @!p0 $0x0  }
0x12: {  	s1 =	sld [smem:$0x3F94];
	s0 =	simm.s32 @p0 $0x1  }
0x13: {  	[smem:$0x3FAF] =	sst s0;
	s0 =	simm.s32 @!p1 $0x0  }
0x14: {  	s2 =	sld [smem:$0x3F93];
	s0 =	simm.s32 @p1 $0x1  }
0x15: {  	[smem:$0x3FB0] =	sst s0;
	s0 =	simm.s32 @!p2 $0x0  }
0x16: {  	s3 =	sld [smem:$0x3FDB];
	s0 =	simm.s32 @p2 $0x1  }
0x17: {  	s4 =	simm.s32 $0x1BF5;
	[smem:$0x3FB2] =	sst s0  }
0x18: {  	s0 =	sld [smem:$0x3F95];
	_ =	swait.ge [sflag:s4], $0x0  }
0x19: {  	s7 =	sld [smem:$0x3F96]  }
0x1a: {  	s8 =	sadd.s32 $0xFFFFE003, lr  }
0x1b: {  	s9 =	sadd.s32 $0xFFFFFEF7, lr;
	s5 =	simm.s32 $0xFFFFFFFF;
	p2 =	slt.u32 s8, $0xFFFFF086  }
0x1c: {  	p1 =	slt.u32 s9, $0xF7A;
	s5 =	simm.s32 @!p2 $0x0  }
0x1d: {  	s5 =	simm.s32 @p1 $0x1;
	p0 =	seq.s32 s7, s2  }
0x1e: {  	s7 =	smul.u32 @!p0 $0xF7A, s2;
	p2 =	seq.s32 @!p0 s5, $0x0  }
0x1f: {  	s9 =	smul.u32 $0xF7A, s1;
	s8 =	simm.s32 @!p0 $0x1BF5;
	p2 =	por !p2, p0  }
0x20: {  	[sflag:s8] =	ssyncset.s32 @!p0 $0xFFFFF086;
	s6 =	sadd.s32 @!p0 s3, s7;
	s7 =	simm.s32 @!p0 $0x108  }
0x21: {  	s3 =	sadd.s32 s3, s9;
	s6 =	sadd.s32 @!p0 $0x88, s6;
	s7 =	simm.s32 @p2 $0x1082  }
0x22: {  	[simem:s7], [sflag:s8] =	dma.local @!p0 [hbm:s6], $0xF7A  }
0x23: {  	s9 =	sor.u32 $0xD0000000, s2;
	s6 =	simm.s32 $0x108;
	_ =	swait.ge @!p0 [sflag:s8], $0x0  }
0x24: {  	s3 =	sadd.s32 $0x88, s3;
	s6 =	simm.s32 @!p1 $0x1082;
	[sflag:s4] =	ssyncset.s32 $0xFFFFF086  }
0x25: {  	[simem:s6], [sflag:s4] =	dma.local [hbm:s3], $0xF7A  }
0x26: {  	[smem:$0x3F96] =	sst s1;
	(tag) =	ssettag s2;
	_ =	strace s9  }
0x27: {  	s1 =	sld [smem:$0x3FA6]  }
0x28: {  	s2 =	sld [smem:$0x3FA7]  }
0x29: {  	s4 =	sld [smem:$0x3FA9]  }
0x2a: {  	p0 =	seq.s32 s5, $0x0;
	s5 =	sld [smem:$0x3FAA]  }
0x2b: {  	s6 =	sld [smem:$0x3FAB]  }
0x2c: {  	s7 =	sld [smem:$0x3FAC]  }
0x2d: {  	s3 =	simm.s32 $0x108;
	s8 =	sld [smem:$0x3FAD]  }
0x2e: {  	s3 =	simm.s32 @!p0 $0x1082;
	s9 =	sld [smem:$0x3FAE]  }
0x2f: {  	lr =	sadd.s32 s0, s3;
	s0 =	sld [smem:$0x3FA5]  }
0x30: {  	s3 =	sld [smem:$0x3FA8]  }
0x31: {  	[smem:$0x3FB1] =	sst s10  }
0x32: {  	s10 =	sld [smem:$0x3FAF];
	_ =	sdelay $0x3  }
0x33: {  	p0 =	seq.s32 s10, $0x1;
	s10 =	sld [smem:$0x3FB1];
	_ =	sdelay $0x3  }
0x34: {  	[smem:$0x3FB1] =	sst s10  }
0x35: {  	s10 =	sld [smem:$0x3FB0];
	_ =	sdelay $0x3  }
0x36: {  	p1 =	seq.s32 s10, $0x1;
	s10 =	sld [smem:$0x3FB1];
	_ =	sdelay $0x3  }
0x37: {  	[smem:$0x3FB1] =	sst s10  }
0x38: {  	s10 =	sld [smem:$0x3FB2]  }
0x39: {  	_ = 	snop;
	(pc) =	sbr.ind lr, $3  }
0x3a: {  	_ = 	snop  }
0x3b: {  	_ = 	snop  }
0x3c: {  	p2 =	seq.s32 s10, $0x1;
	s10 =	sld [smem:$0x3FB1]  }
0x3d: {  	_ =	shalt  }
0x3e: {  	_ =	shalt  }
0x3f: {  	_ =	shalt  }
0x40: {  	_ =	shalt  }
0x41: {  	_ =	shalt  }
0x42: {  	_ =	shalt  }
0x43: {  	_ =	shalt  }
0x44: {  	_ =	shalt  }
0x45: {  	_ =	shalt  }
0x46: {  	_ =	shalt  }
0x47: {  	_ =	shalt  }
0x48: {  	_ =	shalt  }
0x49: {  	_ =	shalt  }
0x4a: {  	_ =	shalt  }
0x4b: {  	_ =	shalt  }
0x4c: {  	_ =	shalt  }
0x4d: {  	_ =	shalt  }
0x4e: {  	_ =	shalt  }
0x4f: {  	_ =	shalt  }
0x50: {  	_ =	shalt  }
0x51: {  	_ =	shalt  }
0x52: {  	_ =	shalt  }
0x53: {  	_ =	shalt  }
0x54: {  	_ =	shalt  }
0x55: {  	_ =	shalt  }
0x56: {  	_ =	shalt  }
0x57: {  	_ =	shalt  }
0x58: {  	_ =	shalt  }
0x59: {  	_ =	shalt  }
0x5a: {  	_ =	shalt  }
0x5b: {  	_ =	shalt  }
0x5c: {  	_ =	shalt  }
0x5d: {  	_ =	shalt  }
0x5e: {  	_ =	shalt  }
0x5f: {  	_ =	shalt  }
0x60: {  	_ =	shalt  }
0x61: {  	_ =	shalt  }
0x62: {  	_ =	shalt  }
0x63: {  	_ =	shalt  }
0x64: {  	_ =	shalt  }
0x65: {  	_ =	shalt  }
0x66: {  	_ =	shalt  }
0x67: {  	_ =	shalt  }
0x68: {  	_ =	shalt  }
0x69: {  	_ =	shalt  }
0x6a: {  	_ =	shalt  }
0x6b: {  	_ =	shalt  }
0x6c: {  	_ =	shalt  }
0x6d: {  	_ =	shalt  }
0x6e: {  	_ =	shalt  }
0x6f: {  	_ =	shalt  }
0x70: {  	_ =	shalt  }
0x71: {  	_ =	shalt  }
0x72: {  	_ =	shalt  }
0x73: {  	_ =	shalt  }
0x74: {  	_ =	shalt  }
0x75: {  	_ =	shalt  }
0x76: {  	_ =	shalt  }
0x77: {  	_ =	shalt  }
0x78: {  	_ =	shalt  }
0x79: {  	_ =	shalt  }
0x7a: {  	_ =	shalt  }
0x7b: {  	_ =	shalt  }
0x7c: {  	_ =	shalt  }
0x7d: {  	_ =	shalt  }
0x7e: {  	_ =	shalt  }
0x7f: {  	_ =	shalt  }
0x80: {  	_ =	shalt  }
0x81: {  	_ =	shalt  }
0x82: {  	_ =	shalt  }
0x83: {  	_ =	shalt  }
0x84: {  	_ =	shalt  }
0x85: {  	_ =	shalt  }
0x86: {  	_ =	shalt  }
0x87: {  	_ =	shalt  }
.Lfunc_end0:
.L_simem_size_0:
called_computation_lowered:
.L_overlay_start_0:
0x88: {  	s2 =	sld [smem:$0x3FD9]  }
0x89: {  	s3 =	sld [smem:$0x3FFE];
	_ =	sdelay $0x1  }
0x8a: {  	s1 =	srdreg.scid  }
0x8b: {  	s0 =	sand.u32 $0x1, s1  }
0x8c: {  	s17 =	sshll.u32 s0, $0xA;
	s2 =	sadd.s32 s3, s2  }
0x8d: {  	s2 =	sadd.s32 s2, s17  }
0x8e: {  	[smem:$0x3FBD] =	sst s2  }
0x8f: {  	_ = 	snop  }
0x90: {  	(tm) =	ssettm $0x1  }
0x91: {  	s18 =	sld [smem:$0x3FFB];
	_ =	sdelay $0x3  }
0x92: {  	_ =	strace s18  }
0x93: {  	s2 =	sld [smem:$0x3FFC];
	_ =	sdelay $0x3  }
0x94: {  	_ =	strace s2  }
0x95: {  	s2 =	sld [smem:$0x3FFD];
	_ =	sdelay $0x3  }
0x96: {  	_ =	strace s2  }
0x97: {  	_ =	strace $0x8FFFFFFF  }
0x98: {  	s19 =	sld [smem:$0x3FDB];
	_ =	sdelay $0x1  }
0x99: {  	s20 =	simm.s32 $_scs_section_size  }
0x9a: {  	s4 =	simm.s32 $_size__tile_overlayer_lowered;
	s5 =	simm.s32 $_tile_overlayer_lowered  }
0x9b: {  	s6 =	simm.s32 $0x1BFF;
	s21 =	sshll.u32 s5, $0x1;
	s3 =	sadd.s32 s20, s19  }
0x9c: {  	s22 =	simm.s32 $0x0;
	s4 =	sshll.u32 s4, $0x1;
	s5 =	sadd.s32 s21, s3  }
0x9d: {  	[timem:s22], [sflag:s6] =	dma.local [hbm:s5], s4  }
0x9e: {  	_ =	swait.ge [sflag:s6], s4  }
0x9f: {  	s4 =	ssub.s32 $0x0, s4;
	[sflag:s6] =	ssyncset.done $0x0  }
0xa0: {  	[sflag:s6] =	ssyncadd.s32 s4;
	_ =	sdelay $0x1  }
0xa1: {  	s23 =	simm.s32 $0x1B8B  }
0xa2: {  	_ =	swait.ge [sflag:s23], $0x1  }
0xa3: {  	[sflag:s23] =	ssyncset.done $0x0  }
0xa4: {  	[sflag:s23] =	ssyncadd.s32 $0xFFFFFFFF  }
0xa5: {  	s4 =	sld [smem:$0x0]  }
0xa6: {  	s5 =	sand.u32 $0xFFFFFFFE, s1  }
0xa7: {  	p0 =	sne.s32 s1, s5  }
0xa8: {  	s5 =	sshll.u32 @p0 s5, $0xE  }
0xa9: {  	s5 =	sadd.s32 @p0 $0x11B8D, s5;
	s6 =	sshll.u32 @p0 s4, $0x11  }
0xaa: {  	s5 =	sor.u32 @p0 s6, s5  }
0xab: {  	[sflag:s5] =	ssyncadd.remote.s32 @p0 $0x1;
	_ =	sdelay $0x1  }
0xac: {  	s5 =	simm.s32 @p0 $0x1B8D  }
0xad: {  	_ =	swait.eq @p0 [sflag:s5], $0x1  }
0xae: {  	[sflag:s5] =	ssyncadd.s32 @p0 $0xFFFFFFFF  }
0xaf: {  	s6 =	sshll.u32 @!p0 s1, $0xE  }
0xb0: {  	s6 =	sor.u32 @!p0 $0x4000, s6;
	s5 =	simm.s32 @!p0 $0x1B8D  }
0xb1: {  	s4 =	sshll.u32 @!p0 s4, $0x11;
	s6 =	sadd.s32 @!p0 $0x11B8D, s6;
	_ =	swait.eq @!p0 [sflag:s5], $0x1  }
0xb2: {  	s4 =	sor.u32 @!p0 s4, s6;
	[sflag:s5] =	ssyncadd.s32 @!p0 $0xFFFFFFFF  }
0xb3: {  	s25 =	simm.s32 $0x1B8E;
	s24 =	sld [smem:$0x3FFE];
	[sflag:s4] =	ssyncadd.remote.s32 @!p0 $0x1  }
0xb4: {  	s26 =	simm.s32 $execute0_lowered;
	[smem:$0x3FD2] =	sst s25  }
0xb5: {  	s5 =	sshll.u32 s26, $0x1;
	_ =	strace $0x80000049;
	[dreg:$0x1] =	wrdreg $0xFFFFFFFF  }
0xb6: {  	s28 =	simm.s32 $_size_execute0_lowered;
	s3 =	sadd.s32 s3, s5;
	[dreg:$0x0] =	wrdreg $0x0  }
0xb7: {  	s5 =	sshll.u32 s28, $0x1;
	[dreg:$0x2] =	wrdreg s3  }
0xb8: {  	[dreg:$0x3] =	wrdreg s5  }
0xb9: {  	[dreg:$0x4] =	wrdreg $0xC0  }
0xba: {  	_ =	task [dreg:s22], $0x5FFFF  }
0xbb: {  	[dreg:$0x1] =	wrdreg $0xFFFFFFFF  }
0xbc: {  	[dreg:$0x0] =	wrdreg $0x60  }
0xbd: {  	[dreg:$0x2] =	wrdreg s24  }
0xbe: {  	[dreg:$0x3] =	wrdreg $0x9  }
0xbf: {  	_ =	task.clear_ibuf [dreg:s22], $0x4FFFF;
	_ =	strace $0x90000049  }
0xc0: {  	s29 =	simm.s32 $0x9;
	_ =	strace $0x8000004B  }
0xc1: {  	_ =	swait.ge [sflag:s29], $0x1  }
0xc2: {  	[sflag:s29] =	ssyncadd.s32 $0xFFFFFFFF  }
0xc3: {  	_ =	strace $0x9000004B  }
0xc4: {  	_ =	sfence  }
0xc5: {  	s30 =	sld [smem:$0x0];
	_ =	sdelay $0x2  }
0xc6: {  	s31 =	sshll.u32 s1, $0xD;
	s1 =	sshrl.u32 s1, $0x2  }
0xc7: {  	s4 =	sand.u32 $0x4000, s31;
	s1 =	sadd.s32 s1, s30  }
0xc8: {  	s0 =	sor.u32 s4, s0;
	s1 =	sshll.u32 s1, $0x11  }
0xc9: {  	s0 =	sor.u32 s1, s0  }
0xca: {  	s0 =	sadd.s32 $0x8F2B, s0  }
0xcb: {  	[sflag:s0] =	ssyncadd.remote.s32 $0x1  }
0xcc: {  	_ =	sfence.sel $0xFFFF  }
0xcd: {  	[dreg:$0x0] =	wrdreg $0xFFFFFFFF;
	(pc) =	sbr.abs _section_cstart, $3  }
0xce: {  	[dreg:$0x1] =	wrdreg $0xFFFFFFFF  }
0xcf: {  	_ =	task.clear_ibuf [dreg:s22], $0x2FFFF;
	_ =	strace $0x9FFFFFFF  }
0xd0: {  	(tm) =	ssettm $0x7FFFFFFF  }
0xd1: {  	_ =	shalt  }
tec
execute0_lowered:
.L_overlay_start_1:
0x0: {  	(tag) =	ssettag $0x1  }
0x1: {  	s0 =	srdreg.scid  }
0x2: {  	s5 =	rddreg [dreg:$0x0];
	s3 =	sand.u32 $0x1, s0  }
0x3: {  	s0 =	stileid.u32;
	s4 =	smul.u32 $0x28000, s3  }
0x4: {  	s1 =	rddreg [dreg:$0x1];
	s2 =	simm.s32 $0x0;
	s6 =	smul.u32 $0x2800, s0  }
0x5: {  	s8 =	simm.s32 $0x1;
	s9 =	simm.s32 $0x0;
	s28 =	ssub.s32 $0x2, s3  }
0x6: {  	[smem:$0x7FF] =	sst s2;
	s30 =	sshrl.u32 s28, $0x1;
	s4 =	sadd.s32 s6, s4  }
0x7: {  	_ =	strace $0x8000004A;
	s31 =	ssub.s32 s28, s30;
	s29 =	sshrl.u32 s4, $0x3  }
0x8: {  	s3 =	sadd.s32 $0x2BA00, s5;
	s7 =	sadd.s32 s29, s5;
	s5 =	smax.u32 s31, $0x1  }
0x9: {  	v0 =	vimm.f32 $1.000000000e+00;
	s4 =	sadd.s32 $0xADA00, s7;
	s6 =	sadd.s32 $0xA3A00, s7;
	s7 =	simm.s32 $0x400  }
.LBB2_1:
0xa: {  	[tilespmem:s7], [sflag:$0x1] =	stream.linear.gather [hbm4b:s3+s2], $0x2800, $0x38;
	[tilespmem:$0x2C00] =	vst v63  }
0xb: {  	_ =	swait.ge [sflag:s8], $0x2800  }
0xc: {  	[sflag:s8] =	ssyncset.done $0x0  }
0xd: {  	s10 =	simm.s32 $0x0;
	[sflag:s8] =	ssyncadd.s32 $0xFFFFD800  }
.LBB2_2:
0xe: {  	s11 =	sadd.s32 s10, s6  }
0xf: {  	[tilespmem:s2], [sflag:$0x1] =	stream.linear.gather [hbm4b:s11+s2], $0x400, $0x38;
	[tilespmem:$0x2C00] =	vst v63  }
0x10: {  	_ =	swait.ge [sflag:s8], $0x400  }
0x11: {  	[sflag:s8] =	ssyncset.done $0x0  }
0x12: {  	[sflag:s8] =	ssyncadd.s32 $0xFFFFFC00  }
0x13: {  	v1 =	vld [tilespmem:$0x0];
	_ =	sdelay $0x7  }
0x14: {  	[tilespmem:v1+s7+$0x0] =	vst.idx.add.f32.msk $0xffff, v0  }
0x15: {  	v1 =	vld [tilespmem:$0x10];
	_ =	sdelay $0x7  }
0x16: {  	[tilespmem:v1+s7+$0x0] =	vst.idx.add.f32.msk $0xffff, v0  }
0x17: {  	v1 =	vld [tilespmem:$0x20];
	_ =	sdelay $0x7  }
0x18: {  	[tilespmem:v1+s7+$0x0] =	vst.idx.add.f32.msk $0xffff, v0  }
0x19: {  	v1 =	vld [tilespmem:$0x30];
	_ =	sdelay $0x7  }
0x1a: {  	[tilespmem:v1+s7+$0x0] =	vst.idx.add.f32.msk $0xffff, v0  }
0x1b: {  	v1 =	vld [tilespmem:$0x40];
	_ =	sdelay $0x7  }
0x1c: {  	[tilespmem:v1+s7+$0x0] =	vst.idx.add.f32.msk $0xffff, v0  }
0x1d: {  	v1 =	vld [tilespmem:$0x50];
	_ =	sdelay $0x7  }
0x1e: {  	[tilespmem:v1+s7+$0x0] =	vst.idx.add.f32.msk $0xffff, v0  }
0x1f: {  	v1 =	vld [tilespmem:$0x60];
	_ =	sdelay $0x7  }
0x20: {  	[tilespmem:v1+s7+$0x0] =	vst.idx.add.f32.msk $0xffff, v0  }
0x21: {  	v1 =	vld [tilespmem:$0x70];
	_ =	sdelay $0x7  }
0x22: {  	[tilespmem:v1+s7+$0x0] =	vst.idx.add.f32.msk $0xffff, v0  }
0x23: {  	v1 =	vld [tilespmem:$0x80];
	_ =	sdelay $0x7  }
0x24: {  	[tilespmem:v1+s7+$0x0] =	vst.idx.add.f32.msk $0xffff, v0  }
0x25: {  	v1 =	vld [tilespmem:$0x90];
	_ =	sdelay $0x7  }
0x26: {  	[tilespmem:v1+s7+$0x0] =	vst.idx.add.f32.msk $0xffff, v0  }
0x27: {  	v1 =	vld [tilespmem:$0xA0];
	_ =	sdelay $0x7  }
0x28: {  	[tilespmem:v1+s7+$0x0] =	vst.idx.add.f32.msk $0xffff, v0  }
0x29: {  	v1 =	vld [tilespmem:$0xB0];
	_ =	sdelay $0x7  }
0x2a: {  	[tilespmem:v1+s7+$0x0] =	vst.idx.add.f32.msk $0xffff, v0  }
0x2b: {  	v1 =	vld [tilespmem:$0xC0];
	_ =	sdelay $0x7  }
0x2c: {  	[tilespmem:v1+s7+$0x0] =	vst.idx.add.f32.msk $0xffff, v0  }
0x2d: {  	v1 =	vld [tilespmem:$0xD0];
	_ =	sdelay $0x7  }
0x2e: {  	[tilespmem:v1+s7+$0x0] =	vst.idx.add.f32.msk $0xffff, v0  }
0x2f: {  	v1 =	vld [tilespmem:$0xE0];
	_ =	sdelay $0x7  }
0x30: {  	[tilespmem:v1+s7+$0x0] =	vst.idx.add.f32.msk $0xffff, v0  }
0x31: {  	v1 =	vld [tilespmem:$0xF0];
	_ =	sdelay $0x7  }
0x32: {  	[tilespmem:v1+s7+$0x0] =	vst.idx.add.f32.msk $0xffff, v0  }
0x33: {  	v1 =	vld [tilespmem:$0x100];
	_ =	sdelay $0x7  }
0x34: {  	[tilespmem:v1+s7+$0x0] =	vst.idx.add.f32.msk $0xffff, v0  }
0x35: {  	v1 =	vld [tilespmem:$0x110];
	_ =	sdelay $0x7  }
0x36: {  	[tilespmem:v1+s7+$0x0] =	vst.idx.add.f32.msk $0xffff, v0  }
0x37: {  	v1 =	vld [tilespmem:$0x120];
	_ =	sdelay $0x7  }
0x38: {  	[tilespmem:v1+s7+$0x0] =	vst.idx.add.f32.msk $0xffff, v0  }
0x39: {  	v1 =	vld [tilespmem:$0x130];
	_ =	sdelay $0x7  }
0x3a: {  	[tilespmem:v1+s7+$0x0] =	vst.idx.add.f32.msk $0xffff, v0  }
0x3b: {  	v1 =	vld [tilespmem:$0x140];
	_ =	sdelay $0x7  }
0x3c: {  	[tilespmem:v1+s7+$0x0] =	vst.idx.add.f32.msk $0xffff, v0  }
0x3d: {  	v1 =	vld [tilespmem:$0x150];
	_ =	sdelay $0x7  }
0x3e: {  	[tilespmem:v1+s7+$0x0] =	vst.idx.add.f32.msk $0xffff, v0  }
0x3f: {  	v1 =	vld [tilespmem:$0x160];
	_ =	sdelay $0x7  }
0x40: {  	[tilespmem:v1+s7+$0x0] =	vst.idx.add.f32.msk $0xffff, v0  }
0x41: {  	v1 =	vld [tilespmem:$0x170];
	_ =	sdelay $0x7  }
0x42: {  	[tilespmem:v1+s7+$0x0] =	vst.idx.add.f32.msk $0xffff, v0  }
0x43: {  	v1 =	vld [tilespmem:$0x180];
	_ =	sdelay $0x7  }
0x44: {  	[tilespmem:v1+s7+$0x0] =	vst.idx.add.f32.msk $0xffff, v0  }
0x45: {  	v1 =	vld [tilespmem:$0x190];
	_ =	sdelay $0x7  }
0x46: {  	[tilespmem:v1+s7+$0x0] =	vst.idx.add.f32.msk $0xffff, v0  }
0x47: {  	v1 =	vld [tilespmem:$0x1A0];
	_ =	sdelay $0x7  }
0x48: {  	[tilespmem:v1+s7+$0x0] =	vst.idx.add.f32.msk $0xffff, v0  }
0x49: {  	v1 =	vld [tilespmem:$0x1B0];
	_ =	sdelay $0x7  }
0x4a: {  	[tilespmem:v1+s7+$0x0] =	vst.idx.add.f32.msk $0xffff, v0  }
0x4b: {  	v1 =	vld [tilespmem:$0x1C0];
	_ =	sdelay $0x7  }
0x4c: {  	[tilespmem:v1+s7+$0x0] =	vst.idx.add.f32.msk $0xffff, v0  }
0x4d: {  	v1 =	vld [tilespmem:$0x1D0];
	_ =	sdelay $0x7  }
0x4e: {  	[tilespmem:v1+s7+$0x0] =	vst.idx.add.f32.msk $0xffff, v0  }
0x4f: {  	v1 =	vld [tilespmem:$0x1E0];
	_ =	sdelay $0x7  }
0x50: {  	[tilespmem:v1+s7+$0x0] =	vst.idx.add.f32.msk $0xffff, v0  }
0x51: {  	v1 =	vld [tilespmem:$0x1F0];
	_ =	sdelay $0x7  }
0x52: {  	[tilespmem:v1+s7+$0x0] =	vst.idx.add.f32.msk $0xffff, v0  }
0x53: {  	v1 =	vld [tilespmem:$0x200];
	_ =	sdelay $0x7  }
0x54: {  	[tilespmem:v1+s7+$0x0] =	vst.idx.add.f32.msk $0xffff, v0  }
0x55: {  	v1 =	vld [tilespmem:$0x210];
	_ =	sdelay $0x7  }
0x56: {  	[tilespmem:v1+s7+$0x0] =	vst.idx.add.f32.msk $0xffff, v0  }
0x57: {  	v1 =	vld [tilespmem:$0x220];
	_ =	sdelay $0x7  }
0x58: {  	[tilespmem:v1+s7+$0x0] =	vst.idx.add.f32.msk $0xffff, v0  }
0x59: {  	v1 =	vld [tilespmem:$0x230];
	_ =	sdelay $0x7  }
0x5a: {  	[tilespmem:v1+s7+$0x0] =	vst.idx.add.f32.msk $0xffff, v0  }
0x5b: {  	v1 =	vld [tilespmem:$0x240];
	_ =	sdelay $0x7  }
0x5c: {  	[tilespmem:v1+s7+$0x0] =	vst.idx.add.f32.msk $0xffff, v0  }
0x5d: {  	v1 =	vld [tilespmem:$0x250];
	_ =	sdelay $0x7  }
0x5e: {  	[tilespmem:v1+s7+$0x0] =	vst.idx.add.f32.msk $0xffff, v0  }
0x5f: {  	v1 =	vld [tilespmem:$0x260];
	_ =	sdelay $0x7  }
0x60: {  	[tilespmem:v1+s7+$0x0] =	vst.idx.add.f32.msk $0xffff, v0  }
0x61: {  	v1 =	vld [tilespmem:$0x270];
	_ =	sdelay $0x7  }
0x62: {  	[tilespmem:v1+s7+$0x0] =	vst.idx.add.f32.msk $0xffff, v0  }
0x63: {  	v1 =	vld [tilespmem:$0x280];
	_ =	sdelay $0x7  }
0x64: {  	[tilespmem:v1+s7+$0x0] =	vst.idx.add.f32.msk $0xffff, v0  }
0x65: {  	v1 =	vld [tilespmem:$0x290];
	_ =	sdelay $0x7  }
0x66: {  	[tilespmem:v1+s7+$0x0] =	vst.idx.add.f32.msk $0xffff, v0  }
0x67: {  	v1 =	vld [tilespmem:$0x2A0];
	_ =	sdelay $0x7  }
0x68: {  	[tilespmem:v1+s7+$0x0] =	vst.idx.add.f32.msk $0xffff, v0  }
0x69: {  	v1 =	vld [tilespmem:$0x2B0];
	_ =	sdelay $0x7  }
0x6a: {  	[tilespmem:v1+s7+$0x0] =	vst.idx.add.f32.msk $0xffff, v0  }
0x6b: {  	v1 =	vld [tilespmem:$0x2C0];
	_ =	sdelay $0x7  }
0x6c: {  	[tilespmem:v1+s7+$0x0] =	vst.idx.add.f32.msk $0xffff, v0  }
0x6d: {  	v1 =	vld [tilespmem:$0x2D0];
	_ =	sdelay $0x7  }
0x6e: {  	[tilespmem:v1+s7+$0x0] =	vst.idx.add.f32.msk $0xffff, v0  }
0x6f: {  	v1 =	vld [tilespmem:$0x2E0];
	_ =	sdelay $0x7  }
0x70: {  	[tilespmem:v1+s7+$0x0] =	vst.idx.add.f32.msk $0xffff, v0  }
0x71: {  	v1 =	vld [tilespmem:$0x2F0];
	_ =	sdelay $0x7  }
0x72: {  	[tilespmem:v1+s7+$0x0] =	vst.idx.add.f32.msk $0xffff, v0  }
0x73: {  	v1 =	vld [tilespmem:$0x300];
	_ =	sdelay $0x7  }
0x74: {  	[tilespmem:v1+s7+$0x0] =	vst.idx.add.f32.msk $0xffff, v0  }
0x75: {  	v1 =	vld [tilespmem:$0x310];
	_ =	sdelay $0x7  }
0x76: {  	[tilespmem:v1+s7+$0x0] =	vst.idx.add.f32.msk $0xffff, v0  }
0x77: {  	v1 =	vld [tilespmem:$0x320];
	_ =	sdelay $0x7  }
0x78: {  	[tilespmem:v1+s7+$0x0] =	vst.idx.add.f32.msk $0xffff, v0  }
0x79: {  	v1 =	vld [tilespmem:$0x330];
	_ =	sdelay $0x7  }
0x7a: {  	[tilespmem:v1+s7+$0x0] =	vst.idx.add.f32.msk $0xffff, v0  }
0x7b: {  	v1 =	vld [tilespmem:$0x340];
	_ =	sdelay $0x7  }
0x7c: {  	[tilespmem:v1+s7+$0x0] =	vst.idx.add.f32.msk $0xffff, v0  }
0x7d: {  	v1 =	vld [tilespmem:$0x350];
	_ =	sdelay $0x7  }
0x7e: {  	[tilespmem:v1+s7+$0x0] =	vst.idx.add.f32.msk $0xffff, v0  }
0x7f: {  	v1 =	vld [tilespmem:$0x360];
	_ =	sdelay $0x7  }
0x80: {  	[tilespmem:v1+s7+$0x0] =	vst.idx.add.f32.msk $0xffff, v0  }
0x81: {  	v1 =	vld [tilespmem:$0x370];
	_ =	sdelay $0x7  }
0x82: {  	[tilespmem:v1+s7+$0x0] =	vst.idx.add.f32.msk $0xffff, v0  }
0x83: {  	v1 =	vld [tilespmem:$0x380];
	_ =	sdelay $0x7  }
0x84: {  	[tilespmem:v1+s7+$0x0] =	vst.idx.add.f32.msk $0xffff, v0  }
0x85: {  	v1 =	vld [tilespmem:$0x390];
	_ =	sdelay $0x7  }
0x86: {  	[tilespmem:v1+s7+$0x0] =	vst.idx.add.f32.msk $0xffff, v0  }
0x87: {  	v1 =	vld [tilespmem:$0x3A0];
	_ =	sdelay $0x7  }
0x88: {  	[tilespmem:v1+s7+$0x0] =	vst.idx.add.f32.msk $0xffff, v0  }
0x89: {  	v1 =	vld [tilespmem:$0x3B0];
	_ =	sdelay $0x7  }
0x8a: {  	[tilespmem:v1+s7+$0x0] =	vst.idx.add.f32.msk $0xffff, v0  }
0x8b: {  	v1 =	vld [tilespmem:$0x3C0];
	_ =	sdelay $0x7  }
0x8c: {  	[tilespmem:v1+s7+$0x0] =	vst.idx.add.f32.msk $0xffff, v0  }
0x8d: {  	v1 =	vld [tilespmem:$0x3D0];
	_ =	sdelay $0x7  }
0x8e: {  	[tilespmem:v1+s7+$0x0] =	vst.idx.add.f32.msk $0xffff, v0  }
0x8f: {  	v1 =	vld [tilespmem:$0x3E0];
	_ =	sdelay $0x7  }
0x90: {  	[tilespmem:v1+s7+$0x0] =	vst.idx.add.f32.msk $0xffff, v0  }
0x91: {  	v1 =	vld [tilespmem:$0x3F0];
	_ =	sdelay $0x2  }
0x92: {  	p0 =	sne.s32 s10, $0x480  }
.Ltmp0:
0x93: {  	_ = 	snop;
	(pc) =	sbr.rel @p0 .LBB2_2-.Ltmp0, $2  }
0x94: {  	_ =	sdelay $0x2  }
0x95: {  	s10 =	sadd.s32 $0x80, s10;
	[tilespmem:v1+s7+$0x0] =	vst.idx.add.f32.msk $0xffff, v0  }
0x96: {  	s9 =	sadd.s32 $0x1, s9  }
0x97: {  	p0 =	sne.s32 s9, s5  }
.Ltmp1:
0x98: {  	_ = 	snop;
	(pc) =	sbr.rel @p0 .LBB2_1-.Ltmp1, $4  }
0x99: {  	[hbm4b:s4+s2] =	stream.linear.scatter [tilespmem:s7], [sflag:$0x1], $0x2800, $0x38;
	[tilespmem:$0x2C00] =	vst v63  }
0x9a: {  	_ =	swait.ge [sflag:s8], $0x2800  }
0x9b: {  	[sflag:s8] =	ssyncset.done $0x0  }
0x9c: {  	[sflag:s8] =	ssyncadd.s32 $0xFFFFD800  }
0x9d: {  	_ =	sfence.sel $0x180000  }
0x9e: {  	[bflag:$0x0] =	sbarrier.arrive $0xFFFF  }
0x9f: {  	p0 =	sne.s32 s0, $0x0;
	_ =	strace $0x9000004A  }
0xa0: {  	s0 =	sadd.s32 @!p0 $0x100000, s1;
	[bflag:$0x2] =	sbarrier.arrive $0xFFFF  }
0xa1: {  	[sflag:s0] =	ssyncadd.tile.s32 @!p0 $0x1;
	_ =	shalt  }
.Lfunc_end2:
_tile_overlayer_lowered:
.L_overlay_start_2:
0xa2: {  	(tag) =	ssettag $0x2  }
0xa3: {  	s0 =	rddreg [dreg:$0x0];
	s2 =	stileid.u32  }
0xa4: {  	s1 =	rddreg [dreg:$0x1];
	p0 =	sne.s32 s2, $0x0  }
0xa5: {  	s3 =	rddreg [dreg:$0x2];
	[bflag:$0x3] =	sbarrier.arrive $0xFFFF;
	s2 =	simm.s32 @!p0 $0x1C01  }
0xa6: {  	[timem:s3], [sflag:s2] =	dma.local @!p0 [hbm:s0], s1  }
0xa7: {  	s0 =	simm.s32 @!p0 $0x1  }
0xa8: {  	_ =	swait.ge @!p0 [sflag:s0], s1  }
0xa9: {  	s1 =	ssub.s32 @!p0 $0x0, s1;
	[sflag:s0] =	ssyncset.done @!p0 $0x0  }
0xaa: {  	[sflag:s0] =	ssyncadd.s32 @!p0 s1  }
0xab: {  	[bflag:$0x3] =	sbarrier.arrive $0xFFFF  }
0xac: {  	_ =	shalt  }

</sc_bundles>
